<compile_context>
chip_gen: v7x
topology: tpu7x:2x2x1
jax: 0.10.2.dev20260603
libtpu: 0.0.44.dev20260713+nightly
codegen_flags: <defaults>
</compile_context>

<pallas_src>
import functools

import jax
import jax.numpy as jnp
from jax import lax
from jax.experimental import pallas as pl
from jax.experimental.pallas import tpu as pltpu
from jax.experimental.pallas import tpu_sc as plsc

_B = 512
_C = 2048
_N = 4096
_NBITS = 14
_M = 1 << _NBITS

_BN = 512

_NW = 32
_TOT = _B * _N
_PW = _TOT // _NW
_CH = 8192
_NCH = _PW // _CH
_SUB = 512
_NSUB = _CH // _SUB


def _addr_body(x_ref, w_ref, out_ref):
    w = w_ref[...]
    whi = jnp.floor(w * (1.0 / 128.0))
    wlo = w - whi * 128.0
    dims = (((1,), (1,)), ((), ()))
    lo = lax.dot_general(wlo.astype(jnp.bfloat16), x_ref[...], dims,
                         preferred_element_type=jnp.float32)
    hi = lax.dot_general(whi.astype(jnp.bfloat16), x_ref[...], dims,
                         preferred_element_type=jnp.float32)
    n0 = pl.program_id(0) * _BN
    n = lax.broadcasted_iota(jnp.int32, lo.shape, 0) + n0
    a = lo.astype(jnp.int32) + (hi.astype(jnp.int32) << 7)
    out_ref[...] = (((n >> 3) << 17) + ((a >> 7) << 10)
                    + ((n & 7) << 7) + (a & 127))


_addr_call = pl.pallas_call(
    _addr_body,
    grid=(_N // _BN,),
    in_specs=[
        pl.BlockSpec((_B, _C), lambda j: (0, 0)),
        pl.BlockSpec((_BN, _C), lambda j: (j, 0)),
    ],
    out_specs=pl.BlockSpec((_BN, _B), lambda j: (j, 0)),
    out_shape=jax.ShapeDtypeStruct((_N, _B), jnp.int32),
)


def _lookup_body(idx_hbm, mem_hbm, out_hbm, idx0, idx1, val0, val1,
                 sem0, sem1):
    wid = lax.axis_index("s") * 2 + lax.axis_index("c")
    base = wid * _PW

    def fire(i, idx_v, val_v, sem):
        o0 = base + i * _CH
        pltpu.sync_copy(idx_hbm.at[pl.ds(o0, _CH)], idx_v)
        for k in range(_NSUB):
            pltpu.async_copy(
                mem_hbm.at[idx_v.at[pl.ds(k * _SUB, _SUB)]],
                val_v.at[pl.ds(k * _SUB, _SUB)],
                sem,
            )

    def finish(i, val_v, sem):
        pltpu.make_async_copy(mem_hbm.at[pl.ds(0, _CH)], val_v, sem).wait()

        def inner(j, c):
            v = val_v[pl.ds(j * 16, 16)]
            one = jnp.full((16,), 1, jnp.int32)
            zero = jnp.zeros((16,), jnp.int32)
            val_v[pl.ds(j * 16, 16)] = jnp.where(v == one, one, zero)
            return c

        lax.fori_loop(0, _CH // 16, inner, 0, unroll=8)
        pltpu.sync_copy(val_v, out_hbm.at[pl.ds(base + i * _CH, _CH)])

    fire(0, idx0, val0, sem0)

    def pair(h, carry):
        i0 = 2 * h
        fire(i0 + 1, idx1, val1, sem1)
        finish(i0, val0, sem0)
        fire(i0 + 2, idx0, val0, sem0)
        finish(i0 + 1, val1, sem1)
        return carry

    lax.fori_loop(0, _NCH // 2 - 1, pair, 0)
    fire(_NCH - 1, idx1, val1, sem1)
    finish(_NCH - 2, val0, sem0)
    finish(_NCH - 1, val1, sem1)


_lookup_call = functools.partial(
    pl.kernel,
    mesh=plsc.VectorSubcoreMesh(core_axis_name="c", subcore_axis_name="s"),
    out_type=jax.ShapeDtypeStruct((_TOT,), jnp.int32),
    scratch_types=[
        pltpu.VMEM((_CH,), jnp.int32),
        pltpu.VMEM((_CH,), jnp.int32),
        pltpu.VMEM((_CH,), jnp.int32),
        pltpu.VMEM((_CH,), jnp.int32),
        pltpu.SemaphoreType.DMA,
        pltpu.SemaphoreType.DMA,
    ],
)(_lookup_body)


def kernel(input_bits, connections, memory):
    x = input_bits.astype(jnp.bfloat16)
    flat_c = (jnp.arange(_N, dtype=jnp.int32)[:, None] * _C
              + connections).reshape(_N * _NBITS)
    pw = jnp.broadcast_to(
        (1 << jnp.arange(_NBITS)).astype(jnp.float32)[None, :],
        (_N, _NBITS)).reshape(_N * _NBITS)
    w = (jnp.zeros((_N * _C,), jnp.float32).at[flat_c].add(pw)
         .reshape(_N, _C))

    idx = _addr_call(x, w)
    idx_flat = (idx.reshape(_N // 8, 8, _B // 128, 128)
                .transpose(0, 2, 1, 3).reshape(_TOT))
    mem_flat = (memory.reshape(_N // 8, 8, _M // 128, 128)
                .transpose(0, 2, 1, 3).reshape(_N * _M))
    vals = _lookup_call(idx_flat, mem_flat)
    out = (vals.reshape(_N // 8, _B // 128, 8, 128)
           .transpose(0, 2, 1, 3).reshape(_N, _B))
    return out.T.astype(jnp.bool_)

# --- scband reference (transcript-rebuilt; emitter-appended) ---
"""Pipeline reference for scband-ramlayer-24309514895617 (READ-ONLY COPY).

The authoritative reference and input builder live on the scoring server;
editing this copy changes nothing except your own understanding.
"""

import jax, jax.numpy as jnp
import numpy as np

TOTAL_INPUT_BITS = 2048
NUM_NEURONS = 4096
N_BITS = 14
BATCH = 512
MEM_SIZE = 2 ** N_BITS
# MemoryVal encoding inferred from resolve(): FALSE=0, TRUE=1, EMPTY=2
VAL_FALSE, VAL_TRUE, VAL_EMPTY = 0, 1, 2


def setup_inputs(seed: int = 0) -> dict:
    key = jax.random.key(seed)
    k1, k2, k3 = jax.random.split(key, 3)
    input_bits = jax.random.randint(k1, (BATCH, TOTAL_INPUT_BITS), 0, 2).astype(bool)
    # learned/structural parameters of Memory: random connections per neuron and the RAM table
    connections = jax.random.randint(k2, (NUM_NEURONS, N_BITS), 0, TOTAL_INPUT_BITS).astype(jnp.int32)
    memory = jax.random.randint(k3, (NUM_NEURONS, MEM_SIZE), 0, 3).astype(jnp.int32)  # values in {FALSE, TRUE, EMPTY}
    return {"input_bits": input_bits, "connections": connections, "memory": memory}


def reference(input_bits, connections, memory):
    # RAMLayer.forward -> Memory.__call__:
    # 1) gather each neuron's connected input bits: [B, num_neurons, n_bits]
    bits = jnp.take(input_bits.astype(jnp.int32), connections, axis=1)
    # 2) pack selected bits into a memory address (bit i -> weight 2**i, matching resolve()'s (addr >> shift) & 1 convention)
    shifts = jnp.arange(N_BITS, dtype=jnp.int32)
    addresses = jnp.sum(bits << shifts[None, None, :], axis=-1)  # [B, num_neurons]
    # 3) lookup memory cell per (neuron, address)
    neuron_idx = jnp.arange(NUM_NEURONS, dtype=jnp.int32)[None, :]
    vals = memory[neuron_idx, addresses]  # [B, num_neurons]
    # 4) boolean output: cell stores TRUE
    return vals == VAL_TRUE

if __name__ == "__main__":
    import jax
    _d = setup_inputs()
    print(jax.jit(kernel)(*tuple(_d.values())))

</pallas_src>

<mosaic_0001>
#map = affine_map<(d0, d1) -> (0)>
module attributes {stable_mosaic.version = 14 : i64} {
  func.func @_lookup_body(%arg0: i32, %arg1: i32, %arg2: memref<2097152xi32, #tpu.memory_space<hbm>>, %arg3: memref<67108864xi32, #tpu.memory_space<hbm>>, %arg4: memref<2097152xi32, #tpu.memory_space<hbm>>, %arg5: memref<8192xi32, #tpu.memory_space<vmem>>, %arg6: memref<8192xi32, #tpu.memory_space<vmem>>, %arg7: memref<8192xi32, #tpu.memory_space<vmem>>, %arg8: memref<8192xi32, #tpu.memory_space<vmem>>, %arg9: memref<!tpu.dma_semaphore, #tpu.memory_space<semaphore_mem>>, %arg10: memref<!tpu.dma_semaphore, #tpu.memory_space<semaphore_mem>>) attributes {dimension_semantics = [#tpu.dimension_semantics<core_parallel>, #tpu.dimension_semantics<subcore_parallel>], iteration_bounds = array<i64: 2, 16>, scalar_prefetch = 0 : i64, scratch_operands = 6 : i64, tpu.core_type = #tpu.core_type<sc_vector_subcore>, window_params = [{transform_indices = #map}, {transform_indices = #map}, {transform_indices = #map}]} {
    %mul3A = arith.constant 2 : i32
    %mul3A_0 = arith.muli %arg1, %mul3A : i32
    %add3A = arith.addi %mul3A_0, %arg0 : i32
    %mul3A_1 = arith.constant 65536 : i32
    %mul3A_2 = arith.muli %add3A, %mul3A_1 : i32
    %add3A_3 = arith.constant 0 : i32
    %add3A_4 = arith.addi %mul3A_2, %add3A_3 : i32
    "tpu.region"() ({
      %run_scoped3A = tpu.sem_alloc : memref<!tpu.dma_semaphore, #tpu.memory_space<semaphore_mem>>
      %dma_start3A_226 = tpu.memref_slice %arg2[%add3A_4] : memref<2097152xi32, #tpu.memory_space<hbm>> -> memref<8192xi32, #tpu.memory_space<hbm>>
      %dma_start3A_227 = tpu.memref_slice %arg2[%add3A_4] : memref<2097152xi32, #tpu.memory_space<hbm>> -> memref<8192xi32, #tpu.memory_space<hbm>>
      tpu.enqueue_dma source(%dma_start3A_227 : memref<8192xi32, #tpu.memory_space<hbm>>) target(%arg5 : memref<8192xi32, #tpu.memory_space<vmem>>) target_semaphore(%run_scoped3A : memref<!tpu.dma_semaphore, #tpu.memory_space<semaphore_mem>>)
      %dma_wait3A_228 = tpu.memref_slice %arg2[%add3A_4] : memref<2097152xi32, #tpu.memory_space<hbm>> -> memref<8192xi32, #tpu.memory_space<hbm>>
      %dma_wait3A_229 = tpu.memref_slice %arg2[%add3A_4] : memref<2097152xi32, #tpu.memory_space<hbm>> -> memref<8192xi32, #tpu.memory_space<hbm>>
      tpu.wait_dma2 semaphore(%run_scoped3A : memref<!tpu.dma_semaphore, #tpu.memory_space<semaphore_mem>>) src(%dma_wait3A_229 : memref<8192xi32, #tpu.memory_space<hbm>>) dst(%arg5 : memref<8192xi32, #tpu.memory_space<vmem>>)
      tpu.yield
    }) : () -> ()
    %dma_start3A = arith.constant 0 : i32
    %dma_start3A_5 = tpu.memref_slice %arg7[%dma_start3A] : memref<8192xi32, #tpu.memory_space<vmem>> -> memref<512xi32, #tpu.memory_space<vmem>>
    %dma_start3A_6 = arith.constant 0 : i32
    %dma_start3A_7 = tpu.memref_slice %arg5[%dma_start3A_6] : memref<8192xi32, #tpu.memory_space<vmem>> -> memref<512xi32, #tpu.memory_space<vmem>>
    %dma_start3A_8 = arith.constant 0 : i32
    %dma_start3A_9 = tpu.memref_slice %arg3[%dma_start3A_8] : memref<67108864xi32, #tpu.memory_space<hbm>> -> memref<67108864xi32, #tpu.memory_space<hbm>>
    tpu.enqueue_indirect_dma source(%dma_start3A_9 : memref<67108864xi32, #tpu.memory_space<hbm>>) target(%dma_start3A_5 : memref<512xi32, #tpu.memory_space<vmem>>) offsets(%dma_start3A_7 : memref<512xi32, #tpu.memory_space<vmem>>) semaphore(%arg9 : memref<!tpu.dma_semaphore, #tpu.memory_space<semaphore_mem>>)
    %dma_start3A_10 = arith.constant 512 : i32
    %dma_start3A_11 = tpu.memref_slice %arg7[%dma_start3A_10] : memref<8192xi32, #tpu.memory_space<vmem>> -> memref<512xi32, #tpu.memory_space<vmem>>
    %dma_start3A_12 = arith.constant 512 : i32
    %dma_start3A_13 = tpu.memref_slice %arg5[%dma_start3A_12] : memref<8192xi32, #tpu.memory_space<vmem>> -> memref<512xi32, #tpu.memory_space<vmem>>
    %dma_start3A_14 = arith.constant 0 : i32
    %dma_start3A_15 = tpu.memref_slice %arg3[%dma_start3A_14] : memref<67108864xi32, #tpu.memory_space<hbm>> -> memref<67108864xi32, #tpu.memory_space<hbm>>
    tpu.enqueue_indirect_dma source(%dma_start3A_15 : memref<67108864xi32, #tpu.memory_space<hbm>>) target(%dma_start3A_11 : memref<512xi32, #tpu.memory_space<vmem>>) offsets(%dma_start3A_13 : memref<512xi32, #tpu.memory_space<vmem>>) semaphore(%arg9 : memref<!tpu.dma_semaphore, #tpu.memory_space<semaphore_mem>>)
    %dma_start3A_16 = arith.constant 1024 : i32
    %dma_start3A_17 = tpu.memref_slice %arg7[%dma_start3A_16] : memref<8192xi32, #tpu.memory_space<vmem>> -> memref<512xi32, #tpu.memory_space<vmem>>
    %dma_start3A_18 = arith.constant 1024 : i32
    %dma_start3A_19 = tpu.memref_slice %arg5[%dma_start3A_18] : memref<8192xi32, #tpu.memory_space<vmem>> -> memref<512xi32, #tpu.memory_space<vmem>>
    %dma_start3A_20 = arith.constant 0 : i32
    %dma_start3A_21 = tpu.memref_slice %arg3[%dma_start3A_20] : memref<67108864xi32, #tpu.memory_space<hbm>> -> memref<67108864xi32, #tpu.memory_space<hbm>>
    tpu.enqueue_indirect_dma source(%dma_start3A_21 : memref<67108864xi32, #tpu.memory_space<hbm>>) target(%dma_start3A_17 : memref<512xi32, #tpu.memory_space<vmem>>) offsets(%dma_start3A_19 : memref<512xi32, #tpu.memory_space<vmem>>) semaphore(%arg9 : memref<!tpu.dma_semaphore, #tpu.memory_space<semaphore_mem>>)
    %dma_start3A_22 = arith.constant 1536 : i32
    %dma_start3A_23 = tpu.memref_slice %arg7[%dma_start3A_22] : memref<8192xi32, #tpu.memory_space<vmem>> -> memref<512xi32, #tpu.memory_space<vmem>>
    %dma_start3A_24 = arith.constant 1536 : i32
    %dma_start3A_25 = tpu.memref_slice %arg5[%dma_start3A_24] : memref<8192xi32, #tpu.memory_space<vmem>> -> memref<512xi32, #tpu.memory_space<vmem>>
    %dma_start3A_26 = arith.constant 0 : i32
    %dma_start3A_27 = tpu.memref_slice %arg3[%dma_start3A_26] : memref<67108864xi32, #tpu.memory_space<hbm>> -> memref<67108864xi32, #tpu.memory_space<hbm>>
    tpu.enqueue_indirect_dma source(%dma_start3A_27 : memref<67108864xi32, #tpu.memory_space<hbm>>) target(%dma_start3A_23 : memref<512xi32, #tpu.memory_space<vmem>>) offsets(%dma_start3A_25 : memref<512xi32, #tpu.memory_space<vmem>>) semaphore(%arg9 : memref<!tpu.dma_semaphore, #tpu.memory_space<semaphore_mem>>)
    %dma_start3A_28 = arith.constant 2048 : i32
    %dma_start3A_29 = tpu.memref_slice %arg7[%dma_start3A_28] : memref<8192xi32, #tpu.memory_space<vmem>> -> memref<512xi32, #tpu.memory_space<vmem>>
    %dma_start3A_30 = arith.constant 2048 : i32
    %dma_start3A_31 = tpu.memref_slice %arg5[%dma_start3A_30] : memref<8192xi32, #tpu.memory_space<vmem>> -> memref<512xi32, #tpu.memory_space<vmem>>
    %dma_start3A_32 = arith.constant 0 : i32
    %dma_start3A_33 = tpu.memref_slice %arg3[%dma_start3A_32] : memref<67108864xi32, #tpu.memory_space<hbm>> -> memref<67108864xi32, #tpu.memory_space<hbm>>
    tpu.enqueue_indirect_dma source(%dma_start3A_33 : memref<67108864xi32, #tpu.memory_space<hbm>>) target(%dma_start3A_29 : memref<512xi32, #tpu.memory_space<vmem>>) offsets(%dma_start3A_31 : memref<512xi32, #tpu.memory_space<vmem>>) semaphore(%arg9 : memref<!tpu.dma_semaphore, #tpu.memory_space<semaphore_mem>>)
    %dma_start3A_34 = arith.constant 2560 : i32
    %dma_start3A_35 = tpu.memref_slice %arg7[%dma_start3A_34] : memref<8192xi32, #tpu.memory_space<vmem>> -> memref<512xi32, #tpu.memory_space<vmem>>
    %dma_start3A_36 = arith.constant 2560 : i32
    %dma_start3A_37 = tpu.memref_slice %arg5[%dma_start3A_36] : memref<8192xi32, #tpu.memory_space<vmem>> -> memref<512xi32, #tpu.memory_space<vmem>>
    %dma_start3A_38 = arith.constant 0 : i32
    %dma_start3A_39 = tpu.memref_slice %arg3[%dma_start3A_38] : memref<67108864xi32, #tpu.memory_space<hbm>> -> memref<67108864xi32, #tpu.memory_space<hbm>>
    tpu.enqueue_indirect_dma source(%dma_start3A_39 : memref<67108864xi32, #tpu.memory_space<hbm>>) target(%dma_start3A_35 : memref<512xi32, #tpu.memory_space<vmem>>) offsets(%dma_start3A_37 : memref<512xi32, #tpu.memory_space<vmem>>) semaphore(%arg9 : memref<!tpu.dma_semaphore, #tpu.memory_space<semaphore_mem>>)
    %dma_start3A_40 = arith.constant 3072 : i32
    %dma_start3A_41 = tpu.memref_slice %arg7[%dma_start3A_40] : memref<8192xi32, #tpu.memory_space<vmem>> -> memref<512xi32, #tpu.memory_space<vmem>>
    %dma_start3A_42 = arith.constant 3072 : i32
    %dma_start3A_43 = tpu.memref_slice %arg5[%dma_start3A_42] : memref<8192xi32, #tpu.memory_space<vmem>> -> memref<512xi32, #tpu.memory_space<vmem>>
    %dma_start3A_44 = arith.constant 0 : i32
    %dma_start3A_45 = tpu.memref_slice %arg3[%dma_start3A_44] : memref<67108864xi32, #tpu.memory_space<hbm>> -> memref<67108864xi32, #tpu.memory_space<hbm>>
    tpu.enqueue_indirect_dma source(%dma_start3A_45 : memref<67108864xi32, #tpu.memory_space<hbm>>) target(%dma_start3A_41 : memref<512xi32, #tpu.memory_space<vmem>>) offsets(%dma_start3A_43 : memref<512xi32, #tpu.memory_space<vmem>>) semaphore(%arg9 : memref<!tpu.dma_semaphore, #tpu.memory_space<semaphore_mem>>)
    %dma_start3A_46 = arith.constant 3584 : i32
    %dma_start3A_47 = tpu.memref_slice %arg7[%dma_start3A_46] : memref<8192xi32, #tpu.memory_space<vmem>> -> memref<512xi32, #tpu.memory_space<vmem>>
    %dma_start3A_48 = arith.constant 3584 : i32
    %dma_start3A_49 = tpu.memref_slice %arg5[%dma_start3A_48] : memref<8192xi32, #tpu.memory_space<vmem>> -> memref<512xi32, #tpu.memory_space<vmem>>
    %dma_start3A_50 = arith.constant 0 : i32
    %dma_start3A_51 = tpu.memref_slice %arg3[%dma_start3A_50] : memref<67108864xi32, #tpu.memory_space<hbm>> -> memref<67108864xi32, #tpu.memory_space<hbm>>
    tpu.enqueue_indirect_dma source(%dma_start3A_51 : memref<67108864xi32, #tpu.memory_space<hbm>>) target(%dma_start3A_47 : memref<512xi32, #tpu.memory_space<vmem>>) offsets(%dma_start3A_49 : memref<512xi32, #tpu.memory_space<vmem>>) semaphore(%arg9 : memref<!tpu.dma_semaphore, #tpu.memory_space<semaphore_mem>>)
    %dma_start3A_52 = arith.constant 4096 : i32
    %dma_start3A_53 = tpu.memref_slice %arg7[%dma_start3A_52] : memref<8192xi32, #tpu.memory_space<vmem>> -> memref<512xi32, #tpu.memory_space<vmem>>
    %dma_start3A_54 = arith.constant 4096 : i32
    %dma_start3A_55 = tpu.memref_slice %arg5[%dma_start3A_54] : memref<8192xi32, #tpu.memory_space<vmem>> -> memref<512xi32, #tpu.memory_space<vmem>>
    %dma_start3A_56 = arith.constant 0 : i32
    %dma_start3A_57 = tpu.memref_slice %arg3[%dma_start3A_56] : memref<67108864xi32, #tpu.memory_space<hbm>> -> memref<67108864xi32, #tpu.memory_space<hbm>>
    tpu.enqueue_indirect_dma source(%dma_start3A_57 : memref<67108864xi32, #tpu.memory_space<hbm>>) target(%dma_start3A_53 : memref<512xi32, #tpu.memory_space<vmem>>) offsets(%dma_start3A_55 : memref<512xi32, #tpu.memory_space<vmem>>) semaphore(%arg9 : memref<!tpu.dma_semaphore, #tpu.memory_space<semaphore_mem>>)
    %dma_start3A_58 = arith.constant 4608 : i32
    %dma_start3A_59 = tpu.memref_slice %arg7[%dma_start3A_58] : memref<8192xi32, #tpu.memory_space<vmem>> -> memref<512xi32, #tpu.memory_space<vmem>>
    %dma_start3A_60 = arith.constant 4608 : i32
    %dma_start3A_61 = tpu.memref_slice %arg5[%dma_start3A_60] : memref<8192xi32, #tpu.memory_space<vmem>> -> memref<512xi32, #tpu.memory_space<vmem>>
    %dma_start3A_62 = arith.constant 0 : i32
    %dma_start3A_63 = tpu.memref_slice %arg3[%dma_start3A_62] : memref<67108864xi32, #tpu.memory_space<hbm>> -> memref<67108864xi32, #tpu.memory_space<hbm>>
    tpu.enqueue_indirect_dma source(%dma_start3A_63 : memref<67108864xi32, #tpu.memory_space<hbm>>) target(%dma_start3A_59 : memref<512xi32, #tpu.memory_space<vmem>>) offsets(%dma_start3A_61 : memref<512xi32, #tpu.memory_space<vmem>>) semaphore(%arg9 : memref<!tpu.dma_semaphore, #tpu.memory_space<semaphore_mem>>)
    %dma_start3A_64 = arith.constant 5120 : i32
    %dma_start3A_65 = tpu.memref_slice %arg7[%dma_start3A_64] : memref<8192xi32, #tpu.memory_space<vmem>> -> memref<512xi32, #tpu.memory_space<vmem>>
    %dma_start3A_66 = arith.constant 5120 : i32
    %dma_start3A_67 = tpu.memref_slice %arg5[%dma_start3A_66] : memref<8192xi32, #tpu.memory_space<vmem>> -> memref<512xi32, #tpu.memory_space<vmem>>
    %dma_start3A_68 = arith.constant 0 : i32
    %dma_start3A_69 = tpu.memref_slice %arg3[%dma_start3A_68] : memref<67108864xi32, #tpu.memory_space<hbm>> -> memref<67108864xi32, #tpu.memory_space<hbm>>
    tpu.enqueue_indirect_dma source(%dma_start3A_69 : memref<67108864xi32, #tpu.memory_space<hbm>>) target(%dma_start3A_65 : memref<512xi32, #tpu.memory_space<vmem>>) offsets(%dma_start3A_67 : memref<512xi32, #tpu.memory_space<vmem>>) semaphore(%arg9 : memref<!tpu.dma_semaphore, #tpu.memory_space<semaphore_mem>>)
    %dma_start3A_70 = arith.constant 5632 : i32
    %dma_start3A_71 = tpu.memref_slice %arg7[%dma_start3A_70] : memref<8192xi32, #tpu.memory_space<vmem>> -> memref<512xi32, #tpu.memory_space<vmem>>
    %dma_start3A_72 = arith.constant 5632 : i32
    %dma_start3A_73 = tpu.memref_slice %arg5[%dma_start3A_72] : memref<8192xi32, #tpu.memory_space<vmem>> -> memref<512xi32, #tpu.memory_space<vmem>>
    %dma_start3A_74 = arith.constant 0 : i32
    %dma_start3A_75 = tpu.memref_slice %arg3[%dma_start3A_74] : memref<67108864xi32, #tpu.memory_space<hbm>> -> memref<67108864xi32, #tpu.memory_space<hbm>>
    tpu.enqueue_indirect_dma source(%dma_start3A_75 : memref<67108864xi32, #tpu.memory_space<hbm>>) target(%dma_start3A_71 : memref<512xi32, #tpu.memory_space<vmem>>) offsets(%dma_start3A_73 : memref<512xi32, #tpu.memory_space<vmem>>) semaphore(%arg9 : memref<!tpu.dma_semaphore, #tpu.memory_space<semaphore_mem>>)
    %dma_start3A_76 = arith.constant 6144 : i32
    %dma_start3A_77 = tpu.memref_slice %arg7[%dma_start3A_76] : memref<8192xi32, #tpu.memory_space<vmem>> -> memref<512xi32, #tpu.memory_space<vmem>>
    %dma_start3A_78 = arith.constant 6144 : i32
    %dma_start3A_79 = tpu.memref_slice %arg5[%dma_start3A_78] : memref<8192xi32, #tpu.memory_space<vmem>> -> memref<512xi32, #tpu.memory_space<vmem>>
    %dma_start3A_80 = arith.constant 0 : i32
    %dma_start3A_81 = tpu.memref_slice %arg3[%dma_start3A_80] : memref<67108864xi32, #tpu.memory_space<hbm>> -> memref<67108864xi32, #tpu.memory_space<hbm>>
    tpu.enqueue_indirect_dma source(%dma_start3A_81 : memref<67108864xi32, #tpu.memory_space<hbm>>) target(%dma_start3A_77 : memref<512xi32, #tpu.memory_space<vmem>>) offsets(%dma_start3A_79 : memref<512xi32, #tpu.memory_space<vmem>>) semaphore(%arg9 : memref<!tpu.dma_semaphore, #tpu.memory_space<semaphore_mem>>)
    %dma_start3A_82 = arith.constant 6656 : i32
    %dma_start3A_83 = tpu.memref_slice %arg7[%dma_start3A_82] : memref<8192xi32, #tpu.memory_space<vmem>> -> memref<512xi32, #tpu.memory_space<vmem>>
    %dma_start3A_84 = arith.constant 6656 : i32
    %dma_start3A_85 = tpu.memref_slice %arg5[%dma_start3A_84] : memref<8192xi32, #tpu.memory_space<vmem>> -> memref<512xi32, #tpu.memory_space<vmem>>
    %dma_start3A_86 = arith.constant 0 : i32
    %dma_start3A_87 = tpu.memref_slice %arg3[%dma_start3A_86] : memref<67108864xi32, #tpu.memory_space<hbm>> -> memref<67108864xi32, #tpu.memory_space<hbm>>
    tpu.enqueue_indirect_dma source(%dma_start3A_87 : memref<67108864xi32, #tpu.memory_space<hbm>>) target(%dma_start3A_83 : memref<512xi32, #tpu.memory_space<vmem>>) offsets(%dma_start3A_85 : memref<512xi32, #tpu.memory_space<vmem>>) semaphore(%arg9 : memref<!tpu.dma_semaphore, #tpu.memory_space<semaphore_mem>>)
    %dma_start3A_88 = arith.constant 7168 : i32
    %dma_start3A_89 = tpu.memref_slice %arg7[%dma_start3A_88] : memref<8192xi32, #tpu.memory_space<vmem>> -> memref<512xi32, #tpu.memory_space<vmem>>
    %dma_start3A_90 = arith.constant 7168 : i32
    %dma_start3A_91 = tpu.memref_slice %arg5[%dma_start3A_90] : memref<8192xi32, #tpu.memory_space<vmem>> -> memref<512xi32, #tpu.memory_space<vmem>>
    %dma_start3A_92 = arith.constant 0 : i32
    %dma_start3A_93 = tpu.memref_slice %arg3[%dma_start3A_92] : memref<67108864xi32, #tpu.memory_space<hbm>> -> memref<67108864xi32, #tpu.memory_space<hbm>>
    tpu.enqueue_indirect_dma source(%dma_start3A_93 : memref<67108864xi32, #tpu.memory_space<hbm>>) target(%dma_start3A_89 : memref<512xi32, #tpu.memory_space<vmem>>) offsets(%dma_start3A_91 : memref<512xi32, #tpu.memory_space<vmem>>) semaphore(%arg9 : memref<!tpu.dma_semaphore, #tpu.memory_space<semaphore_mem>>)
    %dma_start3A_94 = arith.constant 7680 : i32
    %dma_start3A_95 = tpu.memref_slice %arg7[%dma_start3A_94] : memref<8192xi32, #tpu.memory_space<vmem>> -> memref<512xi32, #tpu.memory_space<vmem>>
    %dma_start3A_96 = arith.constant 7680 : i32
    %dma_start3A_97 = tpu.memref_slice %arg5[%dma_start3A_96] : memref<8192xi32, #tpu.memory_space<vmem>> -> memref<512xi32, #tpu.memory_space<vmem>>
    %dma_start3A_98 = arith.constant 0 : i32
    %dma_start3A_99 = tpu.memref_slice %arg3[%dma_start3A_98] : memref<67108864xi32, #tpu.memory_space<hbm>> -> memref<67108864xi32, #tpu.memory_space<hbm>>
    tpu.enqueue_indirect_dma source(%dma_start3A_99 : memref<67108864xi32, #tpu.memory_space<hbm>>) target(%dma_start3A_95 : memref<512xi32, #tpu.memory_space<vmem>>) offsets(%dma_start3A_97 : memref<512xi32, #tpu.memory_space<vmem>>) semaphore(%arg9 : memref<!tpu.dma_semaphore, #tpu.memory_space<semaphore_mem>>)
    %scan3A = arith.constant 0 : i32
    %scan3A_100 = arith.constant 0 : i32
    %scan3A_101 = arith.constant 3 : i32
    %scan3A_102 = arith.addi %scan3A_100, %scan3A_101 : i32
    %scan3A_103 = arith.constant 1 : i32
    scf.for %scan3A_226 = %scan3A_100 to %scan3A_102 step %scan3A_103  : i32 {
      %mul3A_227 = arith.constant 2 : i32
      %mul3A_228 = arith.muli %mul3A_227, %scan3A_226 : i32
      %add3A_229 = arith.constant 1 : i32
      %add3A_230 = arith.addi %mul3A_228, %add3A_229 : i32
      %mul3A_231 = arith.constant 8192 : i32
      %mul3A_232 = arith.muli %add3A_230, %mul3A_231 : i32
      %add3A_233 = arith.addi %mul3A_2, %mul3A_232 : i32
      "tpu.region"() ({
        %run_scoped3A = tpu.sem_alloc : memref<!tpu.dma_semaphore, #tpu.memory_space<semaphore_mem>>
        %dma_start3A_459 = tpu.memref_slice %arg2[%add3A_233] : memref<2097152xi32, #tpu.memory_space<hbm>> -> memref<8192xi32, #tpu.memory_space<hbm>>
        %dma_start3A_460 = tpu.memref_slice %arg2[%add3A_233] : memref<2097152xi32, #tpu.memory_space<hbm>> -> memref<8192xi32, #tpu.memory_space<hbm>>
        tpu.enqueue_dma source(%dma_start3A_460 : memref<8192xi32, #tpu.memory_space<hbm>>) target(%arg6 : memref<8192xi32, #tpu.memory_space<vmem>>) target_semaphore(%run_scoped3A : memref<!tpu.dma_semaphore, #tpu.memory_space<semaphore_mem>>)
        %dma_wait3A_461 = tpu.memref_slice %arg2[%add3A_233] : memref<2097152xi32, #tpu.memory_space<hbm>> -> memref<8192xi32, #tpu.memory_space<hbm>>
        %dma_wait3A_462 = tpu.memref_slice %arg2[%add3A_233] : memref<2097152xi32, #tpu.memory_space<hbm>> -> memref<8192xi32, #tpu.memory_space<hbm>>
        tpu.wait_dma2 semaphore(%run_scoped3A : memref<!tpu.dma_semaphore, #tpu.memory_space<semaphore_mem>>) src(%dma_wait3A_462 : memref<8192xi32, #tpu.memory_space<hbm>>) dst(%arg6 : memref<8192xi32, #tpu.memory_space<vmem>>)
        tpu.yield
      }) : () -> ()
      %dma_start3A_234 = arith.constant 0 : i32
      %dma_start3A_235 = tpu.memref_slice %arg8[%dma_start3A_234] : memref<8192xi32, #tpu.memory_space<vmem>> -> memref<512xi32, #tpu.memory_space<vmem>>
      %dma_start3A_236 = arith.constant 0 : i32
      %dma_start3A_237 = tpu.memref_slice %arg6[%dma_start3A_236] : memref<8192xi32, #tpu.memory_space<vmem>> -> memref<512xi32, #tpu.memory_space<vmem>>
      %dma_start3A_238 = arith.constant 0 : i32
      %dma_start3A_239 = tpu.memref_slice %arg3[%dma_start3A_238] : memref<67108864xi32, #tpu.memory_space<hbm>> -> memref<67108864xi32, #tpu.memory_space<hbm>>
      tpu.enqueue_indirect_dma source(%dma_start3A_239 : memref<67108864xi32, #tpu.memory_space<hbm>>) target(%dma_start3A_235 : memref<512xi32, #tpu.memory_space<vmem>>) offsets(%dma_start3A_237 : memref<512xi32, #tpu.memory_space<vmem>>) semaphore(%arg10 : memref<!tpu.dma_semaphore, #tpu.memory_space<semaphore_mem>>)
      %dma_start3A_240 = arith.constant 512 : i32
      %dma_start3A_241 = tpu.memref_slice %arg8[%dma_start3A_240] : memref<8192xi32, #tpu.memory_space<vmem>> -> memref<512xi32, #tpu.memory_space<vmem>>
      %dma_start3A_242 = arith.constant 512 : i32
      %dma_start3A_243 = tpu.memref_slice %arg6[%dma_start3A_242] : memref<8192xi32, #tpu.memory_space<vmem>> -> memref<512xi32, #tpu.memory_space<vmem>>
      %dma_start3A_244 = arith.constant 0 : i32
      %dma_start3A_245 = tpu.memref_slice %arg3[%dma_start3A_244] : memref<67108864xi32, #tpu.memory_space<hbm>> -> memref<67108864xi32, #tpu.memory_space<hbm>>
      tpu.enqueue_indirect_dma source(%dma_start3A_245 : memref<67108864xi32, #tpu.memory_space<hbm>>) target(%dma_start3A_241 : memref<512xi32, #tpu.memory_space<vmem>>) offsets(%dma_start3A_243 : memref<512xi32, #tpu.memory_space<vmem>>) semaphore(%arg10 : memref<!tpu.dma_semaphore, #tpu.memory_space<semaphore_mem>>)
      %dma_start3A_246 = arith.constant 1024 : i32
      %dma_start3A_247 = tpu.memref_slice %arg8[%dma_start3A_246] : memref<8192xi32, #tpu.memory_space<vmem>> -> memref<512xi32, #tpu.memory_space<vmem>>
      %dma_start3A_248 = arith.constant 1024 : i32
      %dma_start3A_249 = tpu.memref_slice %arg6[%dma_start3A_248] : memref<8192xi32, #tpu.memory_space<vmem>> -> memref<512xi32, #tpu.memory_space<vmem>>
      %dma_start3A_250 = arith.constant 0 : i32
      %dma_start3A_251 = tpu.memref_slice %arg3[%dma_start3A_250] : memref<67108864xi32, #tpu.memory_space<hbm>> -> memref<67108864xi32, #tpu.memory_space<hbm>>
      tpu.enqueue_indirect_dma source(%dma_start3A_251 : memref<67108864xi32, #tpu.memory_space<hbm>>) target(%dma_start3A_247 : memref<512xi32, #tpu.memory_space<vmem>>) offsets(%dma_start3A_249 : memref<512xi32, #tpu.memory_space<vmem>>) semaphore(%arg10 : memref<!tpu.dma_semaphore, #tpu.memory_space<semaphore_mem>>)
      %dma_start3A_252 = arith.constant 1536 : i32
      %dma_start3A_253 = tpu.memref_slice %arg8[%dma_start3A_252] : memref<8192xi32, #tpu.memory_space<vmem>> -> memref<512xi32, #tpu.memory_space<vmem>>
      %dma_start3A_254 = arith.constant 1536 : i32
      %dma_start3A_255 = tpu.memref_slice %arg6[%dma_start3A_254] : memref<8192xi32, #tpu.memory_space<vmem>> -> memref<512xi32, #tpu.memory_space<vmem>>
      %dma_start3A_256 = arith.constant 0 : i32
      %dma_start3A_257 = tpu.memref_slice %arg3[%dma_start3A_256] : memref<67108864xi32, #tpu.memory_space<hbm>> -> memref<67108864xi32, #tpu.memory_space<hbm>>
      tpu.enqueue_indirect_dma source(%dma_start3A_257 : memref<67108864xi32, #tpu.memory_space<hbm>>) target(%dma_start3A_253 : memref<512xi32, #tpu.memory_space<vmem>>) offsets(%dma_start3A_255 : memref<512xi32, #tpu.memory_space<vmem>>) semaphore(%arg10 : memref<!tpu.dma_semaphore, #tpu.memory_space<semaphore_mem>>)
      %dma_start3A_258 = arith.constant 2048 : i32
      %dma_start3A_259 = tpu.memref_slice %arg8[%dma_start3A_258] : memref<8192xi32, #tpu.memory_space<vmem>> -> memref<512xi32, #tpu.memory_space<vmem>>
      %dma_start3A_260 = arith.constant 2048 : i32
      %dma_start3A_261 = tpu.memref_slice %arg6[%dma_start3A_260] : memref<8192xi32, #tpu.memory_space<vmem>> -> memref<512xi32, #tpu.memory_space<vmem>>
      %dma_start3A_262 = arith.constant 0 : i32
      %dma_start3A_263 = tpu.memref_slice %arg3[%dma_start3A_262] : memref<67108864xi32, #tpu.memory_space<hbm>> -> memref<67108864xi32, #tpu.memory_space<hbm>>
      tpu.enqueue_indirect_dma source(%dma_start3A_263 : memref<67108864xi32, #tpu.memory_space<hbm>>) target(%dma_start3A_259 : memref<512xi32, #tpu.memory_space<vmem>>) offsets(%dma_start3A_261 : memref<512xi32, #tpu.memory_space<vmem>>) semaphore(%arg10 : memref<!tpu.dma_semaphore, #tpu.memory_space<semaphore_mem>>)
      %dma_start3A_264 = arith.constant 2560 : i32
      %dma_start3A_265 = tpu.memref_slice %arg8[%dma_start3A_264] : memref<8192xi32, #tpu.memory_space<vmem>> -> memref<512xi32, #tpu.memory_space<vmem>>
      %dma_start3A_266 = arith.constant 2560 : i32
      %dma_start3A_267 = tpu.memref_slice %arg6[%dma_start3A_266] : memref<8192xi32, #tpu.memory_space<vmem>> -> memref<512xi32, #tpu.memory_space<vmem>>
      %dma_start3A_268 = arith.constant 0 : i32
      %dma_start3A_269 = tpu.memref_slice %arg3[%dma_start3A_268] : memref<67108864xi32, #tpu.memory_space<hbm>> -> memref<67108864xi32, #tpu.memory_space<hbm>>
      tpu.enqueue_indirect_dma source(%dma_start3A_269 : memref<67108864xi32, #tpu.memory_space<hbm>>) target(%dma_start3A_265 : memref<512xi32, #tpu.memory_space<vmem>>) offsets(%dma_start3A_267 : memref<512xi32, #tpu.memory_space<vmem>>) semaphore(%arg10 : memref<!tpu.dma_semaphore, #tpu.memory_space<semaphore_mem>>)
      %dma_start3A_270 = arith.constant 3072 : i32
      %dma_start3A_271 = tpu.memref_slice %arg8[%dma_start3A_270] : memref<8192xi32, #tpu.memory_space<vmem>> -> memref<512xi32, #tpu.memory_space<vmem>>
      %dma_start3A_272 = arith.constant 3072 : i32
      %dma_start3A_273 = tpu.memref_slice %arg6[%dma_start3A_272] : memref<8192xi32, #tpu.memory_space<vmem>> -> memref<512xi32, #tpu.memory_space<vmem>>
      %dma_start3A_274 = arith.constant 0 : i32
      %dma_start3A_275 = tpu.memref_slice %arg3[%dma_start3A_274] : memref<67108864xi32, #tpu.memory_space<hbm>> -> memref<67108864xi32, #tpu.memory_space<hbm>>
      tpu.enqueue_indirect_dma source(%dma_start3A_275 : memref<67108864xi32, #tpu.memory_space<hbm>>) target(%dma_start3A_271 : memref<512xi32, #tpu.memory_space<vmem>>) offsets(%dma_start3A_273 : memref<512xi32, #tpu.memory_space<vmem>>) semaphore(%arg10 : memref<!tpu.dma_semaphore, #tpu.memory_space<semaphore_mem>>)
      %dma_start3A_276 = arith.constant 3584 : i32
      %dma_start3A_277 = tpu.memref_slice %arg8[%dma_start3A_276] : memref<8192xi32, #tpu.memory_space<vmem>> -> memref<512xi32, #tpu.memory_space<vmem>>
      %dma_start3A_278 = arith.constant 3584 : i32
      %dma_start3A_279 = tpu.memref_slice %arg6[%dma_start3A_278] : memref<8192xi32, #tpu.memory_space<vmem>> -> memref<512xi32, #tpu.memory_space<vmem>>
      %dma_start3A_280 = arith.constant 0 : i32
      %dma_start3A_281 = tpu.memref_slice %arg3[%dma_start3A_280] : memref<67108864xi32, #tpu.memory_space<hbm>> -> memref<67108864xi32, #tpu.memory_space<hbm>>
      tpu.enqueue_indirect_dma source(%dma_start3A_281 : memref<67108864xi32, #tpu.memory_space<hbm>>) target(%dma_start3A_277 : memref<512xi32, #tpu.memory_space<vmem>>) offsets(%dma_start3A_279 : memref<512xi32, #tpu.memory_space<vmem>>) semaphore(%arg10 : memref<!tpu.dma_semaphore, #tpu.memory_space<semaphore_mem>>)
      %dma_start3A_282 = arith.constant 4096 : i32
      %dma_start3A_283 = tpu.memref_slice %arg8[%dma_start3A_282] : memref<8192xi32, #tpu.memory_space<vmem>> -> memref<512xi32, #tpu.memory_space<vmem>>
      %dma_start3A_284 = arith.constant 4096 : i32
      %dma_start3A_285 = tpu.memref_slice %arg6[%dma_start3A_284] : memref<8192xi32, #tpu.memory_space<vmem>> -> memref<512xi32, #tpu.memory_space<vmem>>
      %dma_start3A_286 = arith.constant 0 : i32
      %dma_start3A_287 = tpu.memref_slice %arg3[%dma_start3A_286] : memref<67108864xi32, #tpu.memory_space<hbm>> -> memref<67108864xi32, #tpu.memory_space<hbm>>
      tpu.enqueue_indirect_dma source(%dma_start3A_287 : memref<67108864xi32, #tpu.memory_space<hbm>>) target(%dma_start3A_283 : memref<512xi32, #tpu.memory_space<vmem>>) offsets(%dma_start3A_285 : memref<512xi32, #tpu.memory_space<vmem>>) semaphore(%arg10 : memref<!tpu.dma_semaphore, #tpu.memory_space<semaphore_mem>>)
      %dma_start3A_288 = arith.constant 4608 : i32
      %dma_start3A_289 = tpu.memref_slice %arg8[%dma_start3A_288] : memref<8192xi32, #tpu.memory_space<vmem>> -> memref<512xi32, #tpu.memory_space<vmem>>
      %dma_start3A_290 = arith.constant 4608 : i32
      %dma_start3A_291 = tpu.memref_slice %arg6[%dma_start3A_290] : memref<8192xi32, #tpu.memory_space<vmem>> -> memref<512xi32, #tpu.memory_space<vmem>>
      %dma_start3A_292 = arith.constant 0 : i32
      %dma_start3A_293 = tpu.memref_slice %arg3[%dma_start3A_292] : memref<67108864xi32, #tpu.memory_space<hbm>> -> memref<67108864xi32, #tpu.memory_space<hbm>>
      tpu.enqueue_indirect_dma source(%dma_start3A_293 : memref<67108864xi32, #tpu.memory_space<hbm>>) target(%dma_start3A_289 : memref<512xi32, #tpu.memory_space<vmem>>) offsets(%dma_start3A_291 : memref<512xi32, #tpu.memory_space<vmem>>) semaphore(%arg10 : memref<!tpu.dma_semaphore, #tpu.memory_space<semaphore_mem>>)
      %dma_start3A_294 = arith.constant 5120 : i32
      %dma_start3A_295 = tpu.memref_slice %arg8[%dma_start3A_294] : memref<8192xi32, #tpu.memory_space<vmem>> -> memref<512xi32, #tpu.memory_space<vmem>>
      %dma_start3A_296 = arith.constant 5120 : i32
      %dma_start3A_297 = tpu.memref_slice %arg6[%dma_start3A_296] : memref<8192xi32, #tpu.memory_space<vmem>> -> memref<512xi32, #tpu.memory_space<vmem>>
      %dma_start3A_298 = arith.constant 0 : i32
      %dma_start3A_299 = tpu.memref_slice %arg3[%dma_start3A_298] : memref<67108864xi32, #tpu.memory_space<hbm>> -> memref<67108864xi32, #tpu.memory_space<hbm>>
      tpu.enqueue_indirect_dma source(%dma_start3A_299 : memref<67108864xi32, #tpu.memory_space<hbm>>) target(%dma_start3A_295 : memref<512xi32, #tpu.memory_space<vmem>>) offsets(%dma_start3A_297 : memref<512xi32, #tpu.memory_space<vmem>>) semaphore(%arg10 : memref<!tpu.dma_semaphore, #tpu.memory_space<semaphore_mem>>)
      %dma_start3A_300 = arith.constant 5632 : i32
      %dma_start3A_301 = tpu.memref_slice %arg8[%dma_start3A_300] : memref<8192xi32, #tpu.memory_space<vmem>> -> memref<512xi32, #tpu.memory_space<vmem>>
      %dma_start3A_302 = arith.constant 5632 : i32
      %dma_start3A_303 = tpu.memref_slice %arg6[%dma_start3A_302] : memref<8192xi32, #tpu.memory_space<vmem>> -> memref<512xi32, #tpu.memory_space<vmem>>
      %dma_start3A_304 = arith.constant 0 : i32
      %dma_start3A_305 = tpu.memref_slice %arg3[%dma_start3A_304] : memref<67108864xi32, #tpu.memory_space<hbm>> -> memref<67108864xi32, #tpu.memory_space<hbm>>
      tpu.enqueue_indirect_dma source(%dma_start3A_305 : memref<67108864xi32, #tpu.memory_space<hbm>>) target(%dma_start3A_301 : memref<512xi32, #tpu.memory_space<vmem>>) offsets(%dma_start3A_303 : memref<512xi32, #tpu.memory_space<vmem>>) semaphore(%arg10 : memref<!tpu.dma_semaphore, #tpu.memory_space<semaphore_mem>>)
      %dma_start3A_306 = arith.constant 6144 : i32
      %dma_start3A_307 = tpu.memref_slice %arg8[%dma_start3A_306] : memref<8192xi32, #tpu.memory_space<vmem>> -> memref<512xi32, #tpu.memory_space<vmem>>
      %dma_start3A_308 = arith.constant 6144 : i32
      %dma_start3A_309 = tpu.memref_slice %arg6[%dma_start3A_308] : memref<8192xi32, #tpu.memory_space<vmem>> -> memref<512xi32, #tpu.memory_space<vmem>>
      %dma_start3A_310 = arith.constant 0 : i32
      %dma_start3A_311 = tpu.memref_slice %arg3[%dma_start3A_310] : memref<67108864xi32, #tpu.memory_space<hbm>> -> memref<67108864xi32, #tpu.memory_space<hbm>>
      tpu.enqueue_indirect_dma source(%dma_start3A_311 : memref<67108864xi32, #tpu.memory_space<hbm>>) target(%dma_start3A_307 : memref<512xi32, #tpu.memory_space<vmem>>) offsets(%dma_start3A_309 : memref<512xi32, #tpu.memory_space<vmem>>) semaphore(%arg10 : memref<!tpu.dma_semaphore, #tpu.memory_space<semaphore_mem>>)
      %dma_start3A_312 = arith.constant 6656 : i32
      %dma_start3A_313 = tpu.memref_slice %arg8[%dma_start3A_312] : memref<8192xi32, #tpu.memory_space<vmem>> -> memref<512xi32, #tpu.memory_space<vmem>>
      %dma_start3A_314 = arith.constant 6656 : i32
      %dma_start3A_315 = tpu.memref_slice %arg6[%dma_start3A_314] : memref<8192xi32, #tpu.memory_space<vmem>> -> memref<512xi32, #tpu.memory_space<vmem>>
      %dma_start3A_316 = arith.constant 0 : i32
      %dma_start3A_317 = tpu.memref_slice %arg3[%dma_start3A_316] : memref<67108864xi32, #tpu.memory_space<hbm>> -> memref<67108864xi32, #tpu.memory_space<hbm>>
      tpu.enqueue_indirect_dma source(%dma_start3A_317 : memref<67108864xi32, #tpu.memory_space<hbm>>) target(%dma_start3A_313 : memref<512xi32, #tpu.memory_space<vmem>>) offsets(%dma_start3A_315 : memref<512xi32, #tpu.memory_space<vmem>>) semaphore(%arg10 : memref<!tpu.dma_semaphore, #tpu.memory_space<semaphore_mem>>)
      %dma_start3A_318 = arith.constant 7168 : i32
      %dma_start3A_319 = tpu.memref_slice %arg8[%dma_start3A_318] : memref<8192xi32, #tpu.memory_space<vmem>> -> memref<512xi32, #tpu.memory_space<vmem>>
      %dma_start3A_320 = arith.constant 7168 : i32
      %dma_start3A_321 = tpu.memref_slice %arg6[%dma_start3A_320] : memref<8192xi32, #tpu.memory_space<vmem>> -> memref<512xi32, #tpu.memory_space<vmem>>
      %dma_start3A_322 = arith.constant 0 : i32
      %dma_start3A_323 = tpu.memref_slice %arg3[%dma_start3A_322] : memref<67108864xi32, #tpu.memory_space<hbm>> -> memref<67108864xi32, #tpu.memory_space<hbm>>
      tpu.enqueue_indirect_dma source(%dma_start3A_323 : memref<67108864xi32, #tpu.memory_space<hbm>>) target(%dma_start3A_319 : memref<512xi32, #tpu.memory_space<vmem>>) offsets(%dma_start3A_321 : memref<512xi32, #tpu.memory_space<vmem>>) semaphore(%arg10 : memref<!tpu.dma_semaphore, #tpu.memory_space<semaphore_mem>>)
      %dma_start3A_324 = arith.constant 7680 : i32
      %dma_start3A_325 = tpu.memref_slice %arg8[%dma_start3A_324] : memref<8192xi32, #tpu.memory_space<vmem>> -> memref<512xi32, #tpu.memory_space<vmem>>
      %dma_start3A_326 = arith.constant 7680 : i32
      %dma_start3A_327 = tpu.memref_slice %arg6[%dma_start3A_326] : memref<8192xi32, #tpu.memory_space<vmem>> -> memref<512xi32, #tpu.memory_space<vmem>>
      %dma_start3A_328 = arith.constant 0 : i32
      %dma_start3A_329 = tpu.memref_slice %arg3[%dma_start3A_328] : memref<67108864xi32, #tpu.memory_space<hbm>> -> memref<67108864xi32, #tpu.memory_space<hbm>>
      tpu.enqueue_indirect_dma source(%dma_start3A_329 : memref<67108864xi32, #tpu.memory_space<hbm>>) target(%dma_start3A_325 : memref<512xi32, #tpu.memory_space<vmem>>) offsets(%dma_start3A_327 : memref<512xi32, #tpu.memory_space<vmem>>) semaphore(%arg10 : memref<!tpu.dma_semaphore, #tpu.memory_space<semaphore_mem>>)
      %dma_wait3A_330 = arith.constant 0 : i32
      %dma_wait3A_331 = tpu.memref_slice %arg3[%dma_wait3A_330] : memref<67108864xi32, #tpu.memory_space<hbm>> -> memref<8192xi32, #tpu.memory_space<hbm>>
      %dma_wait3A_332 = arith.constant 0 : i32
      %dma_wait3A_333 = tpu.memref_slice %arg3[%dma_wait3A_332] : memref<67108864xi32, #tpu.memory_space<hbm>> -> memref<8192xi32, #tpu.memory_space<hbm>>
      tpu.wait_dma2 semaphore(%arg9 : memref<!tpu.dma_semaphore, #tpu.memory_space<semaphore_mem>>) src(%dma_wait3A_333 : memref<8192xi32, #tpu.memory_space<hbm>>) dst(%arg7 : memref<8192xi32, #tpu.memory_space<vmem>>)
      %scan3A_334 = arith.constant 0 : i32
      %scan3A_335 = arith.constant 0 : i32
      %scan3A_336 = arith.constant 512 : i32
      %scan3A_337 = arith.addi %scan3A_335, %scan3A_336 : i32
      %scan3A_338 = arith.constant 8 : i32
      scf.for %scan3A_459 = %scan3A_335 to %scan3A_337 step %scan3A_338  : i32 {
        %mul3A_460 = arith.constant 16 : i32
        %mul3A_461 = arith.muli %scan3A_459, %mul3A_460 : i32
        %get3A = arith.index_cast %mul3A_461 : i32 to index
        %get3A_462 = tpu.vector_load %arg7[%get3A] {strides = array<i32>} : memref<8192xi32, #tpu.memory_space<vmem>>, vector<16xi32>,
        %get3A_463 = vector.shape_cast %get3A_462 : vector<16xi32> to vector<16xi32>
        %broadcast_in_dim3A = arith.constant 1 : i32
        %broadcast_in_dim3A_464 = vector.broadcast %broadcast_in_dim3A : i32 to vector<16xi32>
        %broadcast_in_dim3A_465 = arith.constant 0 : i32
        %broadcast_in_dim3A_466 = vector.broadcast %broadcast_in_dim3A_465 : i32 to vector<16xi32>
        %eq3A = arith.cmpi eq, %get3A_463, %broadcast_in_dim3A_464 : vector<16xi32>
        %select_n3A = arith.select %eq3A, %broadcast_in_dim3A_464, %broadcast_in_dim3A_466 : vector<16xi1>, vector<16xi32>
        %mul3A_467 = arith.constant 16 : i32
        %mul3A_468 = arith.muli %scan3A_459, %mul3A_467 : i32
        %swap3A = arith.index_cast %mul3A_468 : i32 to index
        %swap3A_469 = tpu.vector_load %arg7[%swap3A] {strides = array<i32>} : memref<8192xi32, #tpu.memory_space<vmem>>, vector<16xi32>,
        %swap3A_470 = vector.shape_cast %swap3A_469 : vector<16xi32> to vector<16xi32>
        %swap3A_471 = vector.shape_cast %select_n3A : vector<16xi32> to vector<16xi32>
        tpu.vector_store %arg7[%swap3A], %swap3A_471 {strides = array<i32>} : memref<8192xi32, #tpu.memory_space<vmem>>, vector<16xi32>,
        %scan3A_472 = arith.constant 1 : i32
        %scan3A_473 = arith.addi %scan3A_459, %scan3A_472 : i32
        %mul3A_474 = arith.constant 16 : i32
        %mul3A_475 = arith.muli %scan3A_473, %mul3A_474 : i32
        %get3A_476 = arith.index_cast %mul3A_475 : i32 to index
        %get3A_477 = tpu.vector_load %arg7[%get3A_476] {strides = array<i32>} : memref<8192xi32, #tpu.memory_space<vmem>>, vector<16xi32>,
        %get3A_478 = vector.shape_cast %get3A_477 : vector<16xi32> to vector<16xi32>
        %broadcast_in_dim3A_479 = arith.constant 1 : i32
        %broadcast_in_dim3A_480 = vector.broadcast %broadcast_in_dim3A_479 : i32 to vector<16xi32>
        %broadcast_in_dim3A_481 = arith.constant 0 : i32
        %broadcast_in_dim3A_482 = vector.broadcast %broadcast_in_dim3A_481 : i32 to vector<16xi32>
        %eq3A_483 = arith.cmpi eq, %get3A_478, %broadcast_in_dim3A_480 : vector<16xi32>
        %select_n3A_484 = arith.select %eq3A_483, %broadcast_in_dim3A_480, %broadcast_in_dim3A_482 : vector<16xi1>, vector<16xi32>
        %mul3A_485 = arith.constant 16 : i32
        %mul3A_486 = arith.muli %scan3A_473, %mul3A_485 : i32
        %swap3A_487 = arith.index_cast %mul3A_486 : i32 to index
        %swap3A_488 = tpu.vector_load %arg7[%swap3A_487] {strides = array<i32>} : memref<8192xi32, #tpu.memory_space<vmem>>, vector<16xi32>,
        %swap3A_489 = vector.shape_cast %swap3A_488 : vector<16xi32> to vector<16xi32>
        %swap3A_490 = vector.shape_cast %select_n3A_484 : vector<16xi32> to vector<16xi32>
        tpu.vector_store %arg7[%swap3A_487], %swap3A_490 {strides = array<i32>} : memref<8192xi32, #tpu.memory_space<vmem>>, vector<16xi32>,
        %scan3A_491 = arith.constant 2 : i32
        %scan3A_492 = arith.addi %scan3A_459, %scan3A_491 : i32
        %mul3A_493 = arith.constant 16 : i32
        %mul3A_494 = arith.muli %scan3A_492, %mul3A_493 : i32
        %get3A_495 = arith.index_cast %mul3A_494 : i32 to index
        %get3A_496 = tpu.vector_load %arg7[%get3A_495] {strides = array<i32>} : memref<8192xi32, #tpu.memory_space<vmem>>, vector<16xi32>,
        %get3A_497 = vector.shape_cast %get3A_496 : vector<16xi32> to vector<16xi32>
        %broadcast_in_dim3A_498 = arith.constant 1 : i32
        %broadcast_in_dim3A_499 = vector.broadcast %broadcast_in_dim3A_498 : i32 to vector<16xi32>
        %broadcast_in_dim3A_500 = arith.constant 0 : i32
        %broadcast_in_dim3A_501 = vector.broadcast %broadcast_in_dim3A_500 : i32 to vector<16xi32>
        %eq3A_502 = arith.cmpi eq, %get3A_497, %broadcast_in_dim3A_499 : vector<16xi32>
        %select_n3A_503 = arith.select %eq3A_502, %broadcast_in_dim3A_499, %broadcast_in_dim3A_501 : vector<16xi1>, vector<16xi32>
        %mul3A_504 = arith.constant 16 : i32
        %mul3A_505 = arith.muli %scan3A_492, %mul3A_504 : i32
        %swap3A_506 = arith.index_cast %mul3A_505 : i32 to index
        %swap3A_507 = tpu.vector_load %arg7[%swap3A_506] {strides = array<i32>} : memref<8192xi32, #tpu.memory_space<vmem>>, vector<16xi32>,
        %swap3A_508 = vector.shape_cast %swap3A_507 : vector<16xi32> to vector<16xi32>
        %swap3A_509 = vector.shape_cast %select_n3A_503 : vector<16xi32> to vector<16xi32>
        tpu.vector_store %arg7[%swap3A_506], %swap3A_509 {strides = array<i32>} : memref<8192xi32, #tpu.memory_space<vmem>>, vector<16xi32>,
        %scan3A_510 = arith.constant 3 : i32
        %scan3A_511 = arith.addi %scan3A_459, %scan3A_510 : i32
        %mul3A_512 = arith.constant 16 : i32
        %mul3A_513 = arith.muli %scan3A_511, %mul3A_512 : i32
        %get3A_514 = arith.index_cast %mul3A_513 : i32 to index
        %get3A_515 = tpu.vector_load %arg7[%get3A_514] {strides = array<i32>} : memref<8192xi32, #tpu.memory_space<vmem>>, vector<16xi32>,
        %get3A_516 = vector.shape_cast %get3A_515 : vector<16xi32> to vector<16xi32>
        %broadcast_in_dim3A_517 = arith.constant 1 : i32
        %broadcast_in_dim3A_518 = vector.broadcast %broadcast_in_dim3A_517 : i32 to vector<16xi32>
        %broadcast_in_dim3A_519 = arith.constant 0 : i32
        %broadcast_in_dim3A_520 = vector.broadcast %broadcast_in_dim3A_519 : i32 to vector<16xi32>
        %eq3A_521 = arith.cmpi eq, %get3A_516, %broadcast_in_dim3A_518 : vector<16xi32>
        %select_n3A_522 = arith.select %eq3A_521, %broadcast_in_dim3A_518, %broadcast_in_dim3A_520 : vector<16xi1>, vector<16xi32>
        %mul3A_523 = arith.constant 16 : i32
        %mul3A_524 = arith.muli %scan3A_511, %mul3A_523 : i32
        %swap3A_525 = arith.index_cast %mul3A_524 : i32 to index
        %swap3A_526 = tpu.vector_load %arg7[%swap3A_525] {strides = array<i32>} : memref<8192xi32, #tpu.memory_space<vmem>>, vector<16xi32>,
        %swap3A_527 = vector.shape_cast %swap3A_526 : vector<16xi32> to vector<16xi32>
        %swap3A_528 = vector.shape_cast %select_n3A_522 : vector<16xi32> to vector<16xi32>
        tpu.vector_store %arg7[%swap3A_525], %swap3A_528 {strides = array<i32>} : memref<8192xi32, #tpu.memory_space<vmem>>, vector<16xi32>,
        %scan3A_529 = arith.constant 4 : i32
        %scan3A_530 = arith.addi %scan3A_459, %scan3A_529 : i32
        %mul3A_531 = arith.constant 16 : i32
        %mul3A_532 = arith.muli %scan3A_530, %mul3A_531 : i32
        %get3A_533 = arith.index_cast %mul3A_532 : i32 to index
        %get3A_534 = tpu.vector_load %arg7[%get3A_533] {strides = array<i32>} : memref<8192xi32, #tpu.memory_space<vmem>>, vector<16xi32>,
        %get3A_535 = vector.shape_cast %get3A_534 : vector<16xi32> to vector<16xi32>
        %broadcast_in_dim3A_536 = arith.constant 1 : i32
        %broadcast_in_dim3A_537 = vector.broadcast %broadcast_in_dim3A_536 : i32 to vector<16xi32>
        %broadcast_in_dim3A_538 = arith.constant 0 : i32
        %broadcast_in_dim3A_539 = vector.broadcast %broadcast_in_dim3A_538 : i32 to vector<16xi32>
        %eq3A_540 = arith.cmpi eq, %get3A_535, %broadcast_in_dim3A_537 : vector<16xi32>
        %select_n3A_541 = arith.select %eq3A_540, %broadcast_in_dim3A_537, %broadcast_in_dim3A_539 : vector<16xi1>, vector<16xi32>
        %mul3A_542 = arith.constant 16 : i32
        %mul3A_543 = arith.muli %scan3A_530, %mul3A_542 : i32
        %swap3A_544 = arith.index_cast %mul3A_543 : i32 to index
        %swap3A_545 = tpu.vector_load %arg7[%swap3A_544] {strides = array<i32>} : memref<8192xi32, #tpu.memory_space<vmem>>, vector<16xi32>,
        %swap3A_546 = vector.shape_cast %swap3A_545 : vector<16xi32> to vector<16xi32>
        %swap3A_547 = vector.shape_cast %select_n3A_541 : vector<16xi32> to vector<16xi32>
        tpu.vector_store %arg7[%swap3A_544], %swap3A_547 {strides = array<i32>} : memref<8192xi32, #tpu.memory_space<vmem>>, vector<16xi32>,
        %scan3A_548 = arith.constant 5 : i32
        %scan3A_549 = arith.addi %scan3A_459, %scan3A_548 : i32
        %mul3A_550 = arith.constant 16 : i32
        %mul3A_551 = arith.muli %scan3A_549, %mul3A_550 : i32
        %get3A_552 = arith.index_cast %mul3A_551 : i32 to index
        %get3A_553 = tpu.vector_load %arg7[%get3A_552] {strides = array<i32>} : memref<8192xi32, #tpu.memory_space<vmem>>, vector<16xi32>,
        %get3A_554 = vector.shape_cast %get3A_553 : vector<16xi32> to vector<16xi32>
        %broadcast_in_dim3A_555 = arith.constant 1 : i32
        %broadcast_in_dim3A_556 = vector.broadcast %broadcast_in_dim3A_555 : i32 to vector<16xi32>
        %broadcast_in_dim3A_557 = arith.constant 0 : i32
        %broadcast_in_dim3A_558 = vector.broadcast %broadcast_in_dim3A_557 : i32 to vector<16xi32>
        %eq3A_559 = arith.cmpi eq, %get3A_554, %broadcast_in_dim3A_556 : vector<16xi32>
        %select_n3A_560 = arith.select %eq3A_559, %broadcast_in_dim3A_556, %broadcast_in_dim3A_558 : vector<16xi1>, vector<16xi32>
        %mul3A_561 = arith.constant 16 : i32
        %mul3A_562 = arith.muli %scan3A_549, %mul3A_561 : i32
        %swap3A_563 = arith.index_cast %mul3A_562 : i32 to index
        %swap3A_564 = tpu.vector_load %arg7[%swap3A_563] {strides = array<i32>} : memref<8192xi32, #tpu.memory_space<vmem>>, vector<16xi32>,
        %swap3A_565 = vector.shape_cast %swap3A_564 : vector<16xi32> to vector<16xi32>
        %swap3A_566 = vector.shape_cast %select_n3A_560 : vector<16xi32> to vector<16xi32>
        tpu.vector_store %arg7[%swap3A_563], %swap3A_566 {strides = array<i32>} : memref<8192xi32, #tpu.memory_space<vmem>>, vector<16xi32>,
        %scan3A_567 = arith.constant 6 : i32
        %scan3A_568 = arith.addi %scan3A_459, %scan3A_567 : i32
        %mul3A_569 = arith.constant 16 : i32
        %mul3A_570 = arith.muli %scan3A_568, %mul3A_569 : i32
        %get3A_571 = arith.index_cast %mul3A_570 : i32 to index
        %get3A_572 = tpu.vector_load %arg7[%get3A_571] {strides = array<i32>} : memref<8192xi32, #tpu.memory_space<vmem>>, vector<16xi32>,
        %get3A_573 = vector.shape_cast %get3A_572 : vector<16xi32> to vector<16xi32>
        %broadcast_in_dim3A_574 = arith.constant 1 : i32
        %broadcast_in_dim3A_575 = vector.broadcast %broadcast_in_dim3A_574 : i32 to vector<16xi32>
        %broadcast_in_dim3A_576 = arith.constant 0 : i32
        %broadcast_in_dim3A_577 = vector.broadcast %broadcast_in_dim3A_576 : i32 to vector<16xi32>
        %eq3A_578 = arith.cmpi eq, %get3A_573, %broadcast_in_dim3A_575 : vector<16xi32>
        %select_n3A_579 = arith.select %eq3A_578, %broadcast_in_dim3A_575, %broadcast_in_dim3A_577 : vector<16xi1>, vector<16xi32>
        %mul3A_580 = arith.constant 16 : i32
        %mul3A_581 = arith.muli %scan3A_568, %mul3A_580 : i32
        %swap3A_582 = arith.index_cast %mul3A_581 : i32 to index
        %swap3A_583 = tpu.vector_load %arg7[%swap3A_582] {strides = array<i32>} : memref<8192xi32, #tpu.memory_space<vmem>>, vector<16xi32>,
        %swap3A_584 = vector.shape_cast %swap3A_583 : vector<16xi32> to vector<16xi32>
        %swap3A_585 = vector.shape_cast %select_n3A_579 : vector<16xi32> to vector<16xi32>
        tpu.vector_store %arg7[%swap3A_582], %swap3A_585 {strides = array<i32>} : memref<8192xi32, #tpu.memory_space<vmem>>, vector<16xi32>,
        %scan3A_586 = arith.constant 7 : i32
        %scan3A_587 = arith.addi %scan3A_459, %scan3A_586 : i32
        %mul3A_588 = arith.constant 16 : i32
        %mul3A_589 = arith.muli %scan3A_587, %mul3A_588 : i32
        %get3A_590 = arith.index_cast %mul3A_589 : i32 to index
        %get3A_591 = tpu.vector_load %arg7[%get3A_590] {strides = array<i32>} : memref<8192xi32, #tpu.memory_space<vmem>>, vector<16xi32>,
        %get3A_592 = vector.shape_cast %get3A_591 : vector<16xi32> to vector<16xi32>
        %broadcast_in_dim3A_593 = arith.constant 1 : i32
        %broadcast_in_dim3A_594 = vector.broadcast %broadcast_in_dim3A_593 : i32 to vector<16xi32>
        %broadcast_in_dim3A_595 = arith.constant 0 : i32
        %broadcast_in_dim3A_596 = vector.broadcast %broadcast_in_dim3A_595 : i32 to vector<16xi32>
        %eq3A_597 = arith.cmpi eq, %get3A_592, %broadcast_in_dim3A_594 : vector<16xi32>
        %select_n3A_598 = arith.select %eq3A_597, %broadcast_in_dim3A_594, %broadcast_in_dim3A_596 : vector<16xi1>, vector<16xi32>
        %mul3A_599 = arith.constant 16 : i32
        %mul3A_600 = arith.muli %scan3A_587, %mul3A_599 : i32
        %swap3A_601 = arith.index_cast %mul3A_600 : i32 to index
        %swap3A_602 = tpu.vector_load %arg7[%swap3A_601] {strides = array<i32>} : memref<8192xi32, #tpu.memory_space<vmem>>, vector<16xi32>,
        %swap3A_603 = vector.shape_cast %swap3A_602 : vector<16xi32> to vector<16xi32>
        %swap3A_604 = vector.shape_cast %select_n3A_598 : vector<16xi32> to vector<16xi32>
        tpu.vector_store %arg7[%swap3A_601], %swap3A_604 {strides = array<i32>} : memref<8192xi32, #tpu.memory_space<vmem>>, vector<16xi32>,
      }
      %scan3A_339 = arith.constant 512 : i32
      %mul3A_340 = arith.constant 8192 : i32
      %mul3A_341 = arith.muli %mul3A_228, %mul3A_340 : i32
      %add3A_342 = arith.addi %mul3A_2, %mul3A_341 : i32
      "tpu.region"() ({
        %run_scoped3A = tpu.sem_alloc : memref<!tpu.dma_semaphore, #tpu.memory_space<semaphore_mem>>
        %dma_start3A_459 = tpu.memref_slice %arg4[%add3A_342] : memref<2097152xi32, #tpu.memory_space<hbm>> -> memref<8192xi32, #tpu.memory_space<hbm>>
        %dma_start3A_460 = tpu.memref_slice %arg4[%add3A_342] : memref<2097152xi32, #tpu.memory_space<hbm>> -> memref<8192xi32, #tpu.memory_space<hbm>>
        tpu.enqueue_dma source(%arg7 : memref<8192xi32, #tpu.memory_space<vmem>>) target(%dma_start3A_460 : memref<8192xi32, #tpu.memory_space<hbm>>) target_semaphore(%run_scoped3A : memref<!tpu.dma_semaphore, #tpu.memory_space<semaphore_mem>>)
        %dma_wait3A_461 = tpu.memref_slice %arg4[%add3A_342] : memref<2097152xi32, #tpu.memory_space<hbm>> -> memref<8192xi32, #tpu.memory_space<hbm>>
        %dma_wait3A_462 = tpu.memref_slice %arg4[%add3A_342] : memref<2097152xi32, #tpu.memory_space<hbm>> -> memref<8192xi32, #tpu.memory_space<hbm>>
        tpu.wait_dma2 semaphore(%run_scoped3A : memref<!tpu.dma_semaphore, #tpu.memory_space<semaphore_mem>>) src(%arg7 : memref<8192xi32, #tpu.memory_space<vmem>>) dst(%dma_wait3A_462 : memref<8192xi32, #tpu.memory_space<hbm>>)
        tpu.yield
      }) : () -> ()
      %add3A_343 = arith.constant 2 : i32
      %add3A_344 = arith.addi %mul3A_228, %add3A_343 : i32
      %mul3A_345 = arith.constant 8192 : i32
      %mul3A_346 = arith.muli %add3A_344, %mul3A_345 : i32
      %add3A_347 = arith.addi %mul3A_2, %mul3A_346 : i32
      "tpu.region"() ({
        %run_scoped3A = tpu.sem_alloc : memref<!tpu.dma_semaphore, #tpu.memory_space<semaphore_mem>>
        %dma_start3A_459 = tpu.memref_slice %arg2[%add3A_347] : memref<2097152xi32, #tpu.memory_space<hbm>> -> memref<8192xi32, #tpu.memory_space<hbm>>
        %dma_start3A_460 = tpu.memref_slice %arg2[%add3A_347] : memref<2097152xi32, #tpu.memory_space<hbm>> -> memref<8192xi32, #tpu.memory_space<hbm>>
        tpu.enqueue_dma source(%dma_start3A_460 : memref<8192xi32, #tpu.memory_space<hbm>>) target(%arg5 : memref<8192xi32, #tpu.memory_space<vmem>>) target_semaphore(%run_scoped3A : memref<!tpu.dma_semaphore, #tpu.memory_space<semaphore_mem>>)
        %dma_wait3A_461 = tpu.memref_slice %arg2[%add3A_347] : memref<2097152xi32, #tpu.memory_space<hbm>> -> memref<8192xi32, #tpu.memory_space<hbm>>
        %dma_wait3A_462 = tpu.memref_slice %arg2[%add3A_347] : memref<2097152xi32, #tpu.memory_space<hbm>> -> memref<8192xi32, #tpu.memory_space<hbm>>
        tpu.wait_dma2 semaphore(%run_scoped3A : memref<!tpu.dma_semaphore, #tpu.memory_space<semaphore_mem>>) src(%dma_wait3A_462 : memref<8192xi32, #tpu.memory_space<hbm>>) dst(%arg5 : memref<8192xi32, #tpu.memory_space<vmem>>)
        tpu.yield
      }) : () -> ()
      %dma_start3A_348 = arith.constant 0 : i32
      %dma_start3A_349 = tpu.memref_slice %arg7[%dma_start3A_348] : memref<8192xi32, #tpu.memory_space<vmem>> -> memref<512xi32, #tpu.memory_space<vmem>>
      %dma_start3A_350 = arith.constant 0 : i32
      %dma_start3A_351 = tpu.memref_slice %arg5[%dma_start3A_350] : memref<8192xi32, #tpu.memory_space<vmem>> -> memref<512xi32, #tpu.memory_space<vmem>>
      %dma_start3A_352 = arith.constant 0 : i32
      %dma_start3A_353 = tpu.memref_slice %arg3[%dma_start3A_352] : memref<67108864xi32, #tpu.memory_space<hbm>> -> memref<67108864xi32, #tpu.memory_space<hbm>>
      tpu.enqueue_indirect_dma source(%dma_start3A_353 : memref<67108864xi32, #tpu.memory_space<hbm>>) target(%dma_start3A_349 : memref<512xi32, #tpu.memory_space<vmem>>) offsets(%dma_start3A_351 : memref<512xi32, #tpu.memory_space<vmem>>) semaphore(%arg9 : memref<!tpu.dma_semaphore, #tpu.memory_space<semaphore_mem>>)
      %dma_start3A_354 = arith.constant 512 : i32
      %dma_start3A_355 = tpu.memref_slice %arg7[%dma_start3A_354] : memref<8192xi32, #tpu.memory_space<vmem>> -> memref<512xi32, #tpu.memory_space<vmem>>
      %dma_start3A_356 = arith.constant 512 : i32
      %dma_start3A_357 = tpu.memref_slice %arg5[%dma_start3A_356] : memref<8192xi32, #tpu.memory_space<vmem>> -> memref<512xi32, #tpu.memory_space<vmem>>
      %dma_start3A_358 = arith.constant 0 : i32
      %dma_start3A_359 = tpu.memref_slice %arg3[%dma_start3A_358] : memref<67108864xi32, #tpu.memory_space<hbm>> -> memref<67108864xi32, #tpu.memory_space<hbm>>
      tpu.enqueue_indirect_dma source(%dma_start3A_359 : memref<67108864xi32, #tpu.memory_space<hbm>>) target(%dma_start3A_355 : memref<512xi32, #tpu.memory_space<vmem>>) offsets(%dma_start3A_357 : memref<512xi32, #tpu.memory_space<vmem>>) semaphore(%arg9 : memref<!tpu.dma_semaphore, #tpu.memory_space<semaphore_mem>>)
      %dma_start3A_360 = arith.constant 1024 : i32
      %dma_start3A_361 = tpu.memref_slice %arg7[%dma_start3A_360] : memref<8192xi32, #tpu.memory_space<vmem>> -> memref<512xi32, #tpu.memory_space<vmem>>
      %dma_start3A_362 = arith.constant 1024 : i32
      %dma_start3A_363 = tpu.memref_slice %arg5[%dma_start3A_362] : memref<8192xi32, #tpu.memory_space<vmem>> -> memref<512xi32, #tpu.memory_space<vmem>>
      %dma_start3A_364 = arith.constant 0 : i32
      %dma_start3A_365 = tpu.memref_slice %arg3[%dma_start3A_364] : memref<67108864xi32, #tpu.memory_space<hbm>> -> memref<67108864xi32, #tpu.memory_space<hbm>>
      tpu.enqueue_indirect_dma source(%dma_start3A_365 : memref<67108864xi32, #tpu.memory_space<hbm>>) target(%dma_start3A_361 : memref<512xi32, #tpu.memory_space<vmem>>) offsets(%dma_start3A_363 : memref<512xi32, #tpu.memory_space<vmem>>) semaphore(%arg9 : memref<!tpu.dma_semaphore, #tpu.memory_space<semaphore_mem>>)
      %dma_start3A_366 = arith.constant 1536 : i32
      %dma_start3A_367 = tpu.memref_slice %arg7[%dma_start3A_366] : memref<8192xi32, #tpu.memory_space<vmem>> -> memref<512xi32, #tpu.memory_space<vmem>>
      %dma_start3A_368 = arith.constant 1536 : i32
      %dma_start3A_369 = tpu.memref_slice %arg5[%dma_start3A_368] : memref<8192xi32, #tpu.memory_space<vmem>> -> memref<512xi32, #tpu.memory_space<vmem>>
      %dma_start3A_370 = arith.constant 0 : i32
      %dma_start3A_371 = tpu.memref_slice %arg3[%dma_start3A_370] : memref<67108864xi32, #tpu.memory_space<hbm>> -> memref<67108864xi32, #tpu.memory_space<hbm>>
      tpu.enqueue_indirect_dma source(%dma_start3A_371 : memref<67108864xi32, #tpu.memory_space<hbm>>) target(%dma_start3A_367 : memref<512xi32, #tpu.memory_space<vmem>>) offsets(%dma_start3A_369 : memref<512xi32, #tpu.memory_space<vmem>>) semaphore(%arg9 : memref<!tpu.dma_semaphore, #tpu.memory_space<semaphore_mem>>)
      %dma_start3A_372 = arith.constant 2048 : i32
      %dma_start3A_373 = tpu.memref_slice %arg7[%dma_start3A_372] : memref<8192xi32, #tpu.memory_space<vmem>> -> memref<512xi32, #tpu.memory_space<vmem>>
      %dma_start3A_374 = arith.constant 2048 : i32
      %dma_start3A_375 = tpu.memref_slice %arg5[%dma_start3A_374] : memref<8192xi32, #tpu.memory_space<vmem>> -> memref<512xi32, #tpu.memory_space<vmem>>
      %dma_start3A_376 = arith.constant 0 : i32
      %dma_start3A_377 = tpu.memref_slice %arg3[%dma_start3A_376] : memref<67108864xi32, #tpu.memory_space<hbm>> -> memref<67108864xi32, #tpu.memory_space<hbm>>
      tpu.enqueue_indirect_dma source(%dma_start3A_377 : memref<67108864xi32, #tpu.memory_space<hbm>>) target(%dma_start3A_373 : memref<512xi32, #tpu.memory_space<vmem>>) offsets(%dma_start3A_375 : memref<512xi32, #tpu.memory_space<vmem>>) semaphore(%arg9 : memref<!tpu.dma_semaphore, #tpu.memory_space<semaphore_mem>>)
      %dma_start3A_378 = arith.constant 2560 : i32
      %dma_start3A_379 = tpu.memref_slice %arg7[%dma_start3A_378] : memref<8192xi32, #tpu.memory_space<vmem>> -> memref<512xi32, #tpu.memory_space<vmem>>
      %dma_start3A_380 = arith.constant 2560 : i32
      %dma_start3A_381 = tpu.memref_slice %arg5[%dma_start3A_380] : memref<8192xi32, #tpu.memory_space<vmem>> -> memref<512xi32, #tpu.memory_space<vmem>>
      %dma_start3A_382 = arith.constant 0 : i32
      %dma_start3A_383 = tpu.memref_slice %arg3[%dma_start3A_382] : memref<67108864xi32, #tpu.memory_space<hbm>> -> memref<67108864xi32, #tpu.memory_space<hbm>>
      tpu.enqueue_indirect_dma source(%dma_start3A_383 : memref<67108864xi32, #tpu.memory_space<hbm>>) target(%dma_start3A_379 : memref<512xi32, #tpu.memory_space<vmem>>) offsets(%dma_start3A_381 : memref<512xi32, #tpu.memory_space<vmem>>) semaphore(%arg9 : memref<!tpu.dma_semaphore, #tpu.memory_space<semaphore_mem>>)
      %dma_start3A_384 = arith.constant 3072 : i32
      %dma_start3A_385 = tpu.memref_slice %arg7[%dma_start3A_384] : memref<8192xi32, #tpu.memory_space<vmem>> -> memref<512xi32, #tpu.memory_space<vmem>>
      %dma_start3A_386 = arith.constant 3072 : i32
      %dma_start3A_387 = tpu.memref_slice %arg5[%dma_start3A_386] : memref<8192xi32, #tpu.memory_space<vmem>> -> memref<512xi32, #tpu.memory_space<vmem>>
      %dma_start3A_388 = arith.constant 0 : i32
      %dma_start3A_389 = tpu.memref_slice %arg3[%dma_start3A_388] : memref<67108864xi32, #tpu.memory_space<hbm>> -> memref<67108864xi32, #tpu.memory_space<hbm>>
      tpu.enqueue_indirect_dma source(%dma_start3A_389 : memref<67108864xi32, #tpu.memory_space<hbm>>) target(%dma_start3A_385 : memref<512xi32, #tpu.memory_space<vmem>>) offsets(%dma_start3A_387 : memref<512xi32, #tpu.memory_space<vmem>>) semaphore(%arg9 : memref<!tpu.dma_semaphore, #tpu.memory_space<semaphore_mem>>)
      %dma_start3A_390 = arith.constant 3584 : i32
      %dma_start3A_391 = tpu.memref_slice %arg7[%dma_start3A_390] : memref<8192xi32, #tpu.memory_space<vmem>> -> memref<512xi32, #tpu.memory_space<vmem>>
      %dma_start3A_392 = arith.constant 3584 : i32
      %dma_start3A_393 = tpu.memref_slice %arg5[%dma_start3A_392] : memref<8192xi32, #tpu.memory_space<vmem>> -> memref<512xi32, #tpu.memory_space<vmem>>
      %dma_start3A_394 = arith.constant 0 : i32
      %dma_start3A_395 = tpu.memref_slice %arg3[%dma_start3A_394] : memref<67108864xi32, #tpu.memory_space<hbm>> -> memref<67108864xi32, #tpu.memory_space<hbm>>
      tpu.enqueue_indirect_dma source(%dma_start3A_395 : memref<67108864xi32, #tpu.memory_space<hbm>>) target(%dma_start3A_391 : memref<512xi32, #tpu.memory_space<vmem>>) offsets(%dma_start3A_393 : memref<512xi32, #tpu.memory_space<vmem>>) semaphore(%arg9 : memref<!tpu.dma_semaphore, #tpu.memory_space<semaphore_mem>>)
      %dma_start3A_396 = arith.constant 4096 : i32
      %dma_start3A_397 = tpu.memref_slice %arg7[%dma_start3A_396] : memref<8192xi32, #tpu.memory_space<vmem>> -> memref<512xi32, #tpu.memory_space<vmem>>
      %dma_start3A_398 = arith.constant 4096 : i32
      %dma_start3A_399 = tpu.memref_slice %arg5[%dma_start3A_398] : memref<8192xi32, #tpu.memory_space<vmem>> -> memref<512xi32, #tpu.memory_space<vmem>>
      %dma_start3A_400 = arith.constant 0 : i32
      %dma_start3A_401 = tpu.memref_slice %arg3[%dma_start3A_400] : memref<67108864xi32, #tpu.memory_space<hbm>> -> memref<67108864xi32, #tpu.memory_space<hbm>>
      tpu.enqueue_indirect_dma source(%dma_start3A_401 : memref<67108864xi32, #tpu.memory_space<hbm>>) target(%dma_start3A_397 : memref<512xi32, #tpu.memory_space<vmem>>) offsets(%dma_start3A_399 : memref<512xi32, #tpu.memory_space<vmem>>) semaphore(%arg9 : memref<!tpu.dma_semaphore, #tpu.memory_space<semaphore_mem>>)
      %dma_start3A_402 = arith.constant 4608 : i32
      %dma_start3A_403 = tpu.memref_slice %arg7[%dma_start3A_402] : memref<8192xi32, #tpu.memory_space<vmem>> -> memref<512xi32, #tpu.memory_space<vmem>>
      %dma_start3A_404 = arith.constant 4608 : i32
      %dma_start3A_405 = tpu.memref_slice %arg5[%dma_start3A_404] : memref<8192xi32, #tpu.memory_space<vmem>> -> memref<512xi32, #tpu.memory_space<vmem>>
      %dma_start3A_406 = arith.constant 0 : i32
      %dma_start3A_407 = tpu.memref_slice %arg3[%dma_start3A_406] : memref<67108864xi32, #tpu.memory_space<hbm>> -> memref<67108864xi32, #tpu.memory_space<hbm>>
      tpu.enqueue_indirect_dma source(%dma_start3A_407 : memref<67108864xi32, #tpu.memory_space<hbm>>) target(%dma_start3A_403 : memref<512xi32, #tpu.memory_space<vmem>>) offsets(%dma_start3A_405 : memref<512xi32, #tpu.memory_space<vmem>>) semaphore(%arg9 : memref<!tpu.dma_semaphore, #tpu.memory_space<semaphore_mem>>)
      %dma_start3A_408 = arith.constant 5120 : i32
      %dma_start3A_409 = tpu.memref_slice %arg7[%dma_start3A_408] : memref<8192xi32, #tpu.memory_space<vmem>> -> memref<512xi32, #tpu.memory_space<vmem>>
      %dma_start3A_410 = arith.constant 5120 : i32
      %dma_start3A_411 = tpu.memref_slice %arg5[%dma_start3A_410] : memref<8192xi32, #tpu.memory_space<vmem>> -> memref<512xi32, #tpu.memory_space<vmem>>
      %dma_start3A_412 = arith.constant 0 : i32
      %dma_start3A_413 = tpu.memref_slice %arg3[%dma_start3A_412] : memref<67108864xi32, #tpu.memory_space<hbm>> -> memref<67108864xi32, #tpu.memory_space<hbm>>
      tpu.enqueue_indirect_dma source(%dma_start3A_413 : memref<67108864xi32, #tpu.memory_space<hbm>>) target(%dma_start3A_409 : memref<512xi32, #tpu.memory_space<vmem>>) offsets(%dma_start3A_411 : memref<512xi32, #tpu.memory_space<vmem>>) semaphore(%arg9 : memref<!tpu.dma_semaphore, #tpu.memory_space<semaphore_mem>>)
      %dma_start3A_414 = arith.constant 5632 : i32
      %dma_start3A_415 = tpu.memref_slice %arg7[%dma_start3A_414] : memref<8192xi32, #tpu.memory_space<vmem>> -> memref<512xi32, #tpu.memory_space<vmem>>
      %dma_start3A_416 = arith.constant 5632 : i32
      %dma_start3A_417 = tpu.memref_slice %arg5[%dma_start3A_416] : memref<8192xi32, #tpu.memory_space<vmem>> -> memref<512xi32, #tpu.memory_space<vmem>>
      %dma_start3A_418 = arith.constant 0 : i32
      %dma_start3A_419 = tpu.memref_slice %arg3[%dma_start3A_418] : memref<67108864xi32, #tpu.memory_space<hbm>> -> memref<67108864xi32, #tpu.memory_space<hbm>>
      tpu.enqueue_indirect_dma source(%dma_start3A_419 : memref<67108864xi32, #tpu.memory_space<hbm>>) target(%dma_start3A_415 : memref<512xi32, #tpu.memory_space<vmem>>) offsets(%dma_start3A_417 : memref<512xi32, #tpu.memory_space<vmem>>) semaphore(%arg9 : memref<!tpu.dma_semaphore, #tpu.memory_space<semaphore_mem>>)
      %dma_start3A_420 = arith.constant 6144 : i32
      %dma_start3A_421 = tpu.memref_slice %arg7[%dma_start3A_420] : memref<8192xi32, #tpu.memory_space<vmem>> -> memref<512xi32, #tpu.memory_space<vmem>>
      %dma_start3A_422 = arith.constant 6144 : i32
      %dma_start3A_423 = tpu.memref_slice %arg5[%dma_start3A_422] : memref<8192xi32, #tpu.memory_space<vmem>> -> memref<512xi32, #tpu.memory_space<vmem>>
      %dma_start3A_424 = arith.constant 0 : i32
      %dma_start3A_425 = tpu.memref_slice %arg3[%dma_start3A_424] : memref<67108864xi32, #tpu.memory_space<hbm>> -> memref<67108864xi32, #tpu.memory_space<hbm>>
      tpu.enqueue_indirect_dma source(%dma_start3A_425 : memref<67108864xi32, #tpu.memory_space<hbm>>) target(%dma_start3A_421 : memref<512xi32, #tpu.memory_space<vmem>>) offsets(%dma_start3A_423 : memref<512xi32, #tpu.memory_space<vmem>>) semaphore(%arg9 : memref<!tpu.dma_semaphore, #tpu.memory_space<semaphore_mem>>)
      %dma_start3A_426 = arith.constant 6656 : i32
      %dma_start3A_427 = tpu.memref_slice %arg7[%dma_start3A_426] : memref<8192xi32, #tpu.memory_space<vmem>> -> memref<512xi32, #tpu.memory_space<vmem>>
      %dma_start3A_428 = arith.constant 6656 : i32
      %dma_start3A_429 = tpu.memref_slice %arg5[%dma_start3A_428] : memref<8192xi32, #tpu.memory_space<vmem>> -> memref<512xi32, #tpu.memory_space<vmem>>
      %dma_start3A_430 = arith.constant 0 : i32
      %dma_start3A_431 = tpu.memref_slice %arg3[%dma_start3A_430] : memref<67108864xi32, #tpu.memory_space<hbm>> -> memref<67108864xi32, #tpu.memory_space<hbm>>
      tpu.enqueue_indirect_dma source(%dma_start3A_431 : memref<67108864xi32, #tpu.memory_space<hbm>>) target(%dma_start3A_427 : memref<512xi32, #tpu.memory_space<vmem>>) offsets(%dma_start3A_429 : memref<512xi32, #tpu.memory_space<vmem>>) semaphore(%arg9 : memref<!tpu.dma_semaphore, #tpu.memory_space<semaphore_mem>>)
      %dma_start3A_432 = arith.constant 7168 : i32
      %dma_start3A_433 = tpu.memref_slice %arg7[%dma_start3A_432] : memref<8192xi32, #tpu.memory_space<vmem>> -> memref<512xi32, #tpu.memory_space<vmem>>
      %dma_start3A_434 = arith.constant 7168 : i32
      %dma_start3A_435 = tpu.memref_slice %arg5[%dma_start3A_434] : memref<8192xi32, #tpu.memory_space<vmem>> -> memref<512xi32, #tpu.memory_space<vmem>>
      %dma_start3A_436 = arith.constant 0 : i32
      %dma_start3A_437 = tpu.memref_slice %arg3[%dma_start3A_436] : memref<67108864xi32, #tpu.memory_space<hbm>> -> memref<67108864xi32, #tpu.memory_space<hbm>>
      tpu.enqueue_indirect_dma source(%dma_start3A_437 : memref<67108864xi32, #tpu.memory_space<hbm>>) target(%dma_start3A_433 : memref<512xi32, #tpu.memory_space<vmem>>) offsets(%dma_start3A_435 : memref<512xi32, #tpu.memory_space<vmem>>) semaphore(%arg9 : memref<!tpu.dma_semaphore, #tpu.memory_space<semaphore_mem>>)
      %dma_start3A_438 = arith.constant 7680 : i32
      %dma_start3A_439 = tpu.memref_slice %arg7[%dma_start3A_438] : memref<8192xi32, #tpu.memory_space<vmem>> -> memref<512xi32, #tpu.memory_space<vmem>>
      %dma_start3A_440 = arith.constant 7680 : i32
      %dma_start3A_441 = tpu.memref_slice %arg5[%dma_start3A_440] : memref<8192xi32, #tpu.memory_space<vmem>> -> memref<512xi32, #tpu.memory_space<vmem>>
      %dma_start3A_442 = arith.constant 0 : i32
      %dma_start3A_443 = tpu.memref_slice %arg3[%dma_start3A_442] : memref<67108864xi32, #tpu.memory_space<hbm>> -> memref<67108864xi32, #tpu.memory_space<hbm>>
      tpu.enqueue_indirect_dma source(%dma_start3A_443 : memref<67108864xi32, #tpu.memory_space<hbm>>) target(%dma_start3A_439 : memref<512xi32, #tpu.memory_space<vmem>>) offsets(%dma_start3A_441 : memref<512xi32, #tpu.memory_space<vmem>>) semaphore(%arg9 : memref<!tpu.dma_semaphore, #tpu.memory_space<semaphore_mem>>)
      %add3A_444 = arith.constant 1 : i32
      %add3A_445 = arith.addi %mul3A_228, %add3A_444 : i32
      %dma_wait3A_446 = arith.constant 0 : i32
      %dma_wait3A_447 = tpu.memref_slice %arg3[%dma_wait3A_446] : memref<67108864xi32, #tpu.memory_space<hbm>> -> memref<8192xi32, #tpu.memory_space<hbm>>
      %dma_wait3A_448 = arith.constant 0 : i32
      %dma_wait3A_449 = tpu.memref_slice %arg3[%dma_wait3A_448] : memref<67108864xi32, #tpu.memory_space<hbm>> -> memref<8192xi32, #tpu.memory_space<hbm>>
      tpu.wait_dma2 semaphore(%arg10 : memref<!tpu.dma_semaphore, #tpu.memory_space<semaphore_mem>>) src(%dma_wait3A_449 : memref<8192xi32, #tpu.memory_space<hbm>>) dst(%arg8 : memref<8192xi32, #tpu.memory_space<vmem>>)
      %scan3A_450 = arith.constant 0 : i32
      %scan3A_451 = arith.constant 0 : i32
      %scan3A_452 = arith.constant 512 : i32
      %scan3A_453 = arith.addi %scan3A_451, %scan3A_452 : i32
      %scan3A_454 = arith.constant 8 : i32
      scf.for %scan3A_459 = %scan3A_451 to %scan3A_453 step %scan3A_454  : i32 {
        %mul3A_460 = arith.constant 16 : i32
        %mul3A_461 = arith.muli %scan3A_459, %mul3A_460 : i32
        %get3A = arith.index_cast %mul3A_461 : i32 to index
        %get3A_462 = tpu.vector_load %arg8[%get3A] {strides = array<i32>} : memref<8192xi32, #tpu.memory_space<vmem>>, vector<16xi32>,
        %get3A_463 = vector.shape_cast %get3A_462 : vector<16xi32> to vector<16xi32>
        %broadcast_in_dim3A = arith.constant 1 : i32
        %broadcast_in_dim3A_464 = vector.broadcast %broadcast_in_dim3A : i32 to vector<16xi32>
        %broadcast_in_dim3A_465 = arith.constant 0 : i32
        %broadcast_in_dim3A_466 = vector.broadcast %broadcast_in_dim3A_465 : i32 to vector<16xi32>
        %eq3A = arith.cmpi eq, %get3A_463, %broadcast_in_dim3A_464 : vector<16xi32>
        %select_n3A = arith.select %eq3A, %broadcast_in_dim3A_464, %broadcast_in_dim3A_466 : vector<16xi1>, vector<16xi32>
        %mul3A_467 = arith.constant 16 : i32
        %mul3A_468 = arith.muli %scan3A_459, %mul3A_467 : i32
        %swap3A = arith.index_cast %mul3A_468 : i32 to index
        %swap3A_469 = tpu.vector_load %arg8[%swap3A] {strides = array<i32>} : memref<8192xi32, #tpu.memory_space<vmem>>, vector<16xi32>,
        %swap3A_470 = vector.shape_cast %swap3A_469 : vector<16xi32> to vector<16xi32>
        %swap3A_471 = vector.shape_cast %select_n3A : vector<16xi32> to vector<16xi32>
        tpu.vector_store %arg8[%swap3A], %swap3A_471 {strides = array<i32>} : memref<8192xi32, #tpu.memory_space<vmem>>, vector<16xi32>,
        %scan3A_472 = arith.constant 1 : i32
        %scan3A_473 = arith.addi %scan3A_459, %scan3A_472 : i32
        %mul3A_474 = arith.constant 16 : i32
        %mul3A_475 = arith.muli %scan3A_473, %mul3A_474 : i32
        %get3A_476 = arith.index_cast %mul3A_475 : i32 to index
        %get3A_477 = tpu.vector_load %arg8[%get3A_476] {strides = array<i32>} : memref<8192xi32, #tpu.memory_space<vmem>>, vector<16xi32>,
        %get3A_478 = vector.shape_cast %get3A_477 : vector<16xi32> to vector<16xi32>
        %broadcast_in_dim3A_479 = arith.constant 1 : i32
        %broadcast_in_dim3A_480 = vector.broadcast %broadcast_in_dim3A_479 : i32 to vector<16xi32>
        %broadcast_in_dim3A_481 = arith.constant 0 : i32
        %broadcast_in_dim3A_482 = vector.broadcast %broadcast_in_dim3A_481 : i32 to vector<16xi32>
        %eq3A_483 = arith.cmpi eq, %get3A_478, %broadcast_in_dim3A_480 : vector<16xi32>
        %select_n3A_484 = arith.select %eq3A_483, %broadcast_in_dim3A_480, %broadcast_in_dim3A_482 : vector<16xi1>, vector<16xi32>
        %mul3A_485 = arith.constant 16 : i32
        %mul3A_486 = arith.muli %scan3A_473, %mul3A_485 : i32
        %swap3A_487 = arith.index_cast %mul3A_486 : i32 to index
        %swap3A_488 = tpu.vector_load %arg8[%swap3A_487] {strides = array<i32>} : memref<8192xi32, #tpu.memory_space<vmem>>, vector<16xi32>,
        %swap3A_489 = vector.shape_cast %swap3A_488 : vector<16xi32> to vector<16xi32>
        %swap3A_490 = vector.shape_cast %select_n3A_484 : vector<16xi32> to vector<16xi32>
        tpu.vector_store %arg8[%swap3A_487], %swap3A_490 {strides = array<i32>} : memref<8192xi32, #tpu.memory_space<vmem>>, vector<16xi32>,
        %scan3A_491 = arith.constant 2 : i32
        %scan3A_492 = arith.addi %scan3A_459, %scan3A_491 : i32
        %mul3A_493 = arith.constant 16 : i32
        %mul3A_494 = arith.muli %scan3A_492, %mul3A_493 : i32
        %get3A_495 = arith.index_cast %mul3A_494 : i32 to index
        %get3A_496 = tpu.vector_load %arg8[%get3A_495] {strides = array<i32>} : memref<8192xi32, #tpu.memory_space<vmem>>, vector<16xi32>,
        %get3A_497 = vector.shape_cast %get3A_496 : vector<16xi32> to vector<16xi32>
        %broadcast_in_dim3A_498 = arith.constant 1 : i32
        %broadcast_in_dim3A_499 = vector.broadcast %broadcast_in_dim3A_498 : i32 to vector<16xi32>
        %broadcast_in_dim3A_500 = arith.constant 0 : i32
        %broadcast_in_dim3A_501 = vector.broadcast %broadcast_in_dim3A_500 : i32 to vector<16xi32>
        %eq3A_502 = arith.cmpi eq, %get3A_497, %broadcast_in_dim3A_499 : vector<16xi32>
        %select_n3A_503 = arith.select %eq3A_502, %broadcast_in_dim3A_499, %broadcast_in_dim3A_501 : vector<16xi1>, vector<16xi32>
        %mul3A_504 = arith.constant 16 : i32
        %mul3A_505 = arith.muli %scan3A_492, %mul3A_504 : i32
        %swap3A_506 = arith.index_cast %mul3A_505 : i32 to index
        %swap3A_507 = tpu.vector_load %arg8[%swap3A_506] {strides = array<i32>} : memref<8192xi32, #tpu.memory_space<vmem>>, vector<16xi32>,
        %swap3A_508 = vector.shape_cast %swap3A_507 : vector<16xi32> to vector<16xi32>
        %swap3A_509 = vector.shape_cast %select_n3A_503 : vector<16xi32> to vector<16xi32>
        tpu.vector_store %arg8[%swap3A_506], %swap3A_509 {strides = array<i32>} : memref<8192xi32, #tpu.memory_space<vmem>>, vector<16xi32>,
        %scan3A_510 = arith.constant 3 : i32
        %scan3A_511 = arith.addi %scan3A_459, %scan3A_510 : i32
        %mul3A_512 = arith.constant 16 : i32
        %mul3A_513 = arith.muli %scan3A_511, %mul3A_512 : i32
        %get3A_514 = arith.index_cast %mul3A_513 : i32 to index
        %get3A_515 = tpu.vector_load %arg8[%get3A_514] {strides = array<i32>} : memref<8192xi32, #tpu.memory_space<vmem>>, vector<16xi32>,
        %get3A_516 = vector.shape_cast %get3A_515 : vector<16xi32> to vector<16xi32>
        %broadcast_in_dim3A_517 = arith.constant 1 : i32
        %broadcast_in_dim3A_518 = vector.broadcast %broadcast_in_dim3A_517 : i32 to vector<16xi32>
        %broadcast_in_dim3A_519 = arith.constant 0 : i32
        %broadcast_in_dim3A_520 = vector.broadcast %broadcast_in_dim3A_519 : i32 to vector<16xi32>
        %eq3A_521 = arith.cmpi eq, %get3A_516, %broadcast_in_dim3A_518 : vector<16xi32>
        %select_n3A_522 = arith.select %eq3A_521, %broadcast_in_dim3A_518, %broadcast_in_dim3A_520 : vector<16xi1>, vector<16xi32>
        %mul3A_523 = arith.constant 16 : i32
        %mul3A_524 = arith.muli %scan3A_511, %mul3A_523 : i32
        %swap3A_525 = arith.index_cast %mul3A_524 : i32 to index
        %swap3A_526 = tpu.vector_load %arg8[%swap3A_525] {strides = array<i32>} : memref<8192xi32, #tpu.memory_space<vmem>>, vector<16xi32>,
        %swap3A_527 = vector.shape_cast %swap3A_526 : vector<16xi32> to vector<16xi32>
        %swap3A_528 = vector.shape_cast %select_n3A_522 : vector<16xi32> to vector<16xi32>
        tpu.vector_store %arg8[%swap3A_525], %swap3A_528 {strides = array<i32>} : memref<8192xi32, #tpu.memory_space<vmem>>, vector<16xi32>,
        %scan3A_529 = arith.constant 4 : i32
        %scan3A_530 = arith.addi %scan3A_459, %scan3A_529 : i32
        %mul3A_531 = arith.constant 16 : i32
        %mul3A_532 = arith.muli %scan3A_530, %mul3A_531 : i32
        %get3A_533 = arith.index_cast %mul3A_532 : i32 to index
        %get3A_534 = tpu.vector_load %arg8[%get3A_533] {strides = array<i32>} : memref<8192xi32, #tpu.memory_space<vmem>>, vector<16xi32>,
        %get3A_535 = vector.shape_cast %get3A_534 : vector<16xi32> to vector<16xi32>
        %broadcast_in_dim3A_536 = arith.constant 1 : i32
        %broadcast_in_dim3A_537 = vector.broadcast %broadcast_in_dim3A_536 : i32 to vector<16xi32>
        %broadcast_in_dim3A_538 = arith.constant 0 : i32
        %broadcast_in_dim3A_539 = vector.broadcast %broadcast_in_dim3A_538 : i32 to vector<16xi32>
        %eq3A_540 = arith.cmpi eq, %get3A_535, %broadcast_in_dim3A_537 : vector<16xi32>
        %select_n3A_541 = arith.select %eq3A_540, %broadcast_in_dim3A_537, %broadcast_in_dim3A_539 : vector<16xi1>, vector<16xi32>
        %mul3A_542 = arith.constant 16 : i32
        %mul3A_543 = arith.muli %scan3A_530, %mul3A_542 : i32
        %swap3A_544 = arith.index_cast %mul3A_543 : i32 to index
        %swap3A_545 = tpu.vector_load %arg8[%swap3A_544] {strides = array<i32>} : memref<8192xi32, #tpu.memory_space<vmem>>, vector<16xi32>,
        %swap3A_546 = vector.shape_cast %swap3A_545 : vector<16xi32> to vector<16xi32>
        %swap3A_547 = vector.shape_cast %select_n3A_541 : vector<16xi32> to vector<16xi32>
        tpu.vector_store %arg8[%swap3A_544], %swap3A_547 {strides = array<i32>} : memref<8192xi32, #tpu.memory_space<vmem>>, vector<16xi32>,
        %scan3A_548 = arith.constant 5 : i32
        %scan3A_549 = arith.addi %scan3A_459, %scan3A_548 : i32
        %mul3A_550 = arith.constant 16 : i32
        %mul3A_551 = arith.muli %scan3A_549, %mul3A_550 : i32
        %get3A_552 = arith.index_cast %mul3A_551 : i32 to index
        %get3A_553 = tpu.vector_load %arg8[%get3A_552] {strides = array<i32>} : memref<8192xi32, #tpu.memory_space<vmem>>, vector<16xi32>,
        %get3A_554 = vector.shape_cast %get3A_553 : vector<16xi32> to vector<16xi32>
        %broadcast_in_dim3A_555 = arith.constant 1 : i32
        %broadcast_in_dim3A_556 = vector.broadcast %broadcast_in_dim3A_555 : i32 to vector<16xi32>
        %broadcast_in_dim3A_557 = arith.constant 0 : i32
        %broadcast_in_dim3A_558 = vector.broadcast %broadcast_in_dim3A_557 : i32 to vector<16xi32>
        %eq3A_559 = arith.cmpi eq, %get3A_554, %broadcast_in_dim3A_556 : vector<16xi32>
        %select_n3A_560 = arith.select %eq3A_559, %broadcast_in_dim3A_556, %broadcast_in_dim3A_558 : vector<16xi1>, vector<16xi32>
        %mul3A_561 = arith.constant 16 : i32
        %mul3A_562 = arith.muli %scan3A_549, %mul3A_561 : i32
        %swap3A_563 = arith.index_cast %mul3A_562 : i32 to index
        %swap3A_564 = tpu.vector_load %arg8[%swap3A_563] {strides = array<i32>} : memref<8192xi32, #tpu.memory_space<vmem>>, vector<16xi32>,
        %swap3A_565 = vector.shape_cast %swap3A_564 : vector<16xi32> to vector<16xi32>
        %swap3A_566 = vector.shape_cast %select_n3A_560 : vector<16xi32> to vector<16xi32>
        tpu.vector_store %arg8[%swap3A_563], %swap3A_566 {strides = array<i32>} : memref<8192xi32, #tpu.memory_space<vmem>>, vector<16xi32>,
        %scan3A_567 = arith.constant 6 : i32
        %scan3A_568 = arith.addi %scan3A_459, %scan3A_567 : i32
        %mul3A_569 = arith.constant 16 : i32
        %mul3A_570 = arith.muli %scan3A_568, %mul3A_569 : i32
        %get3A_571 = arith.index_cast %mul3A_570 : i32 to index
        %get3A_572 = tpu.vector_load %arg8[%get3A_571] {strides = array<i32>} : memref<8192xi32, #tpu.memory_space<vmem>>, vector<16xi32>,
        %get3A_573 = vector.shape_cast %get3A_572 : vector<16xi32> to vector<16xi32>
        %broadcast_in_dim3A_574 = arith.constant 1 : i32
        %broadcast_in_dim3A_575 = vector.broadcast %broadcast_in_dim3A_574 : i32 to vector<16xi32>
        %broadcast_in_dim3A_576 = arith.constant 0 : i32
        %broadcast_in_dim3A_577 = vector.broadcast %broadcast_in_dim3A_576 : i32 to vector<16xi32>
        %eq3A_578 = arith.cmpi eq, %get3A_573, %broadcast_in_dim3A_575 : vector<16xi32>
        %select_n3A_579 = arith.select %eq3A_578, %broadcast_in_dim3A_575, %broadcast_in_dim3A_577 : vector<16xi1>, vector<16xi32>
        %mul3A_580 = arith.constant 16 : i32
        %mul3A_581 = arith.muli %scan3A_568, %mul3A_580 : i32
        %swap3A_582 = arith.index_cast %mul3A_581 : i32 to index
        %swap3A_583 = tpu.vector_load %arg8[%swap3A_582] {strides = array<i32>} : memref<8192xi32, #tpu.memory_space<vmem>>, vector<16xi32>,
        %swap3A_584 = vector.shape_cast %swap3A_583 : vector<16xi32> to vector<16xi32>
        %swap3A_585 = vector.shape_cast %select_n3A_579 : vector<16xi32> to vector<16xi32>
        tpu.vector_store %arg8[%swap3A_582], %swap3A_585 {strides = array<i32>} : memref<8192xi32, #tpu.memory_space<vmem>>, vector<16xi32>,
        %scan3A_586 = arith.constant 7 : i32
        %scan3A_587 = arith.addi %scan3A_459, %scan3A_586 : i32
        %mul3A_588 = arith.constant 16 : i32
        %mul3A_589 = arith.muli %scan3A_587, %mul3A_588 : i32
        %get3A_590 = arith.index_cast %mul3A_589 : i32 to index
        %get3A_591 = tpu.vector_load %arg8[%get3A_590] {strides = array<i32>} : memref<8192xi32, #tpu.memory_space<vmem>>, vector<16xi32>,
        %get3A_592 = vector.shape_cast %get3A_591 : vector<16xi32> to vector<16xi32>
        %broadcast_in_dim3A_593 = arith.constant 1 : i32
        %broadcast_in_dim3A_594 = vector.broadcast %broadcast_in_dim3A_593 : i32 to vector<16xi32>
        %broadcast_in_dim3A_595 = arith.constant 0 : i32
        %broadcast_in_dim3A_596 = vector.broadcast %broadcast_in_dim3A_595 : i32 to vector<16xi32>
        %eq3A_597 = arith.cmpi eq, %get3A_592, %broadcast_in_dim3A_594 : vector<16xi32>
        %select_n3A_598 = arith.select %eq3A_597, %broadcast_in_dim3A_594, %broadcast_in_dim3A_596 : vector<16xi1>, vector<16xi32>
        %mul3A_599 = arith.constant 16 : i32
        %mul3A_600 = arith.muli %scan3A_587, %mul3A_599 : i32
        %swap3A_601 = arith.index_cast %mul3A_600 : i32 to index
        %swap3A_602 = tpu.vector_load %arg8[%swap3A_601] {strides = array<i32>} : memref<8192xi32, #tpu.memory_space<vmem>>, vector<16xi32>,
        %swap3A_603 = vector.shape_cast %swap3A_602 : vector<16xi32> to vector<16xi32>
        %swap3A_604 = vector.shape_cast %select_n3A_598 : vector<16xi32> to vector<16xi32>
        tpu.vector_store %arg8[%swap3A_601], %swap3A_604 {strides = array<i32>} : memref<8192xi32, #tpu.memory_space<vmem>>, vector<16xi32>,
      }
      %scan3A_455 = arith.constant 512 : i32
      %mul3A_456 = arith.constant 8192 : i32
      %mul3A_457 = arith.muli %add3A_445, %mul3A_456 : i32
      %add3A_458 = arith.addi %mul3A_2, %mul3A_457 : i32
      "tpu.region"() ({
        %run_scoped3A = tpu.sem_alloc : memref<!tpu.dma_semaphore, #tpu.memory_space<semaphore_mem>>
        %dma_start3A_459 = tpu.memref_slice %arg4[%add3A_458] : memref<2097152xi32, #tpu.memory_space<hbm>> -> memref<8192xi32, #tpu.memory_space<hbm>>
        %dma_start3A_460 = tpu.memref_slice %arg4[%add3A_458] : memref<2097152xi32, #tpu.memory_space<hbm>> -> memref<8192xi32, #tpu.memory_space<hbm>>
        tpu.enqueue_dma source(%arg8 : memref<8192xi32, #tpu.memory_space<vmem>>) target(%dma_start3A_460 : memref<8192xi32, #tpu.memory_space<hbm>>) target_semaphore(%run_scoped3A : memref<!tpu.dma_semaphore, #tpu.memory_space<semaphore_mem>>)
        %dma_wait3A_461 = tpu.memref_slice %arg4[%add3A_458] : memref<2097152xi32, #tpu.memory_space<hbm>> -> memref<8192xi32, #tpu.memory_space<hbm>>
        %dma_wait3A_462 = tpu.memref_slice %arg4[%add3A_458] : memref<2097152xi32, #tpu.memory_space<hbm>> -> memref<8192xi32, #tpu.memory_space<hbm>>
        tpu.wait_dma2 semaphore(%run_scoped3A : memref<!tpu.dma_semaphore, #tpu.memory_space<semaphore_mem>>) src(%arg8 : memref<8192xi32, #tpu.memory_space<vmem>>) dst(%dma_wait3A_462 : memref<8192xi32, #tpu.memory_space<hbm>>)
        tpu.yield
      }) : () -> ()
    }
    %scan3A_104 = arith.constant 3 : i32
    %add3A_105 = arith.constant 57344 : i32
    %add3A_106 = arith.addi %mul3A_2, %add3A_105 : i32
    "tpu.region"() ({
      %run_scoped3A = tpu.sem_alloc : memref<!tpu.dma_semaphore, #tpu.memory_space<semaphore_mem>>
      %dma_start3A_226 = tpu.memref_slice %arg2[%add3A_106] : memref<2097152xi32, #tpu.memory_space<hbm>> -> memref<8192xi32, #tpu.memory_space<hbm>>
      %dma_start3A_227 = tpu.memref_slice %arg2[%add3A_106] : memref<2097152xi32, #tpu.memory_space<hbm>> -> memref<8192xi32, #tpu.memory_space<hbm>>
      tpu.enqueue_dma source(%dma_start3A_227 : memref<8192xi32, #tpu.memory_space<hbm>>) target(%arg6 : memref<8192xi32, #tpu.memory_space<vmem>>) target_semaphore(%run_scoped3A : memref<!tpu.dma_semaphore, #tpu.memory_space<semaphore_mem>>)
      %dma_wait3A_228 = tpu.memref_slice %arg2[%add3A_106] : memref<2097152xi32, #tpu.memory_space<hbm>> -> memref<8192xi32, #tpu.memory_space<hbm>>
      %dma_wait3A_229 = tpu.memref_slice %arg2[%add3A_106] : memref<2097152xi32, #tpu.memory_space<hbm>> -> memref<8192xi32, #tpu.memory_space<hbm>>
      tpu.wait_dma2 semaphore(%run_scoped3A : memref<!tpu.dma_semaphore, #tpu.memory_space<semaphore_mem>>) src(%dma_wait3A_229 : memref<8192xi32, #tpu.memory_space<hbm>>) dst(%arg6 : memref<8192xi32, #tpu.memory_space<vmem>>)
      tpu.yield
    }) : () -> ()
    %dma_start3A_107 = arith.constant 0 : i32
    %dma_start3A_108 = tpu.memref_slice %arg8[%dma_start3A_107] : memref<8192xi32, #tpu.memory_space<vmem>> -> memref<512xi32, #tpu.memory_space<vmem>>
    %dma_start3A_109 = arith.constant 0 : i32
    %dma_start3A_110 = tpu.memref_slice %arg6[%dma_start3A_109] : memref<8192xi32, #tpu.memory_space<vmem>> -> memref<512xi32, #tpu.memory_space<vmem>>
    %dma_start3A_111 = arith.constant 0 : i32
    %dma_start3A_112 = tpu.memref_slice %arg3[%dma_start3A_111] : memref<67108864xi32, #tpu.memory_space<hbm>> -> memref<67108864xi32, #tpu.memory_space<hbm>>
    tpu.enqueue_indirect_dma source(%dma_start3A_112 : memref<67108864xi32, #tpu.memory_space<hbm>>) target(%dma_start3A_108 : memref<512xi32, #tpu.memory_space<vmem>>) offsets(%dma_start3A_110 : memref<512xi32, #tpu.memory_space<vmem>>) semaphore(%arg10 : memref<!tpu.dma_semaphore, #tpu.memory_space<semaphore_mem>>)
    %dma_start3A_113 = arith.constant 512 : i32
    %dma_start3A_114 = tpu.memref_slice %arg8[%dma_start3A_113] : memref<8192xi32, #tpu.memory_space<vmem>> -> memref<512xi32, #tpu.memory_space<vmem>>
    %dma_start3A_115 = arith.constant 512 : i32
    %dma_start3A_116 = tpu.memref_slice %arg6[%dma_start3A_115] : memref<8192xi32, #tpu.memory_space<vmem>> -> memref<512xi32, #tpu.memory_space<vmem>>
    %dma_start3A_117 = arith.constant 0 : i32
    %dma_start3A_118 = tpu.memref_slice %arg3[%dma_start3A_117] : memref<67108864xi32, #tpu.memory_space<hbm>> -> memref<67108864xi32, #tpu.memory_space<hbm>>
    tpu.enqueue_indirect_dma source(%dma_start3A_118 : memref<67108864xi32, #tpu.memory_space<hbm>>) target(%dma_start3A_114 : memref<512xi32, #tpu.memory_space<vmem>>) offsets(%dma_start3A_116 : memref<512xi32, #tpu.memory_space<vmem>>) semaphore(%arg10 : memref<!tpu.dma_semaphore, #tpu.memory_space<semaphore_mem>>)
    %dma_start3A_119 = arith.constant 1024 : i32
    %dma_start3A_120 = tpu.memref_slice %arg8[%dma_start3A_119] : memref<8192xi32, #tpu.memory_space<vmem>> -> memref<512xi32, #tpu.memory_space<vmem>>
    %dma_start3A_121 = arith.constant 1024 : i32
    %dma_start3A_122 = tpu.memref_slice %arg6[%dma_start3A_121] : memref<8192xi32, #tpu.memory_space<vmem>> -> memref<512xi32, #tpu.memory_space<vmem>>
    %dma_start3A_123 = arith.constant 0 : i32
    %dma_start3A_124 = tpu.memref_slice %arg3[%dma_start3A_123] : memref<67108864xi32, #tpu.memory_space<hbm>> -> memref<67108864xi32, #tpu.memory_space<hbm>>
    tpu.enqueue_indirect_dma source(%dma_start3A_124 : memref<67108864xi32, #tpu.memory_space<hbm>>) target(%dma_start3A_120 : memref<512xi32, #tpu.memory_space<vmem>>) offsets(%dma_start3A_122 : memref<512xi32, #tpu.memory_space<vmem>>) semaphore(%arg10 : memref<!tpu.dma_semaphore, #tpu.memory_space<semaphore_mem>>)
    %dma_start3A_125 = arith.constant 1536 : i32
    %dma_start3A_126 = tpu.memref_slice %arg8[%dma_start3A_125] : memref<8192xi32, #tpu.memory_space<vmem>> -> memref<512xi32, #tpu.memory_space<vmem>>
    %dma_start3A_127 = arith.constant 1536 : i32
    %dma_start3A_128 = tpu.memref_slice %arg6[%dma_start3A_127] : memref<8192xi32, #tpu.memory_space<vmem>> -> memref<512xi32, #tpu.memory_space<vmem>>
    %dma_start3A_129 = arith.constant 0 : i32
    %dma_start3A_130 = tpu.memref_slice %arg3[%dma_start3A_129] : memref<67108864xi32, #tpu.memory_space<hbm>> -> memref<67108864xi32, #tpu.memory_space<hbm>>
    tpu.enqueue_indirect_dma source(%dma_start3A_130 : memref<67108864xi32, #tpu.memory_space<hbm>>) target(%dma_start3A_126 : memref<512xi32, #tpu.memory_space<vmem>>) offsets(%dma_start3A_128 : memref<512xi32, #tpu.memory_space<vmem>>) semaphore(%arg10 : memref<!tpu.dma_semaphore, #tpu.memory_space<semaphore_mem>>)
    %dma_start3A_131 = arith.constant 2048 : i32
    %dma_start3A_132 = tpu.memref_slice %arg8[%dma_start3A_131] : memref<8192xi32, #tpu.memory_space<vmem>> -> memref<512xi32, #tpu.memory_space<vmem>>
    %dma_start3A_133 = arith.constant 2048 : i32
    %dma_start3A_134 = tpu.memref_slice %arg6[%dma_start3A_133] : memref<8192xi32, #tpu.memory_space<vmem>> -> memref<512xi32, #tpu.memory_space<vmem>>
    %dma_start3A_135 = arith.constant 0 : i32
    %dma_start3A_136 = tpu.memref_slice %arg3[%dma_start3A_135] : memref<67108864xi32, #tpu.memory_space<hbm>> -> memref<67108864xi32, #tpu.memory_space<hbm>>
    tpu.enqueue_indirect_dma source(%dma_start3A_136 : memref<67108864xi32, #tpu.memory_space<hbm>>) target(%dma_start3A_132 : memref<512xi32, #tpu.memory_space<vmem>>) offsets(%dma_start3A_134 : memref<512xi32, #tpu.memory_space<vmem>>) semaphore(%arg10 : memref<!tpu.dma_semaphore, #tpu.memory_space<semaphore_mem>>)
    %dma_start3A_137 = arith.constant 2560 : i32
    %dma_start3A_138 = tpu.memref_slice %arg8[%dma_start3A_137] : memref<8192xi32, #tpu.memory_space<vmem>> -> memref<512xi32, #tpu.memory_space<vmem>>
    %dma_start3A_139 = arith.constant 2560 : i32
    %dma_start3A_140 = tpu.memref_slice %arg6[%dma_start3A_139] : memref<8192xi32, #tpu.memory_space<vmem>> -> memref<512xi32, #tpu.memory_space<vmem>>
    %dma_start3A_141 = arith.constant 0 : i32
    %dma_start3A_142 = tpu.memref_slice %arg3[%dma_start3A_141] : memref<67108864xi32, #tpu.memory_space<hbm>> -> memref<67108864xi32, #tpu.memory_space<hbm>>
    tpu.enqueue_indirect_dma source(%dma_start3A_142 : memref<67108864xi32, #tpu.memory_space<hbm>>) target(%dma_start3A_138 : memref<512xi32, #tpu.memory_space<vmem>>) offsets(%dma_start3A_140 : memref<512xi32, #tpu.memory_space<vmem>>) semaphore(%arg10 : memref<!tpu.dma_semaphore, #tpu.memory_space<semaphore_mem>>)
    %dma_start3A_143 = arith.constant 3072 : i32
    %dma_start3A_144 = tpu.memref_slice %arg8[%dma_start3A_143] : memref<8192xi32, #tpu.memory_space<vmem>> -> memref<512xi32, #tpu.memory_space<vmem>>
    %dma_start3A_145 = arith.constant 3072 : i32
    %dma_start3A_146 = tpu.memref_slice %arg6[%dma_start3A_145] : memref<8192xi32, #tpu.memory_space<vmem>> -> memref<512xi32, #tpu.memory_space<vmem>>
    %dma_start3A_147 = arith.constant 0 : i32
    %dma_start3A_148 = tpu.memref_slice %arg3[%dma_start3A_147] : memref<67108864xi32, #tpu.memory_space<hbm>> -> memref<67108864xi32, #tpu.memory_space<hbm>>
    tpu.enqueue_indirect_dma source(%dma_start3A_148 : memref<67108864xi32, #tpu.memory_space<hbm>>) target(%dma_start3A_144 : memref<512xi32, #tpu.memory_space<vmem>>) offsets(%dma_start3A_146 : memref<512xi32, #tpu.memory_space<vmem>>) semaphore(%arg10 : memref<!tpu.dma_semaphore, #tpu.memory_space<semaphore_mem>>)
    %dma_start3A_149 = arith.constant 3584 : i32
    %dma_start3A_150 = tpu.memref_slice %arg8[%dma_start3A_149] : memref<8192xi32, #tpu.memory_space<vmem>> -> memref<512xi32, #tpu.memory_space<vmem>>
    %dma_start3A_151 = arith.constant 3584 : i32
    %dma_start3A_152 = tpu.memref_slice %arg6[%dma_start3A_151] : memref<8192xi32, #tpu.memory_space<vmem>> -> memref<512xi32, #tpu.memory_space<vmem>>
    %dma_start3A_153 = arith.constant 0 : i32
    %dma_start3A_154 = tpu.memref_slice %arg3[%dma_start3A_153] : memref<67108864xi32, #tpu.memory_space<hbm>> -> memref<67108864xi32, #tpu.memory_space<hbm>>
    tpu.enqueue_indirect_dma source(%dma_start3A_154 : memref<67108864xi32, #tpu.memory_space<hbm>>) target(%dma_start3A_150 : memref<512xi32, #tpu.memory_space<vmem>>) offsets(%dma_start3A_152 : memref<512xi32, #tpu.memory_space<vmem>>) semaphore(%arg10 : memref<!tpu.dma_semaphore, #tpu.memory_space<semaphore_mem>>)
    %dma_start3A_155 = arith.constant 4096 : i32
    %dma_start3A_156 = tpu.memref_slice %arg8[%dma_start3A_155] : memref<8192xi32, #tpu.memory_space<vmem>> -> memref<512xi32, #tpu.memory_space<vmem>>
    %dma_start3A_157 = arith.constant 4096 : i32
    %dma_start3A_158 = tpu.memref_slice %arg6[%dma_start3A_157] : memref<8192xi32, #tpu.memory_space<vmem>> -> memref<512xi32, #tpu.memory_space<vmem>>
    %dma_start3A_159 = arith.constant 0 : i32
    %dma_start3A_160 = tpu.memref_slice %arg3[%dma_start3A_159] : memref<67108864xi32, #tpu.memory_space<hbm>> -> memref<67108864xi32, #tpu.memory_space<hbm>>
    tpu.enqueue_indirect_dma source(%dma_start3A_160 : memref<67108864xi32, #tpu.memory_space<hbm>>) target(%dma_start3A_156 : memref<512xi32, #tpu.memory_space<vmem>>) offsets(%dma_start3A_158 : memref<512xi32, #tpu.memory_space<vmem>>) semaphore(%arg10 : memref<!tpu.dma_semaphore, #tpu.memory_space<semaphore_mem>>)
    %dma_start3A_161 = arith.constant 4608 : i32
    %dma_start3A_162 = tpu.memref_slice %arg8[%dma_start3A_161] : memref<8192xi32, #tpu.memory_space<vmem>> -> memref<512xi32, #tpu.memory_space<vmem>>
    %dma_start3A_163 = arith.constant 4608 : i32
    %dma_start3A_164 = tpu.memref_slice %arg6[%dma_start3A_163] : memref<8192xi32, #tpu.memory_space<vmem>> -> memref<512xi32, #tpu.memory_space<vmem>>
    %dma_start3A_165 = arith.constant 0 : i32
    %dma_start3A_166 = tpu.memref_slice %arg3[%dma_start3A_165] : memref<67108864xi32, #tpu.memory_space<hbm>> -> memref<67108864xi32, #tpu.memory_space<hbm>>
    tpu.enqueue_indirect_dma source(%dma_start3A_166 : memref<67108864xi32, #tpu.memory_space<hbm>>) target(%dma_start3A_162 : memref<512xi32, #tpu.memory_space<vmem>>) offsets(%dma_start3A_164 : memref<512xi32, #tpu.memory_space<vmem>>) semaphore(%arg10 : memref<!tpu.dma_semaphore, #tpu.memory_space<semaphore_mem>>)
    %dma_start3A_167 = arith.constant 5120 : i32
    %dma_start3A_168 = tpu.memref_slice %arg8[%dma_start3A_167] : memref<8192xi32, #tpu.memory_space<vmem>> -> memref<512xi32, #tpu.memory_space<vmem>>
    %dma_start3A_169 = arith.constant 5120 : i32
    %dma_start3A_170 = tpu.memref_slice %arg6[%dma_start3A_169] : memref<8192xi32, #tpu.memory_space<vmem>> -> memref<512xi32, #tpu.memory_space<vmem>>
    %dma_start3A_171 = arith.constant 0 : i32
    %dma_start3A_172 = tpu.memref_slice %arg3[%dma_start3A_171] : memref<67108864xi32, #tpu.memory_space<hbm>> -> memref<67108864xi32, #tpu.memory_space<hbm>>
    tpu.enqueue_indirect_dma source(%dma_start3A_172 : memref<67108864xi32, #tpu.memory_space<hbm>>) target(%dma_start3A_168 : memref<512xi32, #tpu.memory_space<vmem>>) offsets(%dma_start3A_170 : memref<512xi32, #tpu.memory_space<vmem>>) semaphore(%arg10 : memref<!tpu.dma_semaphore, #tpu.memory_space<semaphore_mem>>)
    %dma_start3A_173 = arith.constant 5632 : i32
    %dma_start3A_174 = tpu.memref_slice %arg8[%dma_start3A_173] : memref<8192xi32, #tpu.memory_space<vmem>> -> memref<512xi32, #tpu.memory_space<vmem>>
    %dma_start3A_175 = arith.constant 5632 : i32
    %dma_start3A_176 = tpu.memref_slice %arg6[%dma_start3A_175] : memref<8192xi32, #tpu.memory_space<vmem>> -> memref<512xi32, #tpu.memory_space<vmem>>
    %dma_start3A_177 = arith.constant 0 : i32
    %dma_start3A_178 = tpu.memref_slice %arg3[%dma_start3A_177] : memref<67108864xi32, #tpu.memory_space<hbm>> -> memref<67108864xi32, #tpu.memory_space<hbm>>
    tpu.enqueue_indirect_dma source(%dma_start3A_178 : memref<67108864xi32, #tpu.memory_space<hbm>>) target(%dma_start3A_174 : memref<512xi32, #tpu.memory_space<vmem>>) offsets(%dma_start3A_176 : memref<512xi32, #tpu.memory_space<vmem>>) semaphore(%arg10 : memref<!tpu.dma_semaphore, #tpu.memory_space<semaphore_mem>>)
    %dma_start3A_179 = arith.constant 6144 : i32
    %dma_start3A_180 = tpu.memref_slice %arg8[%dma_start3A_179] : memref<8192xi32, #tpu.memory_space<vmem>> -> memref<512xi32, #tpu.memory_space<vmem>>
    %dma_start3A_181 = arith.constant 6144 : i32
    %dma_start3A_182 = tpu.memref_slice %arg6[%dma_start3A_181] : memref<8192xi32, #tpu.memory_space<vmem>> -> memref<512xi32, #tpu.memory_space<vmem>>
    %dma_start3A_183 = arith.constant 0 : i32
    %dma_start3A_184 = tpu.memref_slice %arg3[%dma_start3A_183] : memref<67108864xi32, #tpu.memory_space<hbm>> -> memref<67108864xi32, #tpu.memory_space<hbm>>
    tpu.enqueue_indirect_dma source(%dma_start3A_184 : memref<67108864xi32, #tpu.memory_space<hbm>>) target(%dma_start3A_180 : memref<512xi32, #tpu.memory_space<vmem>>) offsets(%dma_start3A_182 : memref<512xi32, #tpu.memory_space<vmem>>) semaphore(%arg10 : memref<!tpu.dma_semaphore, #tpu.memory_space<semaphore_mem>>)
    %dma_start3A_185 = arith.constant 6656 : i32
    %dma_start3A_186 = tpu.memref_slice %arg8[%dma_start3A_185] : memref<8192xi32, #tpu.memory_space<vmem>> -> memref<512xi32, #tpu.memory_space<vmem>>
    %dma_start3A_187 = arith.constant 6656 : i32
    %dma_start3A_188 = tpu.memref_slice %arg6[%dma_start3A_187] : memref<8192xi32, #tpu.memory_space<vmem>> -> memref<512xi32, #tpu.memory_space<vmem>>
    %dma_start3A_189 = arith.constant 0 : i32
    %dma_start3A_190 = tpu.memref_slice %arg3[%dma_start3A_189] : memref<67108864xi32, #tpu.memory_space<hbm>> -> memref<67108864xi32, #tpu.memory_space<hbm>>
    tpu.enqueue_indirect_dma source(%dma_start3A_190 : memref<67108864xi32, #tpu.memory_space<hbm>>) target(%dma_start3A_186 : memref<512xi32, #tpu.memory_space<vmem>>) offsets(%dma_start3A_188 : memref<512xi32, #tpu.memory_space<vmem>>) semaphore(%arg10 : memref<!tpu.dma_semaphore, #tpu.memory_space<semaphore_mem>>)
    %dma_start3A_191 = arith.constant 7168 : i32
    %dma_start3A_192 = tpu.memref_slice %arg8[%dma_start3A_191] : memref<8192xi32, #tpu.memory_space<vmem>> -> memref<512xi32, #tpu.memory_space<vmem>>
    %dma_start3A_193 = arith.constant 7168 : i32
    %dma_start3A_194 = tpu.memref_slice %arg6[%dma_start3A_193] : memref<8192xi32, #tpu.memory_space<vmem>> -> memref<512xi32, #tpu.memory_space<vmem>>
    %dma_start3A_195 = arith.constant 0 : i32
    %dma_start3A_196 = tpu.memref_slice %arg3[%dma_start3A_195] : memref<67108864xi32, #tpu.memory_space<hbm>> -> memref<67108864xi32, #tpu.memory_space<hbm>>
    tpu.enqueue_indirect_dma source(%dma_start3A_196 : memref<67108864xi32, #tpu.memory_space<hbm>>) target(%dma_start3A_192 : memref<512xi32, #tpu.memory_space<vmem>>) offsets(%dma_start3A_194 : memref<512xi32, #tpu.memory_space<vmem>>) semaphore(%arg10 : memref<!tpu.dma_semaphore, #tpu.memory_space<semaphore_mem>>)
    %dma_start3A_197 = arith.constant 7680 : i32
    %dma_start3A_198 = tpu.memref_slice %arg8[%dma_start3A_197] : memref<8192xi32, #tpu.memory_space<vmem>> -> memref<512xi32, #tpu.memory_space<vmem>>
    %dma_start3A_199 = arith.constant 7680 : i32
    %dma_start3A_200 = tpu.memref_slice %arg6[%dma_start3A_199] : memref<8192xi32, #tpu.memory_space<vmem>> -> memref<512xi32, #tpu.memory_space<vmem>>
    %dma_start3A_201 = arith.constant 0 : i32
    %dma_start3A_202 = tpu.memref_slice %arg3[%dma_start3A_201] : memref<67108864xi32, #tpu.memory_space<hbm>> -> memref<67108864xi32, #tpu.memory_space<hbm>>
    tpu.enqueue_indirect_dma source(%dma_start3A_202 : memref<67108864xi32, #tpu.memory_space<hbm>>) target(%dma_start3A_198 : memref<512xi32, #tpu.memory_space<vmem>>) offsets(%dma_start3A_200 : memref<512xi32, #tpu.memory_space<vmem>>) semaphore(%arg10 : memref<!tpu.dma_semaphore, #tpu.memory_space<semaphore_mem>>)
    %dma_wait3A = arith.constant 0 : i32
    %dma_wait3A_203 = tpu.memref_slice %arg3[%dma_wait3A] : memref<67108864xi32, #tpu.memory_space<hbm>> -> memref<8192xi32, #tpu.memory_space<hbm>>
    %dma_wait3A_204 = arith.constant 0 : i32
    %dma_wait3A_205 = tpu.memref_slice %arg3[%dma_wait3A_204] : memref<67108864xi32, #tpu.memory_space<hbm>> -> memref<8192xi32, #tpu.memory_space<hbm>>
    tpu.wait_dma2 semaphore(%arg9 : memref<!tpu.dma_semaphore, #tpu.memory_space<semaphore_mem>>) src(%dma_wait3A_205 : memref<8192xi32, #tpu.memory_space<hbm>>) dst(%arg7 : memref<8192xi32, #tpu.memory_space<vmem>>)
    %scan3A_206 = arith.constant 0 : i32
    %scan3A_207 = arith.constant 0 : i32
    %scan3A_208 = arith.constant 512 : i32
    %scan3A_209 = arith.addi %scan3A_207, %scan3A_208 : i32
    %scan3A_210 = arith.constant 8 : i32
    scf.for %scan3A_226 = %scan3A_207 to %scan3A_209 step %scan3A_210  : i32 {
      %mul3A_227 = arith.constant 16 : i32
      %mul3A_228 = arith.muli %scan3A_226, %mul3A_227 : i32
      %get3A = arith.index_cast %mul3A_228 : i32 to index
      %get3A_229 = tpu.vector_load %arg7[%get3A] {strides = array<i32>} : memref<8192xi32, #tpu.memory_space<vmem>>, vector<16xi32>,
      %get3A_230 = vector.shape_cast %get3A_229 : vector<16xi32> to vector<16xi32>
      %broadcast_in_dim3A = arith.constant 1 : i32
      %broadcast_in_dim3A_231 = vector.broadcast %broadcast_in_dim3A : i32 to vector<16xi32>
      %broadcast_in_dim3A_232 = arith.constant 0 : i32
      %broadcast_in_dim3A_233 = vector.broadcast %broadcast_in_dim3A_232 : i32 to vector<16xi32>
      %eq3A = arith.cmpi eq, %get3A_230, %broadcast_in_dim3A_231 : vector<16xi32>
      %select_n3A = arith.select %eq3A, %broadcast_in_dim3A_231, %broadcast_in_dim3A_233 : vector<16xi1>, vector<16xi32>
      %mul3A_234 = arith.constant 16 : i32
      %mul3A_235 = arith.muli %scan3A_226, %mul3A_234 : i32
      %swap3A = arith.index_cast %mul3A_235 : i32 to index
      %swap3A_236 = tpu.vector_load %arg7[%swap3A] {strides = array<i32>} : memref<8192xi32, #tpu.memory_space<vmem>>, vector<16xi32>,
      %swap3A_237 = vector.shape_cast %swap3A_236 : vector<16xi32> to vector<16xi32>
      %swap3A_238 = vector.shape_cast %select_n3A : vector<16xi32> to vector<16xi32>
      tpu.vector_store %arg7[%swap3A], %swap3A_238 {strides = array<i32>} : memref<8192xi32, #tpu.memory_space<vmem>>, vector<16xi32>,
      %scan3A_239 = arith.constant 1 : i32
      %scan3A_240 = arith.addi %scan3A_226, %scan3A_239 : i32
      %mul3A_241 = arith.constant 16 : i32
      %mul3A_242 = arith.muli %scan3A_240, %mul3A_241 : i32
      %get3A_243 = arith.index_cast %mul3A_242 : i32 to index
      %get3A_244 = tpu.vector_load %arg7[%get3A_243] {strides = array<i32>} : memref<8192xi32, #tpu.memory_space<vmem>>, vector<16xi32>,
      %get3A_245 = vector.shape_cast %get3A_244 : vector<16xi32> to vector<16xi32>
      %broadcast_in_dim3A_246 = arith.constant 1 : i32
      %broadcast_in_dim3A_247 = vector.broadcast %broadcast_in_dim3A_246 : i32 to vector<16xi32>
      %broadcast_in_dim3A_248 = arith.constant 0 : i32
      %broadcast_in_dim3A_249 = vector.broadcast %broadcast_in_dim3A_248 : i32 to vector<16xi32>
      %eq3A_250 = arith.cmpi eq, %get3A_245, %broadcast_in_dim3A_247 : vector<16xi32>
      %select_n3A_251 = arith.select %eq3A_250, %broadcast_in_dim3A_247, %broadcast_in_dim3A_249 : vector<16xi1>, vector<16xi32>
      %mul3A_252 = arith.constant 16 : i32
      %mul3A_253 = arith.muli %scan3A_240, %mul3A_252 : i32
      %swap3A_254 = arith.index_cast %mul3A_253 : i32 to index
      %swap3A_255 = tpu.vector_load %arg7[%swap3A_254] {strides = array<i32>} : memref<8192xi32, #tpu.memory_space<vmem>>, vector<16xi32>,
      %swap3A_256 = vector.shape_cast %swap3A_255 : vector<16xi32> to vector<16xi32>
      %swap3A_257 = vector.shape_cast %select_n3A_251 : vector<16xi32> to vector<16xi32>
      tpu.vector_store %arg7[%swap3A_254], %swap3A_257 {strides = array<i32>} : memref<8192xi32, #tpu.memory_space<vmem>>, vector<16xi32>,
      %scan3A_258 = arith.constant 2 : i32
      %scan3A_259 = arith.addi %scan3A_226, %scan3A_258 : i32
      %mul3A_260 = arith.constant 16 : i32
      %mul3A_261 = arith.muli %scan3A_259, %mul3A_260 : i32
      %get3A_262 = arith.index_cast %mul3A_261 : i32 to index
      %get3A_263 = tpu.vector_load %arg7[%get3A_262] {strides = array<i32>} : memref<8192xi32, #tpu.memory_space<vmem>>, vector<16xi32>,
      %get3A_264 = vector.shape_cast %get3A_263 : vector<16xi32> to vector<16xi32>
      %broadcast_in_dim3A_265 = arith.constant 1 : i32
      %broadcast_in_dim3A_266 = vector.broadcast %broadcast_in_dim3A_265 : i32 to vector<16xi32>
      %broadcast_in_dim3A_267 = arith.constant 0 : i32
      %broadcast_in_dim3A_268 = vector.broadcast %broadcast_in_dim3A_267 : i32 to vector<16xi32>
      %eq3A_269 = arith.cmpi eq, %get3A_264, %broadcast_in_dim3A_266 : vector<16xi32>
      %select_n3A_270 = arith.select %eq3A_269, %broadcast_in_dim3A_266, %broadcast_in_dim3A_268 : vector<16xi1>, vector<16xi32>
      %mul3A_271 = arith.constant 16 : i32
      %mul3A_272 = arith.muli %scan3A_259, %mul3A_271 : i32
      %swap3A_273 = arith.index_cast %mul3A_272 : i32 to index
      %swap3A_274 = tpu.vector_load %arg7[%swap3A_273] {strides = array<i32>} : memref<8192xi32, #tpu.memory_space<vmem>>, vector<16xi32>,
      %swap3A_275 = vector.shape_cast %swap3A_274 : vector<16xi32> to vector<16xi32>
      %swap3A_276 = vector.shape_cast %select_n3A_270 : vector<16xi32> to vector<16xi32>
      tpu.vector_store %arg7[%swap3A_273], %swap3A_276 {strides = array<i32>} : memref<8192xi32, #tpu.memory_space<vmem>>, vector<16xi32>,
      %scan3A_277 = arith.constant 3 : i32
      %scan3A_278 = arith.addi %scan3A_226, %scan3A_277 : i32
      %mul3A_279 = arith.constant 16 : i32
      %mul3A_280 = arith.muli %scan3A_278, %mul3A_279 : i32
      %get3A_281 = arith.index_cast %mul3A_280 : i32 to index
      %get3A_282 = tpu.vector_load %arg7[%get3A_281] {strides = array<i32>} : memref<8192xi32, #tpu.memory_space<vmem>>, vector<16xi32>,
      %get3A_283 = vector.shape_cast %get3A_282 : vector<16xi32> to vector<16xi32>
      %broadcast_in_dim3A_284 = arith.constant 1 : i32
      %broadcast_in_dim3A_285 = vector.broadcast %broadcast_in_dim3A_284 : i32 to vector<16xi32>
      %broadcast_in_dim3A_286 = arith.constant 0 : i32
      %broadcast_in_dim3A_287 = vector.broadcast %broadcast_in_dim3A_286 : i32 to vector<16xi32>
      %eq3A_288 = arith.cmpi eq, %get3A_283, %broadcast_in_dim3A_285 : vector<16xi32>
      %select_n3A_289 = arith.select %eq3A_288, %broadcast_in_dim3A_285, %broadcast_in_dim3A_287 : vector<16xi1>, vector<16xi32>
      %mul3A_290 = arith.constant 16 : i32
      %mul3A_291 = arith.muli %scan3A_278, %mul3A_290 : i32
      %swap3A_292 = arith.index_cast %mul3A_291 : i32 to index
      %swap3A_293 = tpu.vector_load %arg7[%swap3A_292] {strides = array<i32>} : memref<8192xi32, #tpu.memory_space<vmem>>, vector<16xi32>,
      %swap3A_294 = vector.shape_cast %swap3A_293 : vector<16xi32> to vector<16xi32>
      %swap3A_295 = vector.shape_cast %select_n3A_289 : vector<16xi32> to vector<16xi32>
      tpu.vector_store %arg7[%swap3A_292], %swap3A_295 {strides = array<i32>} : memref<8192xi32, #tpu.memory_space<vmem>>, vector<16xi32>,
      %scan3A_296 = arith.constant 4 : i32
      %scan3A_297 = arith.addi %scan3A_226, %scan3A_296 : i32
      %mul3A_298 = arith.constant 16 : i32
      %mul3A_299 = arith.muli %scan3A_297, %mul3A_298 : i32
      %get3A_300 = arith.index_cast %mul3A_299 : i32 to index
      %get3A_301 = tpu.vector_load %arg7[%get3A_300] {strides = array<i32>} : memref<8192xi32, #tpu.memory_space<vmem>>, vector<16xi32>,
      %get3A_302 = vector.shape_cast %get3A_301 : vector<16xi32> to vector<16xi32>
      %broadcast_in_dim3A_303 = arith.constant 1 : i32
      %broadcast_in_dim3A_304 = vector.broadcast %broadcast_in_dim3A_303 : i32 to vector<16xi32>
      %broadcast_in_dim3A_305 = arith.constant 0 : i32
      %broadcast_in_dim3A_306 = vector.broadcast %broadcast_in_dim3A_305 : i32 to vector<16xi32>
      %eq3A_307 = arith.cmpi eq, %get3A_302, %broadcast_in_dim3A_304 : vector<16xi32>
      %select_n3A_308 = arith.select %eq3A_307, %broadcast_in_dim3A_304, %broadcast_in_dim3A_306 : vector<16xi1>, vector<16xi32>
      %mul3A_309 = arith.constant 16 : i32
      %mul3A_310 = arith.muli %scan3A_297, %mul3A_309 : i32
      %swap3A_311 = arith.index_cast %mul3A_310 : i32 to index
      %swap3A_312 = tpu.vector_load %arg7[%swap3A_311] {strides = array<i32>} : memref<8192xi32, #tpu.memory_space<vmem>>, vector<16xi32>,
      %swap3A_313 = vector.shape_cast %swap3A_312 : vector<16xi32> to vector<16xi32>
      %swap3A_314 = vector.shape_cast %select_n3A_308 : vector<16xi32> to vector<16xi32>
      tpu.vector_store %arg7[%swap3A_311], %swap3A_314 {strides = array<i32>} : memref<8192xi32, #tpu.memory_space<vmem>>, vector<16xi32>,
      %scan3A_315 = arith.constant 5 : i32
      %scan3A_316 = arith.addi %scan3A_226, %scan3A_315 : i32
      %mul3A_317 = arith.constant 16 : i32
      %mul3A_318 = arith.muli %scan3A_316, %mul3A_317 : i32
      %get3A_319 = arith.index_cast %mul3A_318 : i32 to index
      %get3A_320 = tpu.vector_load %arg7[%get3A_319] {strides = array<i32>} : memref<8192xi32, #tpu.memory_space<vmem>>, vector<16xi32>,
      %get3A_321 = vector.shape_cast %get3A_320 : vector<16xi32> to vector<16xi32>
      %broadcast_in_dim3A_322 = arith.constant 1 : i32
      %broadcast_in_dim3A_323 = vector.broadcast %broadcast_in_dim3A_322 : i32 to vector<16xi32>
      %broadcast_in_dim3A_324 = arith.constant 0 : i32
      %broadcast_in_dim3A_325 = vector.broadcast %broadcast_in_dim3A_324 : i32 to vector<16xi32>
      %eq3A_326 = arith.cmpi eq, %get3A_321, %broadcast_in_dim3A_323 : vector<16xi32>
      %select_n3A_327 = arith.select %eq3A_326, %broadcast_in_dim3A_323, %broadcast_in_dim3A_325 : vector<16xi1>, vector<16xi32>
      %mul3A_328 = arith.constant 16 : i32
      %mul3A_329 = arith.muli %scan3A_316, %mul3A_328 : i32
      %swap3A_330 = arith.index_cast %mul3A_329 : i32 to index
      %swap3A_331 = tpu.vector_load %arg7[%swap3A_330] {strides = array<i32>} : memref<8192xi32, #tpu.memory_space<vmem>>, vector<16xi32>,
      %swap3A_332 = vector.shape_cast %swap3A_331 : vector<16xi32> to vector<16xi32>
      %swap3A_333 = vector.shape_cast %select_n3A_327 : vector<16xi32> to vector<16xi32>
      tpu.vector_store %arg7[%swap3A_330], %swap3A_333 {strides = array<i32>} : memref<8192xi32, #tpu.memory_space<vmem>>, vector<16xi32>,
      %scan3A_334 = arith.constant 6 : i32
      %scan3A_335 = arith.addi %scan3A_226, %scan3A_334 : i32
      %mul3A_336 = arith.constant 16 : i32
      %mul3A_337 = arith.muli %scan3A_335, %mul3A_336 : i32
      %get3A_338 = arith.index_cast %mul3A_337 : i32 to index
      %get3A_339 = tpu.vector_load %arg7[%get3A_338] {strides = array<i32>} : memref<8192xi32, #tpu.memory_space<vmem>>, vector<16xi32>,
      %get3A_340 = vector.shape_cast %get3A_339 : vector<16xi32> to vector<16xi32>
      %broadcast_in_dim3A_341 = arith.constant 1 : i32
      %broadcast_in_dim3A_342 = vector.broadcast %broadcast_in_dim3A_341 : i32 to vector<16xi32>
      %broadcast_in_dim3A_343 = arith.constant 0 : i32
      %broadcast_in_dim3A_344 = vector.broadcast %broadcast_in_dim3A_343 : i32 to vector<16xi32>
      %eq3A_345 = arith.cmpi eq, %get3A_340, %broadcast_in_dim3A_342 : vector<16xi32>
      %select_n3A_346 = arith.select %eq3A_345, %broadcast_in_dim3A_342, %broadcast_in_dim3A_344 : vector<16xi1>, vector<16xi32>
      %mul3A_347 = arith.constant 16 : i32
      %mul3A_348 = arith.muli %scan3A_335, %mul3A_347 : i32
      %swap3A_349 = arith.index_cast %mul3A_348 : i32 to index
      %swap3A_350 = tpu.vector_load %arg7[%swap3A_349] {strides = array<i32>} : memref<8192xi32, #tpu.memory_space<vmem>>, vector<16xi32>,
      %swap3A_351 = vector.shape_cast %swap3A_350 : vector<16xi32> to vector<16xi32>
      %swap3A_352 = vector.shape_cast %select_n3A_346 : vector<16xi32> to vector<16xi32>
      tpu.vector_store %arg7[%swap3A_349], %swap3A_352 {strides = array<i32>} : memref<8192xi32, #tpu.memory_space<vmem>>, vector<16xi32>,
      %scan3A_353 = arith.constant 7 : i32
      %scan3A_354 = arith.addi %scan3A_226, %scan3A_353 : i32
      %mul3A_355 = arith.constant 16 : i32
      %mul3A_356 = arith.muli %scan3A_354, %mul3A_355 : i32
      %get3A_357 = arith.index_cast %mul3A_356 : i32 to index
      %get3A_358 = tpu.vector_load %arg7[%get3A_357] {strides = array<i32>} : memref<8192xi32, #tpu.memory_space<vmem>>, vector<16xi32>,
      %get3A_359 = vector.shape_cast %get3A_358 : vector<16xi32> to vector<16xi32>
      %broadcast_in_dim3A_360 = arith.constant 1 : i32
      %broadcast_in_dim3A_361 = vector.broadcast %broadcast_in_dim3A_360 : i32 to vector<16xi32>
      %broadcast_in_dim3A_362 = arith.constant 0 : i32
      %broadcast_in_dim3A_363 = vector.broadcast %broadcast_in_dim3A_362 : i32 to vector<16xi32>
      %eq3A_364 = arith.cmpi eq, %get3A_359, %broadcast_in_dim3A_361 : vector<16xi32>
      %select_n3A_365 = arith.select %eq3A_364, %broadcast_in_dim3A_361, %broadcast_in_dim3A_363 : vector<16xi1>, vector<16xi32>
      %mul3A_366 = arith.constant 16 : i32
      %mul3A_367 = arith.muli %scan3A_354, %mul3A_366 : i32
      %swap3A_368 = arith.index_cast %mul3A_367 : i32 to index
      %swap3A_369 = tpu.vector_load %arg7[%swap3A_368] {strides = array<i32>} : memref<8192xi32, #tpu.memory_space<vmem>>, vector<16xi32>,
      %swap3A_370 = vector.shape_cast %swap3A_369 : vector<16xi32> to vector<16xi32>
      %swap3A_371 = vector.shape_cast %select_n3A_365 : vector<16xi32> to vector<16xi32>
      tpu.vector_store %arg7[%swap3A_368], %swap3A_371 {strides = array<i32>} : memref<8192xi32, #tpu.memory_space<vmem>>, vector<16xi32>,
    }
    %scan3A_211 = arith.constant 512 : i32
    %add3A_212 = arith.constant 49152 : i32
    %add3A_213 = arith.addi %mul3A_2, %add3A_212 : i32
    "tpu.region"() ({
      %run_scoped3A = tpu.sem_alloc : memref<!tpu.dma_semaphore, #tpu.memory_space<semaphore_mem>>
      %dma_start3A_226 = tpu.memref_slice %arg4[%add3A_213] : memref<2097152xi32, #tpu.memory_space<hbm>> -> memref<8192xi32, #tpu.memory_space<hbm>>
      %dma_start3A_227 = tpu.memref_slice %arg4[%add3A_213] : memref<2097152xi32, #tpu.memory_space<hbm>> -> memref<8192xi32, #tpu.memory_space<hbm>>
      tpu.enqueue_dma source(%arg7 : memref<8192xi32, #tpu.memory_space<vmem>>) target(%dma_start3A_227 : memref<8192xi32, #tpu.memory_space<hbm>>) target_semaphore(%run_scoped3A : memref<!tpu.dma_semaphore, #tpu.memory_space<semaphore_mem>>)
      %dma_wait3A_228 = tpu.memref_slice %arg4[%add3A_213] : memref<2097152xi32, #tpu.memory_space<hbm>> -> memref<8192xi32, #tpu.memory_space<hbm>>
      %dma_wait3A_229 = tpu.memref_slice %arg4[%add3A_213] : memref<2097152xi32, #tpu.memory_space<hbm>> -> memref<8192xi32, #tpu.memory_space<hbm>>
      tpu.wait_dma2 semaphore(%run_scoped3A : memref<!tpu.dma_semaphore, #tpu.memory_space<semaphore_mem>>) src(%arg7 : memref<8192xi32, #tpu.memory_space<vmem>>) dst(%dma_wait3A_229 : memref<8192xi32, #tpu.memory_space<hbm>>)
      tpu.yield
    }) : () -> ()
    %dma_wait3A_214 = arith.constant 0 : i32
    %dma_wait3A_215 = tpu.memref_slice %arg3[%dma_wait3A_214] : memref<67108864xi32, #tpu.memory_space<hbm>> -> memref<8192xi32, #tpu.memory_space<hbm>>
    %dma_wait3A_216 = arith.constant 0 : i32
    %dma_wait3A_217 = tpu.memref_slice %arg3[%dma_wait3A_216] : memref<67108864xi32, #tpu.memory_space<hbm>> -> memref<8192xi32, #tpu.memory_space<hbm>>
    tpu.wait_dma2 semaphore(%arg10 : memref<!tpu.dma_semaphore, #tpu.memory_space<semaphore_mem>>) src(%dma_wait3A_217 : memref<8192xi32, #tpu.memory_space<hbm>>) dst(%arg8 : memref<8192xi32, #tpu.memory_space<vmem>>)
    %scan3A_218 = arith.constant 0 : i32
    %scan3A_219 = arith.constant 0 : i32
    %scan3A_220 = arith.constant 512 : i32
    %scan3A_221 = arith.addi %scan3A_219, %scan3A_220 : i32
    %scan3A_222 = arith.constant 8 : i32
    scf.for %scan3A_226 = %scan3A_219 to %scan3A_221 step %scan3A_222  : i32 {
      %mul3A_227 = arith.constant 16 : i32
      %mul3A_228 = arith.muli %scan3A_226, %mul3A_227 : i32
      %get3A = arith.index_cast %mul3A_228 : i32 to index
      %get3A_229 = tpu.vector_load %arg8[%get3A] {strides = array<i32>} : memref<8192xi32, #tpu.memory_space<vmem>>, vector<16xi32>,
      %get3A_230 = vector.shape_cast %get3A_229 : vector<16xi32> to vector<16xi32>
      %broadcast_in_dim3A = arith.constant 1 : i32
      %broadcast_in_dim3A_231 = vector.broadcast %broadcast_in_dim3A : i32 to vector<16xi32>
      %broadcast_in_dim3A_232 = arith.constant 0 : i32
      %broadcast_in_dim3A_233 = vector.broadcast %broadcast_in_dim3A_232 : i32 to vector<16xi32>
      %eq3A = arith.cmpi eq, %get3A_230, %broadcast_in_dim3A_231 : vector<16xi32>
      %select_n3A = arith.select %eq3A, %broadcast_in_dim3A_231, %broadcast_in_dim3A_233 : vector<16xi1>, vector<16xi32>
      %mul3A_234 = arith.constant 16 : i32
      %mul3A_235 = arith.muli %scan3A_226, %mul3A_234 : i32
      %swap3A = arith.index_cast %mul3A_235 : i32 to index
      %swap3A_236 = tpu.vector_load %arg8[%swap3A] {strides = array<i32>} : memref<8192xi32, #tpu.memory_space<vmem>>, vector<16xi32>,
      %swap3A_237 = vector.shape_cast %swap3A_236 : vector<16xi32> to vector<16xi32>
      %swap3A_238 = vector.shape_cast %select_n3A : vector<16xi32> to vector<16xi32>
      tpu.vector_store %arg8[%swap3A], %swap3A_238 {strides = array<i32>} : memref<8192xi32, #tpu.memory_space<vmem>>, vector<16xi32>,
      %scan3A_239 = arith.constant 1 : i32
      %scan3A_240 = arith.addi %scan3A_226, %scan3A_239 : i32
      %mul3A_241 = arith.constant 16 : i32
      %mul3A_242 = arith.muli %scan3A_240, %mul3A_241 : i32
      %get3A_243 = arith.index_cast %mul3A_242 : i32 to index
      %get3A_244 = tpu.vector_load %arg8[%get3A_243] {strides = array<i32>} : memref<8192xi32, #tpu.memory_space<vmem>>, vector<16xi32>,
      %get3A_245 = vector.shape_cast %get3A_244 : vector<16xi32> to vector<16xi32>
      %broadcast_in_dim3A_246 = arith.constant 1 : i32
      %broadcast_in_dim3A_247 = vector.broadcast %broadcast_in_dim3A_246 : i32 to vector<16xi32>
      %broadcast_in_dim3A_248 = arith.constant 0 : i32
      %broadcast_in_dim3A_249 = vector.broadcast %broadcast_in_dim3A_248 : i32 to vector<16xi32>
      %eq3A_250 = arith.cmpi eq, %get3A_245, %broadcast_in_dim3A_247 : vector<16xi32>
      %select_n3A_251 = arith.select %eq3A_250, %broadcast_in_dim3A_247, %broadcast_in_dim3A_249 : vector<16xi1>, vector<16xi32>
      %mul3A_252 = arith.constant 16 : i32
      %mul3A_253 = arith.muli %scan3A_240, %mul3A_252 : i32
      %swap3A_254 = arith.index_cast %mul3A_253 : i32 to index
      %swap3A_255 = tpu.vector_load %arg8[%swap3A_254] {strides = array<i32>} : memref<8192xi32, #tpu.memory_space<vmem>>, vector<16xi32>,
      %swap3A_256 = vector.shape_cast %swap3A_255 : vector<16xi32> to vector<16xi32>
      %swap3A_257 = vector.shape_cast %select_n3A_251 : vector<16xi32> to vector<16xi32>
      tpu.vector_store %arg8[%swap3A_254], %swap3A_257 {strides = array<i32>} : memref<8192xi32, #tpu.memory_space<vmem>>, vector<16xi32>,
      %scan3A_258 = arith.constant 2 : i32
      %scan3A_259 = arith.addi %scan3A_226, %scan3A_258 : i32
      %mul3A_260 = arith.constant 16 : i32
      %mul3A_261 = arith.muli %scan3A_259, %mul3A_260 : i32
      %get3A_262 = arith.index_cast %mul3A_261 : i32 to index
      %get3A_263 = tpu.vector_load %arg8[%get3A_262] {strides = array<i32>} : memref<8192xi32, #tpu.memory_space<vmem>>, vector<16xi32>,
      %get3A_264 = vector.shape_cast %get3A_263 : vector<16xi32> to vector<16xi32>
      %broadcast_in_dim3A_265 = arith.constant 1 : i32
      %broadcast_in_dim3A_266 = vector.broadcast %broadcast_in_dim3A_265 : i32 to vector<16xi32>
      %broadcast_in_dim3A_267 = arith.constant 0 : i32
      %broadcast_in_dim3A_268 = vector.broadcast %broadcast_in_dim3A_267 : i32 to vector<16xi32>
      %eq3A_269 = arith.cmpi eq, %get3A_264, %broadcast_in_dim3A_266 : vector<16xi32>
      %select_n3A_270 = arith.select %eq3A_269, %broadcast_in_dim3A_266, %broadcast_in_dim3A_268 : vector<16xi1>, vector<16xi32>
      %mul3A_271 = arith.constant 16 : i32
      %mul3A_272 = arith.muli %scan3A_259, %mul3A_271 : i32
      %swap3A_273 = arith.index_cast %mul3A_272 : i32 to index
      %swap3A_274 = tpu.vector_load %arg8[%swap3A_273] {strides = array<i32>} : memref<8192xi32, #tpu.memory_space<vmem>>, vector<16xi32>,
      %swap3A_275 = vector.shape_cast %swap3A_274 : vector<16xi32> to vector<16xi32>
      %swap3A_276 = vector.shape_cast %select_n3A_270 : vector<16xi32> to vector<16xi32>
      tpu.vector_store %arg8[%swap3A_273], %swap3A_276 {strides = array<i32>} : memref<8192xi32, #tpu.memory_space<vmem>>, vector<16xi32>,
      %scan3A_277 = arith.constant 3 : i32
      %scan3A_278 = arith.addi %scan3A_226, %scan3A_277 : i32
      %mul3A_279 = arith.constant 16 : i32
      %mul3A_280 = arith.muli %scan3A_278, %mul3A_279 : i32
      %get3A_281 = arith.index_cast %mul3A_280 : i32 to index
      %get3A_282 = tpu.vector_load %arg8[%get3A_281] {strides = array<i32>} : memref<8192xi32, #tpu.memory_space<vmem>>, vector<16xi32>,
      %get3A_283 = vector.shape_cast %get3A_282 : vector<16xi32> to vector<16xi32>
      %broadcast_in_dim3A_284 = arith.constant 1 : i32
      %broadcast_in_dim3A_285 = vector.broadcast %broadcast_in_dim3A_284 : i32 to vector<16xi32>
      %broadcast_in_dim3A_286 = arith.constant 0 : i32
      %broadcast_in_dim3A_287 = vector.broadcast %broadcast_in_dim3A_286 : i32 to vector<16xi32>
      %eq3A_288 = arith.cmpi eq, %get3A_283, %broadcast_in_dim3A_285 : vector<16xi32>
      %select_n3A_289 = arith.select %eq3A_288, %broadcast_in_dim3A_285, %broadcast_in_dim3A_287 : vector<16xi1>, vector<16xi32>
      %mul3A_290 = arith.constant 16 : i32
      %mul3A_291 = arith.muli %scan3A_278, %mul3A_290 : i32
      %swap3A_292 = arith.index_cast %mul3A_291 : i32 to index
      %swap3A_293 = tpu.vector_load %arg8[%swap3A_292] {strides = array<i32>} : memref<8192xi32, #tpu.memory_space<vmem>>, vector<16xi32>,
      %swap3A_294 = vector.shape_cast %swap3A_293 : vector<16xi32> to vector<16xi32>
      %swap3A_295 = vector.shape_cast %select_n3A_289 : vector<16xi32> to vector<16xi32>
      tpu.vector_store %arg8[%swap3A_292], %swap3A_295 {strides = array<i32>} : memref<8192xi32, #tpu.memory_space<vmem>>, vector<16xi32>,
      %scan3A_296 = arith.constant 4 : i32
      %scan3A_297 = arith.addi %scan3A_226, %scan3A_296 : i32
      %mul3A_298 = arith.constant 16 : i32
      %mul3A_299 = arith.muli %scan3A_297, %mul3A_298 : i32
      %get3A_300 = arith.index_cast %mul3A_299 : i32 to index
      %get3A_301 = tpu.vector_load %arg8[%get3A_300] {strides = array<i32>} : memref<8192xi32, #tpu.memory_space<vmem>>, vector<16xi32>,
      %get3A_302 = vector.shape_cast %get3A_301 : vector<16xi32> to vector<16xi32>
      %broadcast_in_dim3A_303 = arith.constant 1 : i32
      %broadcast_in_dim3A_304 = vector.broadcast %broadcast_in_dim3A_303 : i32 to vector<16xi32>
      %broadcast_in_dim3A_305 = arith.constant 0 : i32
      %broadcast_in_dim3A_306 = vector.broadcast %broadcast_in_dim3A_305 : i32 to vector<16xi32>
      %eq3A_307 = arith.cmpi eq, %get3A_302, %broadcast_in_dim3A_304 : vector<16xi32>
      %select_n3A_308 = arith.select %eq3A_307, %broadcast_in_dim3A_304, %broadcast_in_dim3A_306 : vector<16xi1>, vector<16xi32>
      %mul3A_309 = arith.constant 16 : i32
      %mul3A_310 = arith.muli %scan3A_297, %mul3A_309 : i32
      %swap3A_311 = arith.index_cast %mul3A_310 : i32 to index
      %swap3A_312 = tpu.vector_load %arg8[%swap3A_311] {strides = array<i32>} : memref<8192xi32, #tpu.memory_space<vmem>>, vector<16xi32>,
      %swap3A_313 = vector.shape_cast %swap3A_312 : vector<16xi32> to vector<16xi32>
      %swap3A_314 = vector.shape_cast %select_n3A_308 : vector<16xi32> to vector<16xi32>
      tpu.vector_store %arg8[%swap3A_311], %swap3A_314 {strides = array<i32>} : memref<8192xi32, #tpu.memory_space<vmem>>, vector<16xi32>,
      %scan3A_315 = arith.constant 5 : i32
      %scan3A_316 = arith.addi %scan3A_226, %scan3A_315 : i32
      %mul3A_317 = arith.constant 16 : i32
      %mul3A_318 = arith.muli %scan3A_316, %mul3A_317 : i32
      %get3A_319 = arith.index_cast %mul3A_318 : i32 to index
      %get3A_320 = tpu.vector_load %arg8[%get3A_319] {strides = array<i32>} : memref<8192xi32, #tpu.memory_space<vmem>>, vector<16xi32>,
      %get3A_321 = vector.shape_cast %get3A_320 : vector<16xi32> to vector<16xi32>
      %broadcast_in_dim3A_322 = arith.constant 1 : i32
      %broadcast_in_dim3A_323 = vector.broadcast %broadcast_in_dim3A_322 : i32 to vector<16xi32>
      %broadcast_in_dim3A_324 = arith.constant 0 : i32
      %broadcast_in_dim3A_325 = vector.broadcast %broadcast_in_dim3A_324 : i32 to vector<16xi32>
      %eq3A_326 = arith.cmpi eq, %get3A_321, %broadcast_in_dim3A_323 : vector<16xi32>
      %select_n3A_327 = arith.select %eq3A_326, %broadcast_in_dim3A_323, %broadcast_in_dim3A_325 : vector<16xi1>, vector<16xi32>
      %mul3A_328 = arith.constant 16 : i32
      %mul3A_329 = arith.muli %scan3A_316, %mul3A_328 : i32
      %swap3A_330 = arith.index_cast %mul3A_329 : i32 to index
      %swap3A_331 = tpu.vector_load %arg8[%swap3A_330] {strides = array<i32>} : memref<8192xi32, #tpu.memory_space<vmem>>, vector<16xi32>,
      %swap3A_332 = vector.shape_cast %swap3A_331 : vector<16xi32> to vector<16xi32>
      %swap3A_333 = vector.shape_cast %select_n3A_327 : vector<16xi32> to vector<16xi32>
      tpu.vector_store %arg8[%swap3A_330], %swap3A_333 {strides = array<i32>} : memref<8192xi32, #tpu.memory_space<vmem>>, vector<16xi32>,
      %scan3A_334 = arith.constant 6 : i32
      %scan3A_335 = arith.addi %scan3A_226, %scan3A_334 : i32
      %mul3A_336 = arith.constant 16 : i32
      %mul3A_337 = arith.muli %scan3A_335, %mul3A_336 : i32
      %get3A_338 = arith.index_cast %mul3A_337 : i32 to index
      %get3A_339 = tpu.vector_load %arg8[%get3A_338] {strides = array<i32>} : memref<8192xi32, #tpu.memory_space<vmem>>, vector<16xi32>,
      %get3A_340 = vector.shape_cast %get3A_339 : vector<16xi32> to vector<16xi32>
      %broadcast_in_dim3A_341 = arith.constant 1 : i32
      %broadcast_in_dim3A_342 = vector.broadcast %broadcast_in_dim3A_341 : i32 to vector<16xi32>
      %broadcast_in_dim3A_343 = arith.constant 0 : i32
      %broadcast_in_dim3A_344 = vector.broadcast %broadcast_in_dim3A_343 : i32 to vector<16xi32>
      %eq3A_345 = arith.cmpi eq, %get3A_340, %broadcast_in_dim3A_342 : vector<16xi32>
      %select_n3A_346 = arith.select %eq3A_345, %broadcast_in_dim3A_342, %broadcast_in_dim3A_344 : vector<16xi1>, vector<16xi32>
      %mul3A_347 = arith.constant 16 : i32
      %mul3A_348 = arith.muli %scan3A_335, %mul3A_347 : i32
      %swap3A_349 = arith.index_cast %mul3A_348 : i32 to index
      %swap3A_350 = tpu.vector_load %arg8[%swap3A_349] {strides = array<i32>} : memref<8192xi32, #tpu.memory_space<vmem>>, vector<16xi32>,
      %swap3A_351 = vector.shape_cast %swap3A_350 : vector<16xi32> to vector<16xi32>
      %swap3A_352 = vector.shape_cast %select_n3A_346 : vector<16xi32> to vector<16xi32>
      tpu.vector_store %arg8[%swap3A_349], %swap3A_352 {strides = array<i32>} : memref<8192xi32, #tpu.memory_space<vmem>>, vector<16xi32>,
      %scan3A_353 = arith.constant 7 : i32
      %scan3A_354 = arith.addi %scan3A_226, %scan3A_353 : i32
      %mul3A_355 = arith.constant 16 : i32
      %mul3A_356 = arith.muli %scan3A_354, %mul3A_355 : i32
      %get3A_357 = arith.index_cast %mul3A_356 : i32 to index
      %get3A_358 = tpu.vector_load %arg8[%get3A_357] {strides = array<i32>} : memref<8192xi32, #tpu.memory_space<vmem>>, vector<16xi32>,
      %get3A_359 = vector.shape_cast %get3A_358 : vector<16xi32> to vector<16xi32>
      %broadcast_in_dim3A_360 = arith.constant 1 : i32
      %broadcast_in_dim3A_361 = vector.broadcast %broadcast_in_dim3A_360 : i32 to vector<16xi32>
      %broadcast_in_dim3A_362 = arith.constant 0 : i32
      %broadcast_in_dim3A_363 = vector.broadcast %broadcast_in_dim3A_362 : i32 to vector<16xi32>
      %eq3A_364 = arith.cmpi eq, %get3A_359, %broadcast_in_dim3A_361 : vector<16xi32>
      %select_n3A_365 = arith.select %eq3A_364, %broadcast_in_dim3A_361, %broadcast_in_dim3A_363 : vector<16xi1>, vector<16xi32>
      %mul3A_366 = arith.constant 16 : i32
      %mul3A_367 = arith.muli %scan3A_354, %mul3A_366 : i32
      %swap3A_368 = arith.index_cast %mul3A_367 : i32 to index
      %swap3A_369 = tpu.vector_load %arg8[%swap3A_368] {strides = array<i32>} : memref<8192xi32, #tpu.memory_space<vmem>>, vector<16xi32>,
      %swap3A_370 = vector.shape_cast %swap3A_369 : vector<16xi32> to vector<16xi32>
      %swap3A_371 = vector.shape_cast %select_n3A_365 : vector<16xi32> to vector<16xi32>
      tpu.vector_store %arg8[%swap3A_368], %swap3A_371 {strides = array<i32>} : memref<8192xi32, #tpu.memory_space<vmem>>, vector<16xi32>,
    }
    %scan3A_223 = arith.constant 512 : i32
    %add3A_224 = arith.constant 57344 : i32
    %add3A_225 = arith.addi %mul3A_2, %add3A_224 : i32
    "tpu.region"() ({
      %run_scoped3A = tpu.sem_alloc : memref<!tpu.dma_semaphore, #tpu.memory_space<semaphore_mem>>
      %dma_start3A_226 = tpu.memref_slice %arg4[%add3A_225] : memref<2097152xi32, #tpu.memory_space<hbm>> -> memref<8192xi32, #tpu.memory_space<hbm>>
      %dma_start3A_227 = tpu.memref_slice %arg4[%add3A_225] : memref<2097152xi32, #tpu.memory_space<hbm>> -> memref<8192xi32, #tpu.memory_space<hbm>>
      tpu.enqueue_dma source(%arg8 : memref<8192xi32, #tpu.memory_space<vmem>>) target(%dma_start3A_227 : memref<8192xi32, #tpu.memory_space<hbm>>) target_semaphore(%run_scoped3A : memref<!tpu.dma_semaphore, #tpu.memory_space<semaphore_mem>>)
      %dma_wait3A_228 = tpu.memref_slice %arg4[%add3A_225] : memref<2097152xi32, #tpu.memory_space<hbm>> -> memref<8192xi32, #tpu.memory_space<hbm>>
      %dma_wait3A_229 = tpu.memref_slice %arg4[%add3A_225] : memref<2097152xi32, #tpu.memory_space<hbm>> -> memref<8192xi32, #tpu.memory_space<hbm>>
      tpu.wait_dma2 semaphore(%run_scoped3A : memref<!tpu.dma_semaphore, #tpu.memory_space<semaphore_mem>>) src(%arg8 : memref<8192xi32, #tpu.memory_space<vmem>>) dst(%dma_wait3A_229 : memref<8192xi32, #tpu.memory_space<hbm>>)
      tpu.yield
    }) : () -> ()
    return
  }
}

module attributes {stable_mosaic.version = 14 : i64} {
  func.func @_addr_body(%arg0: i32, %arg1: memref<512x2048xbf16, #tpu.memory_space<vmem>>, %arg2: memref<512x2048xf32, #tpu.memory_space<vmem>>, %arg3: memref<512x512xi32, #tpu.memory_space<vmem>>) attributes {dimension_semantics = [#tpu.dimension_semantics<arbitrary>], iteration_bounds = array<i64: 8>, scalar_prefetch = 0 : i64, scratch_operands = 0 : i64, tpu.core_type = #tpu.core_type<tc>, window_params = [{pipeline_mode = #tpu.pipeline_mode<synchronous>, transform_indices = @transform_0, window_bounds = array<i64: 512, 2048>}, {transform_indices = @transform_1, window_bounds = array<i64: 512, 2048>}, {transform_indices = @transform_2, window_bounds = array<i64: 512, 512>}]} {
    %get3A = arith.constant 0 : index
    %get3A_0 = arith.constant 0 : index
    %get3A_1 = vector.load %arg2[%get3A, %get3A_0] : memref<512x2048xf32, #tpu.memory_space<vmem>>, vector<512x2048xf32>
    %mul3A = arith.constant 7.812500e-03 : f32
    %mul3A_2 = vector.broadcast %mul3A : f32 to vector<512x2048xf32>
    %mul3A_3 = arith.mulf %get3A_1, %mul3A_2 : vector<512x2048xf32>
    %floor3A = math.floor %mul3A_3 : vector<512x2048xf32>
    %mul3A_4 = arith.constant 1.280000e+02 : f32
    %mul3A_5 = vector.broadcast %mul3A_4 : f32 to vector<512x2048xf32>
    %mul3A_6 = arith.mulf %floor3A, %mul3A_5 : vector<512x2048xf32>
    %sub3A = arith.subf %get3A_1, %mul3A_6 : vector<512x2048xf32>
    %convert_element_type3A = arith.truncf %sub3A : vector<512x2048xf32> to vector<512x2048xbf16>
    %get3A_7 = arith.constant 0 : index
    %get3A_8 = arith.constant 0 : index
    %get3A_9 = vector.load %arg1[%get3A_7, %get3A_8] : memref<512x2048xbf16, #tpu.memory_space<vmem>>, vector<512x2048xbf16>
    %dot_general3A = arith.constant dense<0.000000e+00> : vector<512x512xf32>
    %dot_general3A_10 = tpu.matmul %convert_element_type3A, %get3A_9, %dot_general3A {dimension_numbers = #tpu.dot_dimension_numbers<[1], [1], [0], [0], [0, 0, 1, 0], [], []>, transpose_lhs_hint = false} : vector<512x2048xbf16>, vector<512x2048xbf16>, vector<512x512xf32> -> vector<512x512xf32>
    %convert_element_type3A_11 = arith.truncf %floor3A : vector<512x2048xf32> to vector<512x2048xbf16>
    %get3A_12 = arith.constant 0 : index
    %get3A_13 = arith.constant 0 : index
    %get3A_14 = vector.load %arg1[%get3A_12, %get3A_13] : memref<512x2048xbf16, #tpu.memory_space<vmem>>, vector<512x2048xbf16>
    %dot_general3A_15 = arith.constant dense<0.000000e+00> : vector<512x512xf32>
    %dot_general3A_16 = tpu.matmul %convert_element_type3A_11, %get3A_14, %dot_general3A_15 {dimension_numbers = #tpu.dot_dimension_numbers<[1], [1], [0], [0], [0, 0, 1, 0], [], []>, transpose_lhs_hint = false} : vector<512x2048xbf16>, vector<512x2048xbf16>, vector<512x512xf32> -> vector<512x512xf32>
    %mul3A_17 = arith.constant 512 : i32
    %mul3A_18 = arith.muli %arg0, %mul3A_17 : i32
    %iota3A = tpu.iota {dimensions = array<i32: 0>} : vector<512x512xi32>
    %add3A = vector.broadcast %mul3A_18 : i32 to vector<512x512xi32>
    %add3A_19 = arith.addi %iota3A, %add3A : vector<512x512xi32>
    %convert_element_type3A_20 = arith.fptosi %dot_general3A_10 : vector<512x512xf32> to vector<512x512xi32>
    %convert_element_type3A_21 = arith.fptosi %dot_general3A_16 : vector<512x512xf32> to vector<512x512xi32>
    %shift_left3A = arith.constant 7 : i32
    %shift_left3A_22 = vector.broadcast %shift_left3A : i32 to vector<512x512xi32>
    %shift_left3A_23 = arith.shli %convert_element_type3A_21, %shift_left3A_22 : vector<512x512xi32>
    %add3A_24 = arith.addi %convert_element_type3A_20, %shift_left3A_23 : vector<512x512xi32>
    %shift_right_arithmetic3A = arith.constant 3 : i32
    %shift_right_arithmetic3A_25 = vector.broadcast %shift_right_arithmetic3A : i32 to vector<512x512xi32>
    %shift_right_arithmetic3A_26 = arith.shrsi %add3A_19, %shift_right_arithmetic3A_25 : vector<512x512xi32>
    %shift_left3A_27 = arith.constant 17 : i32
    %shift_left3A_28 = vector.broadcast %shift_left3A_27 : i32 to vector<512x512xi32>
    %shift_left3A_29 = arith.shli %shift_right_arithmetic3A_26, %shift_left3A_28 : vector<512x512xi32>
    %shift_right_arithmetic3A_30 = arith.constant 7 : i32
    %shift_right_arithmetic3A_31 = vector.broadcast %shift_right_arithmetic3A_30 : i32 to vector<512x512xi32>
    %shift_right_arithmetic3A_32 = arith.shrsi %add3A_24, %shift_right_arithmetic3A_31 : vector<512x512xi32>
    %shift_left3A_33 = arith.constant 10 : i32
    %shift_left3A_34 = vector.broadcast %shift_left3A_33 : i32 to vector<512x512xi32>
    %shift_left3A_35 = arith.shli %shift_right_arithmetic3A_32, %shift_left3A_34 : vector<512x512xi32>
    %add3A_36 = arith.addi %shift_left3A_29, %shift_left3A_35 : vector<512x512xi32>
    %and3A = arith.constant 7 : i32
    %and3A_37 = vector.broadcast %and3A : i32 to vector<512x512xi32>
    %and3A_38 = arith.andi %add3A_19, %and3A_37 : vector<512x512xi32>
    %shift_left3A_39 = arith.constant 7 : i32
    %shift_left3A_40 = vector.broadcast %shift_left3A_39 : i32 to vector<512x512xi32>
    %shift_left3A_41 = arith.shli %and3A_38, %shift_left3A_40 : vector<512x512xi32>
    %add3A_42 = arith.addi %add3A_36, %shift_left3A_41 : vector<512x512xi32>
    %and3A_43 = arith.constant 127 : i32
    %and3A_44 = vector.broadcast %and3A_43 : i32 to vector<512x512xi32>
    %and3A_45 = arith.andi %add3A_24, %and3A_44 : vector<512x512xi32>
    %add3A_46 = arith.addi %add3A_42, %and3A_45 : vector<512x512xi32>
    %swap3A = arith.constant 0 : index
    %swap3A_47 = arith.constant 0 : index
    %swap3A_48 = vector.load %arg3[%swap3A, %swap3A_47] : memref<512x512xi32, #tpu.memory_space<vmem>>, vector<512x512xi32>
    tpu.vector_store %arg3[%swap3A, %swap3A_47], %add3A_46 {strides = array<i32>} : memref<512x512xi32, #tpu.memory_space<vmem>>, vector<512x512xi32>,
    return
  }
  func.func @transform_0(%arg0: i32) -> (i32, i32) {
    %c0_i32 = arith.constant 0 : i32
    %c0_i32_0 = arith.constant 0 : i32
    %c0_i32_1 = arith.constant 0 : i32
    return %c0_i32, %c0_i32_0 : i32, i32
  }
  func.func @transform_1(%arg0: i32) -> (i32, i32) {
    %c0_i32 = arith.constant 0 : i32
    %c0_i32_0 = arith.constant 0 : i32
    return %arg0, %c0_i32 : i32, i32
  }
  func.func @transform_2(%arg0: i32) -> (i32, i32) {
    %c0_i32 = arith.constant 0 : i32
    %c0_i32_0 = arith.constant 0 : i32
    return %arg0, %c0_i32 : i32, i32
  }
}

</mosaic_0001>

<sc_bundles>
// kernel: kernel.4.cloned.1.call-start
scs
__scs_entry_jumppad:
0x0: {  	(pc) =	sbr.rel $0x88, $3  }
0x1: {  	(tag) =	ssettag $0x0;
	lr =	simm.s32 $0x1  }
0x2: {  	[smem:$0x3F9E] =	sst lr;
	_ =	strace $0xD0000000  }
0x3: {  	_ = 	snop  }
0x4: {  	_ = 	snop  }
0x5: {  	_ = 	snop  }
0x6: {  	_ = 	snop  }
0x7: {  	_ = 	snop  }
__scs_overlays_trampoline_lowered:
0x8: {  	[smem:$0x3FAD] =	sst s0  }
0x9: {  	[smem:$0x3FAE] =	sst s1  }
0xa: {  	[smem:$0x3FAF] =	sst s2  }
0xb: {  	[smem:$0x3FB0] =	sst s3  }
0xc: {  	[smem:$0x3FB1] =	sst s4  }
0xd: {  	[smem:$0x3FB2] =	sst s5  }
0xe: {  	[smem:$0x3FB3] =	sst s6  }
0xf: {  	[smem:$0x3FB4] =	sst s7  }
0x10: {  	[smem:$0x3FB5] =	sst s8  }
0x11: {  	[smem:$0x3FB6] =	sst s9;
	s0 =	simm.s32 @!p0 $0x0  }
0x12: {  	s1 =	sld [smem:$0x3F9C];
	s0 =	simm.s32 @p0 $0x1  }
0x13: {  	[smem:$0x3FB7] =	sst s0;
	s0 =	simm.s32 @!p1 $0x0  }
0x14: {  	s2 =	sld [smem:$0x3F9B];
	s0 =	simm.s32 @p1 $0x1  }
0x15: {  	[smem:$0x3FB8] =	sst s0;
	s0 =	simm.s32 @!p2 $0x0  }
0x16: {  	s3 =	sld [smem:$0x3FDB];
	s0 =	simm.s32 @p2 $0x1  }
0x17: {  	s4 =	simm.s32 $0x1BF5;
	[smem:$0x3FBA] =	sst s0  }
0x18: {  	s0 =	sld [smem:$0x3F9D];
	_ =	swait.ge [sflag:s4], $0x0  }
0x19: {  	s7 =	sld [smem:$0x3F9E]  }
0x1a: {  	s8 =	sadd.s32 $0xFFFFE003, lr  }
0x1b: {  	s9 =	sadd.s32 $0xFFFFFEF7, lr;
	s5 =	simm.s32 $0xFFFFFFFF;
	p2 =	slt.u32 s8, $0xFFFFF086  }
0x1c: {  	p1 =	slt.u32 s9, $0xF7A;
	s5 =	simm.s32 @!p2 $0x0  }
0x1d: {  	s5 =	simm.s32 @p1 $0x1;
	p0 =	seq.s32 s7, s2  }
0x1e: {  	s7 =	smul.u32 @!p0 $0xF7A, s2;
	p2 =	seq.s32 @!p0 s5, $0x0  }
0x1f: {  	s9 =	smul.u32 $0xF7A, s1;
	s8 =	simm.s32 @!p0 $0x1BF5;
	p2 =	por !p2, p0  }
0x20: {  	[sflag:s8] =	ssyncset.s32 @!p0 $0xFFFFF086;
	s6 =	sadd.s32 @!p0 s3, s7;
	s7 =	simm.s32 @!p0 $0x108  }
0x21: {  	s3 =	sadd.s32 s3, s9;
	s6 =	sadd.s32 @!p0 $0x88, s6;
	s7 =	simm.s32 @p2 $0x1082  }
0x22: {  	[simem:s7], [sflag:s8] =	dma.local @!p0 [hbm:s6], $0xF7A  }
0x23: {  	s9 =	sor.u32 $0xD0000000, s2;
	s6 =	simm.s32 $0x108;
	_ =	swait.ge @!p0 [sflag:s8], $0x0  }
0x24: {  	s3 =	sadd.s32 $0x88, s3;
	s6 =	simm.s32 @!p1 $0x1082;
	[sflag:s4] =	ssyncset.s32 $0xFFFFF086  }
0x25: {  	[simem:s6], [sflag:s4] =	dma.local [hbm:s3], $0xF7A  }
0x26: {  	[smem:$0x3F9E] =	sst s1;
	(tag) =	ssettag s2;
	_ =	strace s9  }
0x27: {  	s1 =	sld [smem:$0x3FAE]  }
0x28: {  	s2 =	sld [smem:$0x3FAF]  }
0x29: {  	s4 =	sld [smem:$0x3FB1]  }
0x2a: {  	p0 =	seq.s32 s5, $0x0;
	s5 =	sld [smem:$0x3FB2]  }
0x2b: {  	s6 =	sld [smem:$0x3FB3]  }
0x2c: {  	s7 =	sld [smem:$0x3FB4]  }
0x2d: {  	s3 =	simm.s32 $0x108;
	s8 =	sld [smem:$0x3FB5]  }
0x2e: {  	s3 =	simm.s32 @!p0 $0x1082;
	s9 =	sld [smem:$0x3FB6]  }
0x2f: {  	lr =	sadd.s32 s0, s3;
	s0 =	sld [smem:$0x3FAD]  }
0x30: {  	s3 =	sld [smem:$0x3FB0]  }
0x31: {  	[smem:$0x3FB9] =	sst s10  }
0x32: {  	s10 =	sld [smem:$0x3FB7];
	_ =	sdelay $0x3  }
0x33: {  	p0 =	seq.s32 s10, $0x1;
	s10 =	sld [smem:$0x3FB9];
	_ =	sdelay $0x3  }
0x34: {  	[smem:$0x3FB9] =	sst s10  }
0x35: {  	s10 =	sld [smem:$0x3FB8];
	_ =	sdelay $0x3  }
0x36: {  	p1 =	seq.s32 s10, $0x1;
	s10 =	sld [smem:$0x3FB9];
	_ =	sdelay $0x3  }
0x37: {  	[smem:$0x3FB9] =	sst s10  }
0x38: {  	s10 =	sld [smem:$0x3FBA]  }
0x39: {  	_ = 	snop;
	(pc) =	sbr.ind lr, $3  }
0x3a: {  	_ = 	snop  }
0x3b: {  	_ = 	snop  }
0x3c: {  	p2 =	seq.s32 s10, $0x1;
	s10 =	sld [smem:$0x3FB9]  }
0x3d: {  	_ =	shalt  }
0x3e: {  	_ =	shalt  }
0x3f: {  	_ =	shalt  }
0x40: {  	_ =	shalt  }
0x41: {  	_ =	shalt  }
0x42: {  	_ =	shalt  }
0x43: {  	_ =	shalt  }
0x44: {  	_ =	shalt  }
0x45: {  	_ =	shalt  }
0x46: {  	_ =	shalt  }
0x47: {  	_ =	shalt  }
0x48: {  	_ =	shalt  }
0x49: {  	_ =	shalt  }
0x4a: {  	_ =	shalt  }
0x4b: {  	_ =	shalt  }
0x4c: {  	_ =	shalt  }
0x4d: {  	_ =	shalt  }
0x4e: {  	_ =	shalt  }
0x4f: {  	_ =	shalt  }
0x50: {  	_ =	shalt  }
0x51: {  	_ =	shalt  }
0x52: {  	_ =	shalt  }
0x53: {  	_ =	shalt  }
0x54: {  	_ =	shalt  }
0x55: {  	_ =	shalt  }
0x56: {  	_ =	shalt  }
0x57: {  	_ =	shalt  }
0x58: {  	_ =	shalt  }
0x59: {  	_ =	shalt  }
0x5a: {  	_ =	shalt  }
0x5b: {  	_ =	shalt  }
0x5c: {  	_ =	shalt  }
0x5d: {  	_ =	shalt  }
0x5e: {  	_ =	shalt  }
0x5f: {  	_ =	shalt  }
0x60: {  	_ =	shalt  }
0x61: {  	_ =	shalt  }
0x62: {  	_ =	shalt  }
0x63: {  	_ =	shalt  }
0x64: {  	_ =	shalt  }
0x65: {  	_ =	shalt  }
0x66: {  	_ =	shalt  }
0x67: {  	_ =	shalt  }
0x68: {  	_ =	shalt  }
0x69: {  	_ =	shalt  }
0x6a: {  	_ =	shalt  }
0x6b: {  	_ =	shalt  }
0x6c: {  	_ =	shalt  }
0x6d: {  	_ =	shalt  }
0x6e: {  	_ =	shalt  }
0x6f: {  	_ =	shalt  }
0x70: {  	_ =	shalt  }
0x71: {  	_ =	shalt  }
0x72: {  	_ =	shalt  }
0x73: {  	_ =	shalt  }
0x74: {  	_ =	shalt  }
0x75: {  	_ =	shalt  }
0x76: {  	_ =	shalt  }
0x77: {  	_ =	shalt  }
0x78: {  	_ =	shalt  }
0x79: {  	_ =	shalt  }
0x7a: {  	_ =	shalt  }
0x7b: {  	_ =	shalt  }
0x7c: {  	_ =	shalt  }
0x7d: {  	_ =	shalt  }
0x7e: {  	_ =	shalt  }
0x7f: {  	_ =	shalt  }
0x80: {  	_ =	shalt  }
0x81: {  	_ =	shalt  }
0x82: {  	_ =	shalt  }
0x83: {  	_ =	shalt  }
0x84: {  	_ =	shalt  }
0x85: {  	_ =	shalt  }
0x86: {  	_ =	shalt  }
0x87: {  	_ =	shalt  }
.Lfunc_end0:
.L_simem_size_0:
called_computation.1_lowered:
.L_overlay_start_0:
0x88: {  	s2 =	sld [smem:$0x3FD9]  }
0x89: {  	s3 =	sld [smem:$0x3FFE];
	_ =	sdelay $0x1  }
0x8a: {  	s1 =	srdreg.scid  }
0x8b: {  	s0 =	sand.u32 $0x1, s1  }
0x8c: {  	s17 =	sshll.u32 s0, $0xA;
	s2 =	sadd.s32 s3, s2  }
0x8d: {  	s2 =	sadd.s32 s2, s17  }
0x8e: {  	[smem:$0x3FC5] =	sst s2  }
0x8f: {  	_ = 	snop  }
0x90: {  	s2 =	sld [smem:$0x3FC7];
	(tm) =	ssettm $0x1  }
0x91: {  	s18 =	sld [smem:$0x3FFB];
	_ =	sdelay $0x3  }
0x92: {  	_ =	strace s18  }
0x93: {  	s3 =	sld [smem:$0x3FFC];
	_ =	sdelay $0x3  }
0x94: {  	_ =	strace s3  }
0x95: {  	s3 =	sld [smem:$0x3FFD];
	_ =	sdelay $0x3  }
0x96: {  	_ =	strace s3  }
0x97: {  	_ =	strace $0x8FFFFFFF  }
0x98: {  	s19 =	sld [smem:$0x3FDB];
	_ =	sdelay $0x1  }
0x99: {  	s4 =	simm.s32 $_scs_section_size  }
0x9a: {  	s5 =	simm.s32 $_size__tile_overlayer_lowered;
	s6 =	simm.s32 $_tile_overlayer_lowered  }
0x9b: {  	s22 =	simm.s32 $0x1BFF;
	s21 =	sshll.u32 s6, $0x1;
	s3 =	sadd.s32 s4, s19  }
0x9c: {  	s7 =	simm.s32 $0x0;
	s20 =	sshll.u32 s5, $0x1;
	s5 =	sadd.s32 s21, s3  }
0x9d: {  	[timem:s7], [sflag:s22] =	dma.local [hbm:s5], s20  }
0x9e: {  	_ =	swait.ge [sflag:s22], s20  }
0x9f: {  	s4 =	ssub.s32 $0x0, s20;
	[sflag:s22] =	ssyncset.done $0x0  }
0xa0: {  	[sflag:s22] =	ssyncadd.s32 s4;
	_ =	sdelay $0x1  }
0xa1: {  	s23 =	simm.s32 $0x1B8B  }
0xa2: {  	_ =	swait.ge [sflag:s23], $0x1  }
0xa3: {  	[sflag:s23] =	ssyncset.done $0x0  }
0xa4: {  	s25 =	simm.s32 $0x1B8E;
	s24 =	sld [smem:$0x3FFE];
	[sflag:s23] =	ssyncadd.s32 $0xFFFFFFFF  }
0xa5: {  	s26 =	simm.s32 $execute0_lowered;
	[smem:$0x3FD2] =	sst s25  }
0xa6: {  	s5 =	sshll.u32 s26, $0x1;
	_ =	strace $0x80000049;
	[dreg:$0x1] =	wrdreg $0xFFFFFFFF  }
0xa7: {  	s28 =	simm.s32 $_size_execute0_lowered;
	s3 =	sadd.s32 s3, s5;
	[dreg:$0x0] =	wrdreg $0x0  }
0xa8: {  	s5 =	sshll.u32 s28, $0x1;
	[dreg:$0x2] =	wrdreg s3  }
0xa9: {  	[dreg:$0x3] =	wrdreg s5  }
0xaa: {  	[dreg:$0x4] =	wrdreg $0xC0  }
0xab: {  	_ =	task [dreg:s7], $0x5FFFF  }
0xac: {  	[dreg:$0x1] =	wrdreg $0xFFFFFFFF  }
0xad: {  	[dreg:$0x0] =	wrdreg $0x60  }
0xae: {  	[dreg:$0x2] =	wrdreg s24  }
0xaf: {  	[dreg:$0x3] =	wrdreg s2  }
0xb0: {  	[dreg:$0x4] =	wrdreg $0x9  }
0xb1: {  	_ =	task.clear_ibuf [dreg:s7], $0x5FFFF;
	_ =	strace $0x90000049  }
0xb2: {  	s29 =	simm.s32 $0x9;
	_ =	strace $0x8000004B  }
0xb3: {  	_ =	swait.ge [sflag:s29], $0x1  }
0xb4: {  	[sflag:s29] =	ssyncadd.s32 $0xFFFFFFFF  }
0xb5: {  	_ =	strace $0x9000004B  }
0xb6: {  	_ =	sfence  }
0xb7: {  	s30 =	sld [smem:$0x0];
	_ =	sdelay $0x2  }
0xb8: {  	s31 =	sshll.u32 s1, $0xD;
	s1 =	sshrl.u32 s1, $0x2  }
0xb9: {  	s3 =	sand.u32 $0x4000, s31;
	s1 =	sadd.s32 s1, s30  }
0xba: {  	s0 =	sor.u32 s3, s0;
	s1 =	sshll.u32 s1, $0x11  }
0xbb: {  	s0 =	sor.u32 s1, s0  }
0xbc: {  	s0 =	sadd.s32 $0x8F2B, s0  }
0xbd: {  	[sflag:s0] =	ssyncadd.remote.s32 $0x1  }
0xbe: {  	_ =	sfence.sel $0xFFFF  }
0xbf: {  	[dreg:$0x0] =	wrdreg $0xFFFFFFFF;
	(pc) =	sbr.abs _section_cstart, $3  }
0xc0: {  	[dreg:$0x1] =	wrdreg $0xFFFFFFFF  }
0xc1: {  	_ =	task.clear_ibuf [dreg:s7], $0x2FFFF;
	_ =	strace $0x9FFFFFFF  }
0xc2: {  	(tm) =	ssettm $0x7FFFFFFF  }
0xc3: {  	_ =	shalt  }
tec
execute0_lowered:
.L_overlay_start_1:
0x0: {  	(tag) =	ssettag $0x1  }
0x1: {  	s1 =	rddreg [dreg:$0x0]  }
0x2: {  	s2 =	rddreg [dreg:$0x1];
	s4 =	simm.s32 $0x0  }
0x3: {  	s0 =	srdreg.scid;
	s5 =	stileid.u32;
	s13 =	simm.s32 $0x3  }
0x4: {  	s14 =	simm.s32 $0x200;
	s15 =	simm.s32 $0x4000;
	s28 =	simm.s32 $0x3800  }
0x5: {  	s29 =	simm.s32 $0x7800;
	s30 =	simm.s32 $0x3A00;
	s31 =	simm.s32 $0x7A00  }
0x6: {  	s10 =	simm.s32 $0x1;
	s11 =	simm.s32 $0x2;
	s16 =	simm.s32 $0x0  }
0x7: {  	[smem:$0x7FF] =	sst s4;
	s0 =	sand.u32 $0x1, s0;
	s5 =	sshll.u32 s5, $0x11  }
0x8: {  	s6 =	sadd.s32 $0x40000, s1;
	s3 =	ssub.s32 $0x2, s0;
	s0 =	sshll.u32 s0, $0x10  }
0x9: {  	_ =	strace $0x8000004A;
	s7 =	sshrl.u32 s3, $0x1;
	s5 =	sor.u32 s0, s5  }
0xa: {  	s22 =	ssub.s32 s3, s7;
	s23 =	sshrl.u32 s5, $0x3;
	s8 =	sor.u32 $0x4000, s5  }
0xb: {  	s7 =	simm.s32 $0x3E00;
	s24 =	sadd.s32 s1, s23;
	s25 =	sor.u32 $0x1C00, s23  }
0xc: {  	s3 =	sadd.s32 s23, s6;
	s0 =	smax.u32 s22, $0x1;
	[dreg:$0x3] =	wrdreg s24  }
0xd: {  	s23 =	simm.s32 $0x2000;
	s9 =	sadd.s32 s1, s25;
	[dreg:$0x7] =	wrdreg s0  }
0xe: {  	s22 =	simm.s32 $0x7400;
	s3 =	sadd.s32 $0x1800, s3;
	[dreg:$0x4] =	wrdreg s9  }
0xf: {  	s26 =	sadd.s32 s6, s25;
	s24 =	simm.s32 $0x6000;
	[dreg:$0x5] =	wrdreg s3  }
0x10: {  	s25 =	simm.s32 $0x3600;
	s0 =	simm.s32 $0x3C00;
	[dreg:$0x6] =	wrdreg s26  }
0x11: {  	v0 =	vimm.s32 $0x0;
	s26 =	simm.s32 $0x7600;
	s3 =	simm.s32 $0x7C00;
	s9 =	simm.s32 $0x7E00  }
.LBB2_1:
0x12: {  	[dreg:$0x8] =	wrdreg s16  }
0x13: {  	s12 =	rddreg [dreg:$0x3]  }
0x14: {  	[tilespmem:s4], [sflag:$0x3] =	stream.linear.gather [hbm4b:s12+s4], $0x2000, $0x38;
	[tilespmem:$0x8000] =	vst v63  }
0x15: {  	_ =	swait.ge [sflag:s13], $0x2000  }
0x16: {  	[sflag:s13] =	ssyncset.done $0x0  }
0x17: {  	[sflag:s13] =	ssyncadd.s32 $0xFFFFE000  }
0x18: {  	[tilespmem:s15], [sflag:$0x1] =	stream.indirect.gather [hbm4b:s2+s14], $0x1, s4, s14, $0xb8;
	[tilespmem:$0x8000] =	vst v63  }
0x19: {  	s17 =	simm.s32 $0x4200  }
0x1a: {  	[tilespmem:s17], [sflag:$0x1] =	stream.indirect.gather [hbm4b:s2+s14], $0x1, s14, s14, $0xb8;
	[tilespmem:$0x8000] =	vst v63  }
0x1b: {  	s18 =	simm.s32 $0x400;
	s19 =	simm.s32 $0x4400  }
0x1c: {  	[tilespmem:s19], [sflag:$0x1] =	stream.indirect.gather [hbm4b:s2+s14], $0x1, s18, s14, $0xb8;
	[tilespmem:$0x8000] =	vst v63  }
0x1d: {  	s20 =	simm.s32 $0x600;
	s21 =	simm.s32 $0x4600  }
0x1e: {  	[tilespmem:s21], [sflag:$0x1] =	stream.indirect.gather [hbm4b:s2+s14], $0x1, s20, s14, $0xb8;
	[tilespmem:$0x8000] =	vst v63  }
0x1f: {  	s16 =	simm.s32 $0x800;
	s17 =	simm.s32 $0x4800  }
0x20: {  	[tilespmem:s17], [sflag:$0x1] =	stream.indirect.gather [hbm4b:s2+s14], $0x1, s16, s14, $0xb8;
	[tilespmem:$0x8000] =	vst v63  }
0x21: {  	s18 =	simm.s32 $0xA00;
	s19 =	simm.s32 $0x4A00  }
0x22: {  	[tilespmem:s19], [sflag:$0x1] =	stream.indirect.gather [hbm4b:s2+s14], $0x1, s18, s14, $0xb8;
	[tilespmem:$0x8000] =	vst v63  }
0x23: {  	s20 =	simm.s32 $0xC00;
	s21 =	simm.s32 $0x4C00  }
0x24: {  	[tilespmem:s21], [sflag:$0x1] =	stream.indirect.gather [hbm4b:s2+s14], $0x1, s20, s14, $0xb8;
	[tilespmem:$0x8000] =	vst v63  }
0x25: {  	s16 =	simm.s32 $0xE00;
	s17 =	simm.s32 $0x4E00  }
0x26: {  	[tilespmem:s17], [sflag:$0x1] =	stream.indirect.gather [hbm4b:s2+s14], $0x1, s16, s14, $0xb8;
	[tilespmem:$0x8000] =	vst v63  }
0x27: {  	s18 =	simm.s32 $0x1000;
	s19 =	simm.s32 $0x5000  }
0x28: {  	[tilespmem:s19], [sflag:$0x1] =	stream.indirect.gather [hbm4b:s2+s14], $0x1, s18, s14, $0xb8;
	[tilespmem:$0x8000] =	vst v63  }
0x29: {  	s20 =	simm.s32 $0x1200;
	s21 =	simm.s32 $0x5200  }
0x2a: {  	[tilespmem:s21], [sflag:$0x1] =	stream.indirect.gather [hbm4b:s2+s14], $0x1, s20, s14, $0xb8;
	[tilespmem:$0x8000] =	vst v63  }
0x2b: {  	s16 =	simm.s32 $0x1400;
	s17 =	simm.s32 $0x5400  }
0x2c: {  	[tilespmem:s17], [sflag:$0x1] =	stream.indirect.gather [hbm4b:s2+s14], $0x1, s16, s14, $0xb8;
	[tilespmem:$0x8000] =	vst v63  }
0x2d: {  	s18 =	simm.s32 $0x1600;
	s19 =	simm.s32 $0x5600  }
0x2e: {  	[tilespmem:s19], [sflag:$0x1] =	stream.indirect.gather [hbm4b:s2+s14], $0x1, s18, s14, $0xb8;
	[tilespmem:$0x8000] =	vst v63  }
0x2f: {  	s20 =	simm.s32 $0x1800;
	s21 =	simm.s32 $0x5800  }
0x30: {  	[tilespmem:s21], [sflag:$0x1] =	stream.indirect.gather [hbm4b:s2+s14], $0x1, s20, s14, $0xb8;
	[tilespmem:$0x8000] =	vst v63  }
0x31: {  	s16 =	simm.s32 $0x1A00;
	s17 =	simm.s32 $0x5A00  }
0x32: {  	[tilespmem:s17], [sflag:$0x1] =	stream.indirect.gather [hbm4b:s2+s14], $0x1, s16, s14, $0xb8;
	[tilespmem:$0x8000] =	vst v63  }
0x33: {  	s18 =	simm.s32 $0x1C00;
	s19 =	simm.s32 $0x5C00  }
0x34: {  	[tilespmem:s19], [sflag:$0x1] =	stream.indirect.gather [hbm4b:s2+s14], $0x1, s18, s14, $0xb8;
	[tilespmem:$0x8000] =	vst v63  }
0x35: {  	s12 =	simm.s32 $0x0;
	s20 =	simm.s32 $0x1E00;
	s21 =	simm.s32 $0x5E00  }
0x36: {  	[tilespmem:s21], [sflag:$0x1] =	stream.indirect.gather [hbm4b:s2+s14], $0x1, s20, s14, $0xb8;
	[tilespmem:$0x8000] =	vst v63  }
.LBB2_2:
0x37: {  	s17 =	sshll.u32 s12, $0xE  }
0x38: {  	s16 =	sor.u32 s17, s5  }
0x39: {  	s18 =	sshrl.u32 s16, $0x3  }
0x3a: {  	s16 =	sor.u32 $0x400, s18  }
0x3b: {  	s19 =	sadd.s32 s1, s16  }
0x3c: {  	[tilespmem:s23], [sflag:$0x3] =	stream.linear.gather [hbm4b:s19+s4], $0x2000, $0x38;
	[tilespmem:$0x8000] =	vst v63  }
0x3d: {  	_ =	swait.ge [sflag:s13], $0x2000  }
0x3e: {  	[sflag:s13] =	ssyncset.done $0x0  }
0x3f: {  	[sflag:s13] =	ssyncadd.s32 $0xFFFFE000  }
0x40: {  	[tilespmem:s24], [sflag:$0x2] =	stream.indirect.gather [hbm4b:s2+s14], $0x1, s23, s14, $0xb8;
	[tilespmem:$0x8000] =	vst v63  }
0x41: {  	s21 =	simm.s32 $0x2200;
	s20 =	simm.s32 $0x6200  }
0x42: {  	[tilespmem:s20], [sflag:$0x2] =	stream.indirect.gather [hbm4b:s2+s14], $0x1, s21, s14, $0xb8;
	[tilespmem:$0x8000] =	vst v63  }
0x43: {  	s20 =	simm.s32 $0x2400;
	s21 =	simm.s32 $0x6400  }
0x44: {  	[tilespmem:s21], [sflag:$0x2] =	stream.indirect.gather [hbm4b:s2+s14], $0x1, s20, s14, $0xb8;
	[tilespmem:$0x8000] =	vst v63  }
0x45: {  	s20 =	simm.s32 $0x2600;
	s21 =	simm.s32 $0x6600  }
0x46: {  	[tilespmem:s21], [sflag:$0x2] =	stream.indirect.gather [hbm4b:s2+s14], $0x1, s20, s14, $0xb8;
	[tilespmem:$0x8000] =	vst v63  }
0x47: {  	s20 =	simm.s32 $0x2800;
	s21 =	simm.s32 $0x6800  }
0x48: {  	[tilespmem:s21], [sflag:$0x2] =	stream.indirect.gather [hbm4b:s2+s14], $0x1, s20, s14, $0xb8;
	[tilespmem:$0x8000] =	vst v63  }
0x49: {  	s20 =	simm.s32 $0x2A00;
	s21 =	simm.s32 $0x6A00  }
0x4a: {  	[tilespmem:s21], [sflag:$0x2] =	stream.indirect.gather [hbm4b:s2+s14], $0x1, s20, s14, $0xb8;
	[tilespmem:$0x8000] =	vst v63  }
0x4b: {  	s20 =	simm.s32 $0x2C00;
	s21 =	simm.s32 $0x6C00  }
0x4c: {  	[tilespmem:s21], [sflag:$0x2] =	stream.indirect.gather [hbm4b:s2+s14], $0x1, s20, s14, $0xb8;
	[tilespmem:$0x8000] =	vst v63  }
0x4d: {  	s20 =	simm.s32 $0x2E00;
	s21 =	simm.s32 $0x6E00  }
0x4e: {  	[tilespmem:s21], [sflag:$0x2] =	stream.indirect.gather [hbm4b:s2+s14], $0x1, s20, s14, $0xb8;
	[tilespmem:$0x8000] =	vst v63  }
0x4f: {  	s20 =	simm.s32 $0x3000;
	s21 =	simm.s32 $0x7000  }
0x50: {  	[tilespmem:s21], [sflag:$0x2] =	stream.indirect.gather [hbm4b:s2+s14], $0x1, s20, s14, $0xb8;
	[tilespmem:$0x8000] =	vst v63  }
0x51: {  	s20 =	simm.s32 $0x3200;
	s21 =	simm.s32 $0x7200  }
0x52: {  	[tilespmem:s21], [sflag:$0x2] =	stream.indirect.gather [hbm4b:s2+s14], $0x1, s20, s14, $0xb8;
	[tilespmem:$0x8000] =	vst v63  }
0x53: {  	s21 =	simm.s32 $0x3400  }
0x54: {  	[tilespmem:s22], [sflag:$0x2] =	stream.indirect.gather [hbm4b:s2+s14], $0x1, s21, s14, $0xb8;
	[tilespmem:$0x8000] =	vst v63  }
0x55: {  	_ = 	snop  }
0x56: {  	[tilespmem:s26], [sflag:$0x2] =	stream.indirect.gather [hbm4b:s2+s14], $0x1, s25, s14, $0xb8;
	[tilespmem:$0x8000] =	vst v63  }
0x57: {  	_ = 	snop  }
0x58: {  	[tilespmem:s29], [sflag:$0x2] =	stream.indirect.gather [hbm4b:s2+s14], $0x1, s28, s14, $0xb8;
	[tilespmem:$0x8000] =	vst v63  }
0x59: {  	_ = 	snop  }
0x5a: {  	[tilespmem:s31], [sflag:$0x2] =	stream.indirect.gather [hbm4b:s2+s14], $0x1, s30, s14, $0xb8;
	[tilespmem:$0x8000] =	vst v63  }
0x5b: {  	_ = 	snop  }
0x5c: {  	[tilespmem:s3], [sflag:$0x2] =	stream.indirect.gather [hbm4b:s2+s14], $0x1, s0, s14, $0xb8;
	[tilespmem:$0x8000] =	vst v63  }
0x5d: {  	_ = 	snop  }
0x5e: {  	[tilespmem:s9], [sflag:$0x2] =	stream.indirect.gather [hbm4b:s2+s14], $0x1, s7, s14, $0xb8;
	[tilespmem:$0x8000] =	vst v63  }
0x5f: {  	_ =	swait.ge [sflag:s10], $0x2000  }
0x60: {  	[sflag:s10] =	ssyncset.done $0x0  }
0x61: {  	s19 =	simm.s32 $0x4040;
	[sflag:s10] =	ssyncadd.s32 $0xFFFFE000  }
0x62: {  	v2 =	vld [tilespmem:s19+$0xFFFFFFC0]  }
0x63: {  	v3 =	vld [tilespmem:s19+$0xFFFFFFD0]  }
0x64: {  	v5 =	vld [tilespmem:s19+$0xFFFFFFE0]  }
0x65: {  	v4 =	vld [tilespmem:s19+$0x0]  }
0x66: {  	v1 =	vld [tilespmem:s19+$0x10]  }
0x67: {  	vm0 =	veq.s32 v2, $0x1;
	v2 =	vld [tilespmem:s19+$0x20]  }
0x68: {  	v6 =	vsel vm0, $0x1, v0;
	vm0 =	veq.s32 v3, $0x1;
	v3 =	vld [tilespmem:s19+$0x30]  }
0x69: {  	s20 =	simm.s32 $0x0;
	s21 =	simm.s32 $0x40C0;
	[tilespmem:s19+$0xFFFFFFC0] =	vst v6;
	v6 =	vsel vm0, $0x1, v0;
	vm0 =	veq.s32 v5, $0x1;
	v5 =	vld [tilespmem:s19+$0xFFFFFFF0]  }
.LBB2_3:
0x6a: {  	v7 =	vld [tilespmem:s21+$0xFFFFFFC0];
	[tilespmem:s19+$0xFFFFFFD0] =	vst v6;
	v6 =	vsel vm0, $0x1, v0;
	vm0 =	veq.s32 v4, $0x1  }
0x6b: {  	s20 =	sadd.s32 $0x8, s20;
	v8 =	vld [tilespmem:s21+$0xFFFFFFD0];
	[tilespmem:s19+$0xFFFFFFE0] =	vst v6;
	v4 =	vsel vm0, $0x1, v0;
	vm0 =	veq.s32 v1, $0x1  }
0x6c: {  	p0 =	slt.u32 s20, $0x1F8;
	v9 =	vld [tilespmem:s21+$0xFFFFFFE0];
	[tilespmem:s19+$0x0] =	vst v4;
	v1 =	vsel vm0, $0x1, v0;
	vm0 =	veq.s32 v2, $0x1  }
.Ltmp0:
0x6d: {  	v4 =	vld [tilespmem:s21+$0x0];
	[tilespmem:s19+$0x10] =	vst v1;
	v2 =	vsel vm0, $0x1, v0;
	vm0 =	veq.s32 v3, $0x1;
	(pc) =	sbr.rel @p0 .LBB2_3-.Ltmp0, $4  }
0x6e: {  	v1 =	vld [tilespmem:s21+$0x10];
	vm1 =	veq.s32 v5, $0x1;
	[tilespmem:s19+$0x20] =	vst v2;
	v3 =	vsel vm0, $0x1, v0  }
0x6f: {  	vm0 =	veq.s32 v7, $0x1;
	v2 =	vld [tilespmem:s21+$0x20];
	v5 =	vsel vm1, $0x1, v0;
	[tilespmem:s19+$0x30] =	vst v3  }
0x70: {  	v6 =	vsel vm0, $0x1, v0;
	vm0 =	veq.s32 v8, $0x1;
	v3 =	vld [tilespmem:s21+$0x30];
	[tilespmem:s19+$0xFFFFFFF0] =	vst v5;
	s19 =	smov.u32 s21  }
0x71: {  	s21 =	sadd.s32 $0x80, s21;
	[tilespmem:s19+$0xFFFFFFC0] =	vst v6;
	v6 =	vsel vm0, $0x1, v0;
	vm0 =	veq.s32 v9, $0x1;
	v5 =	vld [tilespmem:s19+$0xFFFFFFF0]  }
0x72: {  	[tilespmem:s19+$0xFFFFFFD0] =	vst v6;
	v6 =	vsel vm0, $0x1, v0;
	vm0 =	veq.s32 v4, $0x1  }
0x73: {  	[tilespmem:s19+$0xFFFFFFE0] =	vst v6;
	v4 =	vsel vm0, $0x1, v0;
	vm0 =	veq.s32 v1, $0x1  }
0x74: {  	[tilespmem:s19+$0x0] =	vst v4;
	v1 =	vsel vm0, $0x1, v0;
	vm0 =	veq.s32 v2, $0x1  }
0x75: {  	[tilespmem:s19+$0x10] =	vst v1;
	v1 =	vsel vm0, $0x1, v0;
	vm0 =	veq.s32 v3, $0x1  }
0x76: {  	vm1 =	veq.s32 v5, $0x1;
	[tilespmem:s19+$0x20] =	vst v1;
	v1 =	vsel vm0, $0x1, v0  }
0x77: {  	v2 =	vsel vm1, $0x1, v0;
	[tilespmem:s19+$0x30] =	vst v1  }
0x78: {  	s18 =	sadd.s32 s6, s18;
	[tilespmem:s19+$0xFFFFFFF0] =	vst v2  }
0x79: {  	[hbm4b:s18+s4] =	stream.linear.scatter [tilespmem:s15], [sflag:$0x3], $0x2000, $0x38;
	[tilespmem:$0x8000] =	vst v63  }
0x7a: {  	s17 =	sadd.s32 s17, s8;
	_ =	swait.ge [sflag:s13], $0x2000  }
0x7b: {  	s17 =	sshrl.u32 s17, $0x3;
	[sflag:s13] =	ssyncset.done $0x0  }
0x7c: {  	s17 =	sadd.s32 s1, s17;
	[sflag:s13] =	ssyncadd.s32 $0xFFFFE000  }
0x7d: {  	[tilespmem:s4], [sflag:$0x3] =	stream.linear.gather [hbm4b:s17+s4], $0x2000, $0x38;
	[tilespmem:$0x8000] =	vst v63  }
0x7e: {  	_ =	swait.ge [sflag:s13], $0x2000  }
0x7f: {  	[sflag:s13] =	ssyncset.done $0x0  }
0x80: {  	[sflag:s13] =	ssyncadd.s32 $0xFFFFE000  }
0x81: {  	[tilespmem:s15], [sflag:$0x1] =	stream.indirect.gather [hbm4b:s2+s14], $0x1, s4, s14, $0xb8;
	[tilespmem:$0x8000] =	vst v63  }
0x82: {  	s21 =	simm.s32 $0x4200  }
0x83: {  	[tilespmem:s21], [sflag:$0x1] =	stream.indirect.gather [hbm4b:s2+s14], $0x1, s14, s14, $0xb8;
	[tilespmem:$0x8000] =	vst v63  }
0x84: {  	s19 =	simm.s32 $0x4400;
	s18 =	simm.s32 $0x400  }
0x85: {  	[tilespmem:s19], [sflag:$0x1] =	stream.indirect.gather [hbm4b:s2+s14], $0x1, s18, s14, $0xb8;
	[tilespmem:$0x8000] =	vst v63  }
0x86: {  	s20 =	simm.s32 $0x600;
	s21 =	simm.s32 $0x4600  }
0x87: {  	[tilespmem:s21], [sflag:$0x1] =	stream.indirect.gather [hbm4b:s2+s14], $0x1, s20, s14, $0xb8;
	[tilespmem:$0x8000] =	vst v63  }
0x88: {  	s18 =	simm.s32 $0x800;
	s19 =	simm.s32 $0x4800  }
0x89: {  	[tilespmem:s19], [sflag:$0x1] =	stream.indirect.gather [hbm4b:s2+s14], $0x1, s18, s14, $0xb8;
	[tilespmem:$0x8000] =	vst v63  }
0x8a: {  	s20 =	simm.s32 $0xA00;
	s21 =	simm.s32 $0x4A00  }
0x8b: {  	[tilespmem:s21], [sflag:$0x1] =	stream.indirect.gather [hbm4b:s2+s14], $0x1, s20, s14, $0xb8;
	[tilespmem:$0x8000] =	vst v63  }
0x8c: {  	s18 =	simm.s32 $0xC00;
	s19 =	simm.s32 $0x4C00  }
0x8d: {  	[tilespmem:s19], [sflag:$0x1] =	stream.indirect.gather [hbm4b:s2+s14], $0x1, s18, s14, $0xb8;
	[tilespmem:$0x8000] =	vst v63  }
0x8e: {  	s20 =	simm.s32 $0xE00;
	s21 =	simm.s32 $0x4E00  }
0x8f: {  	[tilespmem:s21], [sflag:$0x1] =	stream.indirect.gather [hbm4b:s2+s14], $0x1, s20, s14, $0xb8;
	[tilespmem:$0x8000] =	vst v63  }
0x90: {  	s18 =	simm.s32 $0x1000;
	s19 =	simm.s32 $0x5000  }
0x91: {  	[tilespmem:s19], [sflag:$0x1] =	stream.indirect.gather [hbm4b:s2+s14], $0x1, s18, s14, $0xb8;
	[tilespmem:$0x8000] =	vst v63  }
0x92: {  	s20 =	simm.s32 $0x1200;
	s21 =	simm.s32 $0x5200  }
0x93: {  	[tilespmem:s21], [sflag:$0x1] =	stream.indirect.gather [hbm4b:s2+s14], $0x1, s20, s14, $0xb8;
	[tilespmem:$0x8000] =	vst v63  }
0x94: {  	s18 =	simm.s32 $0x1400;
	s19 =	simm.s32 $0x5400  }
0x95: {  	[tilespmem:s19], [sflag:$0x1] =	stream.indirect.gather [hbm4b:s2+s14], $0x1, s18, s14, $0xb8;
	[tilespmem:$0x8000] =	vst v63  }
0x96: {  	s20 =	simm.s32 $0x1600;
	s21 =	simm.s32 $0x5600  }
0x97: {  	[tilespmem:s21], [sflag:$0x1] =	stream.indirect.gather [hbm4b:s2+s14], $0x1, s20, s14, $0xb8;
	[tilespmem:$0x8000] =	vst v63  }
0x98: {  	s18 =	simm.s32 $0x1800;
	s19 =	simm.s32 $0x5800  }
0x99: {  	[tilespmem:s19], [sflag:$0x1] =	stream.indirect.gather [hbm4b:s2+s14], $0x1, s18, s14, $0xb8;
	[tilespmem:$0x8000] =	vst v63  }
0x9a: {  	s20 =	simm.s32 $0x1A00;
	s21 =	simm.s32 $0x5A00  }
0x9b: {  	[tilespmem:s21], [sflag:$0x1] =	stream.indirect.gather [hbm4b:s2+s14], $0x1, s20, s14, $0xb8;
	[tilespmem:$0x8000] =	vst v63  }
0x9c: {  	s18 =	simm.s32 $0x1C00;
	s19 =	simm.s32 $0x5C00  }
0x9d: {  	[tilespmem:s19], [sflag:$0x1] =	stream.indirect.gather [hbm4b:s2+s14], $0x1, s18, s14, $0xb8;
	[tilespmem:$0x8000] =	vst v63  }
0x9e: {  	s20 =	simm.s32 $0x1E00;
	s21 =	simm.s32 $0x5E00  }
0x9f: {  	[tilespmem:s21], [sflag:$0x1] =	stream.indirect.gather [hbm4b:s2+s14], $0x1, s20, s14, $0xb8;
	[tilespmem:$0x8000] =	vst v63  }
0xa0: {  	_ =	swait.ge [sflag:s11], $0x2000  }
0xa1: {  	[sflag:s11] =	ssyncset.done $0x0  }
0xa2: {  	s17 =	simm.s32 $0x6040;
	[sflag:s11] =	ssyncadd.s32 $0xFFFFE000  }
0xa3: {  	v2 =	vld [tilespmem:s17+$0xFFFFFFC0]  }
0xa4: {  	v3 =	vld [tilespmem:s17+$0xFFFFFFD0]  }
0xa5: {  	v5 =	vld [tilespmem:s17+$0xFFFFFFE0]  }
0xa6: {  	v4 =	vld [tilespmem:s17+$0x0]  }
0xa7: {  	v1 =	vld [tilespmem:s17+$0x10]  }
0xa8: {  	vm0 =	veq.s32 v2, $0x1;
	v2 =	vld [tilespmem:s17+$0x20]  }
0xa9: {  	v6 =	vsel vm0, $0x1, v0;
	vm0 =	veq.s32 v3, $0x1;
	v3 =	vld [tilespmem:s17+$0x30]  }
0xaa: {  	s18 =	simm.s32 $0x0;
	s19 =	simm.s32 $0x60C0;
	[tilespmem:s17+$0xFFFFFFC0] =	vst v6;
	v6 =	vsel vm0, $0x1, v0;
	vm0 =	veq.s32 v5, $0x1;
	v5 =	vld [tilespmem:s17+$0xFFFFFFF0]  }
.LBB2_5:
0xab: {  	v7 =	vld [tilespmem:s19+$0xFFFFFFC0];
	[tilespmem:s17+$0xFFFFFFD0] =	vst v6;
	v6 =	vsel vm0, $0x1, v0;
	vm0 =	veq.s32 v4, $0x1  }
0xac: {  	s18 =	sadd.s32 $0x8, s18;
	v8 =	vld [tilespmem:s19+$0xFFFFFFD0];
	[tilespmem:s17+$0xFFFFFFE0] =	vst v6;
	v4 =	vsel vm0, $0x1, v0;
	vm0 =	veq.s32 v1, $0x1  }
0xad: {  	p0 =	slt.u32 s18, $0x1F8;
	v9 =	vld [tilespmem:s19+$0xFFFFFFE0];
	[tilespmem:s17+$0x0] =	vst v4;
	v1 =	vsel vm0, $0x1, v0;
	vm0 =	veq.s32 v2, $0x1  }
.Ltmp1:
0xae: {  	v4 =	vld [tilespmem:s19+$0x0];
	[tilespmem:s17+$0x10] =	vst v1;
	v2 =	vsel vm0, $0x1, v0;
	vm0 =	veq.s32 v3, $0x1;
	(pc) =	sbr.rel @p0 .LBB2_5-.Ltmp1, $4  }
0xaf: {  	v1 =	vld [tilespmem:s19+$0x10];
	vm1 =	veq.s32 v5, $0x1;
	[tilespmem:s17+$0x20] =	vst v2;
	v3 =	vsel vm0, $0x1, v0  }
0xb0: {  	vm0 =	veq.s32 v7, $0x1;
	v2 =	vld [tilespmem:s19+$0x20];
	v5 =	vsel vm1, $0x1, v0;
	[tilespmem:s17+$0x30] =	vst v3  }
0xb1: {  	v6 =	vsel vm0, $0x1, v0;
	vm0 =	veq.s32 v8, $0x1;
	v3 =	vld [tilespmem:s19+$0x30];
	[tilespmem:s17+$0xFFFFFFF0] =	vst v5;
	s17 =	smov.u32 s19  }
0xb2: {  	s19 =	sadd.s32 $0x80, s19;
	[tilespmem:s17+$0xFFFFFFC0] =	vst v6;
	v6 =	vsel vm0, $0x1, v0;
	vm0 =	veq.s32 v9, $0x1;
	v5 =	vld [tilespmem:s17+$0xFFFFFFF0]  }
0xb3: {  	[tilespmem:s17+$0xFFFFFFD0] =	vst v6;
	v63 =	vsel vm0, $0x1, v0;
	vm12 =	veq.s32 v4, $0x1  }
0xb4: {  	[tilespmem:s17+$0xFFFFFFE0] =	vst v63;
	v4 =	vsel vm12, $0x1, v0;
	vm13 =	veq.s32 v1, $0x1  }
0xb5: {  	[tilespmem:s17+$0x0] =	vst v4;
	v1 =	vsel vm13, $0x1, v0;
	vm14 =	veq.s32 v2, $0x1  }
0xb6: {  	[tilespmem:s17+$0x10] =	vst v1;
	v1 =	vsel vm14, $0x1, v0;
	vm15 =	veq.s32 v3, $0x1  }
0xb7: {  	s12 =	sadd.s32 $0x1, s12;
	vm1 =	veq.s32 v5, $0x1;
	[tilespmem:s17+$0x20] =	vst v1;
	v1 =	vsel vm15, $0x1, v0  }
0xb8: {  	p0 =	sne.s32 s12, $0x3;
	v2 =	vsel vm1, $0x1, v0;
	[tilespmem:s17+$0x30] =	vst v1  }
.Ltmp2:
0xb9: {  	s16 =	sadd.s32 s6, s16;
	[tilespmem:s17+$0xFFFFFFF0] =	vst v2;
	(pc) =	sbr.rel @p0 .LBB2_2-.Ltmp2, $4  }
0xba: {  	[hbm4b:s16+s4] =	stream.linear.scatter [tilespmem:s24], [sflag:$0x3], $0x2000, $0x38;
	[tilespmem:$0x8000] =	vst v63  }
0xbb: {  	_ =	swait.ge [sflag:s13], $0x2000  }
0xbc: {  	[sflag:s13] =	ssyncset.done $0x0  }
0xbd: {  	[sflag:s13] =	ssyncadd.s32 $0xFFFFE000  }
0xbe: {  	s12 =	rddreg [dreg:$0x4]  }
0xbf: {  	[tilespmem:s23], [sflag:$0x3] =	stream.linear.gather [hbm4b:s12+s4], $0x2000, $0x38;
	[tilespmem:$0x8000] =	vst v63  }
0xc0: {  	_ =	swait.ge [sflag:s13], $0x2000  }
0xc1: {  	[sflag:s13] =	ssyncset.done $0x0  }
0xc2: {  	[sflag:s13] =	ssyncadd.s32 $0xFFFFE000  }
0xc3: {  	[tilespmem:s24], [sflag:$0x2] =	stream.indirect.gather [hbm4b:s2+s14], $0x1, s23, s14, $0xb8;
	[tilespmem:$0x8000] =	vst v63  }
0xc4: {  	s21 =	simm.s32 $0x2200;
	s16 =	simm.s32 $0x6200  }
0xc5: {  	[tilespmem:s16], [sflag:$0x2] =	stream.indirect.gather [hbm4b:s2+s14], $0x1, s21, s14, $0xb8;
	[tilespmem:$0x8000] =	vst v63  }
0xc6: {  	s17 =	simm.s32 $0x6400;
	s16 =	simm.s32 $0x2400  }
0xc7: {  	[tilespmem:s17], [sflag:$0x2] =	stream.indirect.gather [hbm4b:s2+s14], $0x1, s16, s14, $0xb8;
	[tilespmem:$0x8000] =	vst v63  }
0xc8: {  	s18 =	simm.s32 $0x2600;
	s19 =	simm.s32 $0x6600  }
0xc9: {  	[tilespmem:s19], [sflag:$0x2] =	stream.indirect.gather [hbm4b:s2+s14], $0x1, s18, s14, $0xb8;
	[tilespmem:$0x8000] =	vst v63  }
0xca: {  	s20 =	simm.s32 $0x2800;
	s21 =	simm.s32 $0x6800  }
0xcb: {  	[tilespmem:s21], [sflag:$0x2] =	stream.indirect.gather [hbm4b:s2+s14], $0x1, s20, s14, $0xb8;
	[tilespmem:$0x8000] =	vst v63  }
0xcc: {  	s16 =	simm.s32 $0x2A00;
	s17 =	simm.s32 $0x6A00  }
0xcd: {  	[tilespmem:s17], [sflag:$0x2] =	stream.indirect.gather [hbm4b:s2+s14], $0x1, s16, s14, $0xb8;
	[tilespmem:$0x8000] =	vst v63  }
0xce: {  	s18 =	simm.s32 $0x2C00;
	s19 =	simm.s32 $0x6C00  }
0xcf: {  	[tilespmem:s19], [sflag:$0x2] =	stream.indirect.gather [hbm4b:s2+s14], $0x1, s18, s14, $0xb8;
	[tilespmem:$0x8000] =	vst v63  }
0xd0: {  	s20 =	simm.s32 $0x2E00;
	s21 =	simm.s32 $0x6E00  }
0xd1: {  	[tilespmem:s21], [sflag:$0x2] =	stream.indirect.gather [hbm4b:s2+s14], $0x1, s20, s14, $0xb8;
	[tilespmem:$0x8000] =	vst v63  }
0xd2: {  	s17 =	simm.s32 $0x3000;
	s18 =	simm.s32 $0x7000  }
0xd3: {  	[tilespmem:s18], [sflag:$0x2] =	stream.indirect.gather [hbm4b:s2+s14], $0x1, s17, s14, $0xb8;
	[tilespmem:$0x8000] =	vst v63  }
0xd4: {  	s19 =	simm.s32 $0x3200;
	s20 =	simm.s32 $0x7200  }
0xd5: {  	[tilespmem:s20], [sflag:$0x2] =	stream.indirect.gather [hbm4b:s2+s14], $0x1, s19, s14, $0xb8;
	[tilespmem:$0x8000] =	vst v63  }
0xd6: {  	s21 =	simm.s32 $0x3400  }
0xd7: {  	[tilespmem:s22], [sflag:$0x2] =	stream.indirect.gather [hbm4b:s2+s14], $0x1, s21, s14, $0xb8;
	[tilespmem:$0x8000] =	vst v63  }
0xd8: {  	_ = 	snop  }
0xd9: {  	[tilespmem:s26], [sflag:$0x2] =	stream.indirect.gather [hbm4b:s2+s14], $0x1, s25, s14, $0xb8;
	[tilespmem:$0x8000] =	vst v63  }
0xda: {  	_ = 	snop  }
0xdb: {  	[tilespmem:s29], [sflag:$0x2] =	stream.indirect.gather [hbm4b:s2+s14], $0x1, s28, s14, $0xb8;
	[tilespmem:$0x8000] =	vst v63  }
0xdc: {  	_ = 	snop  }
0xdd: {  	[tilespmem:s31], [sflag:$0x2] =	stream.indirect.gather [hbm4b:s2+s14], $0x1, s30, s14, $0xb8;
	[tilespmem:$0x8000] =	vst v63  }
0xde: {  	_ = 	snop  }
0xdf: {  	[tilespmem:s3], [sflag:$0x2] =	stream.indirect.gather [hbm4b:s2+s14], $0x1, s0, s14, $0xb8;
	[tilespmem:$0x8000] =	vst v63  }
0xe0: {  	_ = 	snop  }
0xe1: {  	[tilespmem:s9], [sflag:$0x2] =	stream.indirect.gather [hbm4b:s2+s14], $0x1, s7, s14, $0xb8;
	[tilespmem:$0x8000] =	vst v63  }
0xe2: {  	_ =	swait.ge [sflag:s10], $0x2000  }
0xe3: {  	[sflag:s10] =	ssyncset.done $0x0  }
0xe4: {  	s12 =	simm.s32 $0x4040;
	[sflag:s10] =	ssyncadd.s32 $0xFFFFE000  }
0xe5: {  	v2 =	vld [tilespmem:s12+$0xFFFFFFC0]  }
0xe6: {  	v3 =	vld [tilespmem:s12+$0xFFFFFFD0]  }
0xe7: {  	v5 =	vld [tilespmem:s12+$0xFFFFFFE0]  }
0xe8: {  	v4 =	vld [tilespmem:s12+$0x0]  }
0xe9: {  	v1 =	vld [tilespmem:s12+$0x10]  }
0xea: {  	vm0 =	veq.s32 v2, $0x1;
	v2 =	vld [tilespmem:s12+$0x20]  }
0xeb: {  	v6 =	vsel vm0, $0x1, v0;
	vm0 =	veq.s32 v3, $0x1;
	v3 =	vld [tilespmem:s12+$0x30]  }
0xec: {  	s16 =	simm.s32 $0x0;
	s17 =	simm.s32 $0x40C0;
	[tilespmem:s12+$0xFFFFFFC0] =	vst v6;
	v6 =	vsel vm0, $0x1, v0;
	vm0 =	veq.s32 v5, $0x1;
	v5 =	vld [tilespmem:s12+$0xFFFFFFF0]  }
.LBB2_8:
0xed: {  	v7 =	vld [tilespmem:s17+$0xFFFFFFC0];
	[tilespmem:s12+$0xFFFFFFD0] =	vst v6;
	v6 =	vsel vm0, $0x1, v0;
	vm0 =	veq.s32 v4, $0x1  }
0xee: {  	s16 =	sadd.s32 $0x8, s16;
	v8 =	vld [tilespmem:s17+$0xFFFFFFD0];
	[tilespmem:s12+$0xFFFFFFE0] =	vst v6;
	v4 =	vsel vm0, $0x1, v0;
	vm0 =	veq.s32 v1, $0x1  }
0xef: {  	p0 =	slt.u32 s16, $0x1F8;
	v9 =	vld [tilespmem:s17+$0xFFFFFFE0];
	[tilespmem:s12+$0x0] =	vst v4;
	v1 =	vsel vm0, $0x1, v0;
	vm0 =	veq.s32 v2, $0x1  }
.Ltmp3:
0xf0: {  	v4 =	vld [tilespmem:s17+$0x0];
	[tilespmem:s12+$0x10] =	vst v1;
	v2 =	vsel vm0, $0x1, v0;
	vm0 =	veq.s32 v3, $0x1;
	(pc) =	sbr.rel @p0 .LBB2_8-.Ltmp3, $4  }
0xf1: {  	v1 =	vld [tilespmem:s17+$0x10];
	vm1 =	veq.s32 v5, $0x1;
	[tilespmem:s12+$0x20] =	vst v2;
	v3 =	vsel vm0, $0x1, v0  }
0xf2: {  	vm0 =	veq.s32 v7, $0x1;
	v2 =	vld [tilespmem:s17+$0x20];
	v5 =	vsel vm1, $0x1, v0;
	[tilespmem:s12+$0x30] =	vst v3  }
0xf3: {  	v6 =	vsel vm0, $0x1, v0;
	vm0 =	veq.s32 v8, $0x1;
	v3 =	vld [tilespmem:s17+$0x30];
	[tilespmem:s12+$0xFFFFFFF0] =	vst v5;
	s12 =	smov.u32 s17  }
0xf4: {  	s17 =	sadd.s32 $0x80, s17;
	[tilespmem:s12+$0xFFFFFFC0] =	vst v6;
	v6 =	vsel vm0, $0x1, v0;
	vm0 =	veq.s32 v9, $0x1;
	v5 =	vld [tilespmem:s12+$0xFFFFFFF0]  }
0xf5: {  	[tilespmem:s12+$0xFFFFFFD0] =	vst v6;
	v6 =	vsel vm0, $0x1, v0;
	vm0 =	veq.s32 v4, $0x1  }
0xf6: {  	[tilespmem:s12+$0xFFFFFFE0] =	vst v6;
	v4 =	vsel vm0, $0x1, v0;
	vm0 =	veq.s32 v1, $0x1  }
0xf7: {  	[tilespmem:s12+$0x0] =	vst v4;
	v1 =	vsel vm0, $0x1, v0;
	vm0 =	veq.s32 v2, $0x1  }
0xf8: {  	[tilespmem:s12+$0x10] =	vst v1;
	v1 =	vsel vm0, $0x1, v0;
	vm0 =	veq.s32 v3, $0x1  }
0xf9: {  	vm1 =	veq.s32 v5, $0x1;
	[tilespmem:s12+$0x20] =	vst v1;
	v1 =	vsel vm0, $0x1, v0  }
0xfa: {  	v2 =	vsel vm1, $0x1, v0;
	[tilespmem:s12+$0x30] =	vst v1  }
0xfb: {  	s21 =	rddreg [dreg:$0x5];
	[tilespmem:s12+$0xFFFFFFF0] =	vst v2  }
0xfc: {  	[hbm4b:s21+s4] =	stream.linear.scatter [tilespmem:s15], [sflag:$0x3], $0x2000, $0x38;
	[tilespmem:$0x8000] =	vst v63  }
0xfd: {  	_ =	swait.ge [sflag:s13], $0x2000  }
0xfe: {  	[sflag:s13] =	ssyncset.done $0x0  }
0xff: {  	[sflag:s13] =	ssyncadd.s32 $0xFFFFE000  }
0x100: {  	_ =	swait.ge [sflag:s11], $0x2000  }
0x101: {  	[sflag:s11] =	ssyncset.done $0x0  }
0x102: {  	s12 =	simm.s32 $0x6040;
	[sflag:s11] =	ssyncadd.s32 $0xFFFFE000  }
0x103: {  	v2 =	vld [tilespmem:s12+$0xFFFFFFC0]  }
0x104: {  	v3 =	vld [tilespmem:s12+$0xFFFFFFD0]  }
0x105: {  	v5 =	vld [tilespmem:s12+$0xFFFFFFE0]  }
0x106: {  	v4 =	vld [tilespmem:s12+$0x0]  }
0x107: {  	v1 =	vld [tilespmem:s12+$0x10]  }
0x108: {  	vm0 =	veq.s32 v2, $0x1;
	v2 =	vld [tilespmem:s12+$0x20]  }
0x109: {  	v6 =	vsel vm0, $0x1, v0;
	vm0 =	veq.s32 v3, $0x1;
	v3 =	vld [tilespmem:s12+$0x30]  }
0x10a: {  	s16 =	simm.s32 $0x0;
	s17 =	simm.s32 $0x60C0;
	[tilespmem:s12+$0xFFFFFFC0] =	vst v6;
	v6 =	vsel vm0, $0x1, v0;
	vm0 =	veq.s32 v5, $0x1;
	v5 =	vld [tilespmem:s12+$0xFFFFFFF0]  }
.LBB2_10:
0x10b: {  	v7 =	vld [tilespmem:s17+$0xFFFFFFC0];
	[tilespmem:s12+$0xFFFFFFD0] =	vst v6;
	v6 =	vsel vm0, $0x1, v0;
	vm0 =	veq.s32 v4, $0x1  }
0x10c: {  	s16 =	sadd.s32 $0x8, s16;
	v8 =	vld [tilespmem:s17+$0xFFFFFFD0];
	[tilespmem:s12+$0xFFFFFFE0] =	vst v6;
	v4 =	vsel vm0, $0x1, v0;
	vm0 =	veq.s32 v1, $0x1  }
0x10d: {  	p0 =	slt.u32 s16, $0x1F8;
	v9 =	vld [tilespmem:s17+$0xFFFFFFE0];
	[tilespmem:s12+$0x0] =	vst v4;
	v1 =	vsel vm0, $0x1, v0;
	vm0 =	veq.s32 v2, $0x1  }
.Ltmp4:
0x10e: {  	v4 =	vld [tilespmem:s17+$0x0];
	[tilespmem:s12+$0x10] =	vst v1;
	v2 =	vsel vm0, $0x1, v0;
	vm0 =	veq.s32 v3, $0x1;
	(pc) =	sbr.rel @p0 .LBB2_10-.Ltmp4, $4  }
0x10f: {  	v1 =	vld [tilespmem:s17+$0x10];
	vm1 =	veq.s32 v5, $0x1;
	[tilespmem:s12+$0x20] =	vst v2;
	v3 =	vsel vm0, $0x1, v0  }
0x110: {  	vm0 =	veq.s32 v7, $0x1;
	v2 =	vld [tilespmem:s17+$0x20];
	v5 =	vsel vm1, $0x1, v0;
	[tilespmem:s12+$0x30] =	vst v3  }
0x111: {  	v6 =	vsel vm0, $0x1, v0;
	vm0 =	veq.s32 v8, $0x1;
	v3 =	vld [tilespmem:s17+$0x30];
	[tilespmem:s12+$0xFFFFFFF0] =	vst v5;
	s12 =	smov.u32 s17  }
0x112: {  	s17 =	sadd.s32 $0x80, s17;
	[tilespmem:s12+$0xFFFFFFC0] =	vst v6;
	v6 =	vsel vm0, $0x1, v0;
	vm0 =	veq.s32 v9, $0x1;
	v5 =	vld [tilespmem:s12+$0xFFFFFFF0]  }
0x113: {  	[tilespmem:s12+$0xFFFFFFD0] =	vst v6;
	v63 =	vsel vm0, $0x1, v0;
	vm12 =	veq.s32 v4, $0x1  }
0x114: {  	[tilespmem:s12+$0xFFFFFFE0] =	vst v63;
	v4 =	vsel vm12, $0x1, v0;
	vm13 =	veq.s32 v1, $0x1  }
0x115: {  	[tilespmem:s12+$0x0] =	vst v4;
	v1 =	vsel vm13, $0x1, v0;
	vm14 =	veq.s32 v2, $0x1  }
0x116: {  	[tilespmem:s12+$0x10] =	vst v1;
	v1 =	vsel vm14, $0x1, v0;
	vm15 =	veq.s32 v3, $0x1  }
0x117: {  	vm1 =	veq.s32 v5, $0x1;
	[tilespmem:s12+$0x20] =	vst v1;
	v1 =	vsel vm15, $0x1, v0  }
0x118: {  	v2 =	vsel vm1, $0x1, v0;
	[tilespmem:s12+$0x30] =	vst v1  }
0x119: {  	s20 =	rddreg [dreg:$0x6];
	[tilespmem:s12+$0xFFFFFFF0] =	vst v2  }
0x11a: {  	[hbm4b:s20+s4] =	stream.linear.scatter [tilespmem:s24], [sflag:$0x3], $0x2000, $0x38;
	[tilespmem:$0x8000] =	vst v63  }
0x11b: {  	_ =	swait.ge [sflag:s13], $0x2000  }
0x11c: {  	s16 =	rddreg [dreg:$0x8]  }
0x11d: {  	s21 =	rddreg [dreg:$0x7];
	s16 =	sadd.s32 $0x1, s16  }
0x11e: {  	p0 =	sne.s32 s16, s21  }
.Ltmp5:
0x11f: {  	_ = 	snop;
	(pc) =	sbr.rel @p0 .LBB2_1-.Ltmp5, $3  }
0x120: {  	_ =	sdelay $0x1  }
0x121: {  	[sflag:s13] =	ssyncset.done $0x0  }
0x122: {  	[sflag:s13] =	ssyncadd.s32 $0xFFFFE000  }
0x123: {  	_ =	sfence.sel $0x180000  }
0x124: {  	[bflag:$0x0] =	sbarrier.arrive $0xFFFF  }
0x125: {  	_ =	strace $0x9000004A  }
0x126: {  	s0 =	stileid.u32;
	[bflag:$0x2] =	sbarrier.arrive $0xFFFF  }
0x127: {  	p0 =	sne.s32 s0, $0x0;
	s0 =	rddreg [dreg:$0x2]  }
0x128: {  	s0 =	sadd.s32 @!p0 $0x100000, s0  }
0x129: {  	[sflag:s0] =	ssyncadd.tile.s32 @!p0 $0x1;
	_ =	shalt  }
.Lfunc_end2:
_tile_overlayer_lowered:
.L_overlay_start_2:
0x12a: {  	(tag) =	ssettag $0x2  }
0x12b: {  	s0 =	rddreg [dreg:$0x0];
	s2 =	stileid.u32  }
0x12c: {  	s1 =	rddreg [dreg:$0x1];
	p0 =	sne.s32 s2, $0x0  }
0x12d: {  	s3 =	rddreg [dreg:$0x2];
	[bflag:$0x3] =	sbarrier.arrive $0xFFFF;
	s2 =	simm.s32 @!p0 $0x1C03  }
0x12e: {  	[timem:s3], [sflag:s2] =	dma.local @!p0 [hbm:s0], s1  }
0x12f: {  	s0 =	simm.s32 @!p0 $0x3  }
0x130: {  	_ =	swait.ge @!p0 [sflag:s0], s1  }
0x131: {  	s1 =	ssub.s32 @!p0 $0x0, s1;
	[sflag:s0] =	ssyncset.done @!p0 $0x0  }
0x132: {  	[sflag:s0] =	ssyncadd.s32 @!p0 s1  }
0x133: {  	[bflag:$0x3] =	sbarrier.arrive $0xFFFF  }
0x134: {  	_ =	shalt  }

// kernel: scatter_offload_async_start
scs
__scs_entry_jumppad:
0x0: {  	(pc) =	sbr.rel $0x88, $3  }
0x1: {  	(tag) =	ssettag $0x0;
	lr =	simm.s32 $0x1  }
0x2: {  	[smem:$0x3F9E] =	sst lr;
	_ =	strace $0xD0000000  }
0x3: {  	_ = 	snop  }
0x4: {  	_ = 	snop  }
0x5: {  	_ = 	snop  }
0x6: {  	_ = 	snop  }
0x7: {  	_ = 	snop  }
__scs_overlays_trampoline_lowered:
0x8: {  	[smem:$0x3FAD] =	sst s0  }
0x9: {  	[smem:$0x3FAE] =	sst s1  }
0xa: {  	[smem:$0x3FAF] =	sst s2  }
0xb: {  	[smem:$0x3FB0] =	sst s3  }
0xc: {  	[smem:$0x3FB1] =	sst s4  }
0xd: {  	[smem:$0x3FB2] =	sst s5  }
0xe: {  	[smem:$0x3FB3] =	sst s6  }
0xf: {  	[smem:$0x3FB4] =	sst s7  }
0x10: {  	[smem:$0x3FB5] =	sst s8  }
0x11: {  	[smem:$0x3FB6] =	sst s9;
	s0 =	simm.s32 @!p0 $0x0  }
0x12: {  	s1 =	sld [smem:$0x3F9C];
	s0 =	simm.s32 @p0 $0x1  }
0x13: {  	[smem:$0x3FB7] =	sst s0;
	s0 =	simm.s32 @!p1 $0x0  }
0x14: {  	s2 =	sld [smem:$0x3F9B];
	s0 =	simm.s32 @p1 $0x1  }
0x15: {  	[smem:$0x3FB8] =	sst s0;
	s0 =	simm.s32 @!p2 $0x0  }
0x16: {  	s3 =	sld [smem:$0x3FDB];
	s0 =	simm.s32 @p2 $0x1  }
0x17: {  	s4 =	simm.s32 $0x1BF5;
	[smem:$0x3FBA] =	sst s0  }
0x18: {  	s0 =	sld [smem:$0x3F9D];
	_ =	swait.ge [sflag:s4], $0x0  }
0x19: {  	s7 =	sld [smem:$0x3F9E]  }
0x1a: {  	s8 =	sadd.s32 $0xFFFFE003, lr  }
0x1b: {  	s9 =	sadd.s32 $0xFFFFFEF7, lr;
	s5 =	simm.s32 $0xFFFFFFFF;
	p2 =	slt.u32 s8, $0xFFFFF086  }
0x1c: {  	p1 =	slt.u32 s9, $0xF7A;
	s5 =	simm.s32 @!p2 $0x0  }
0x1d: {  	s5 =	simm.s32 @p1 $0x1;
	p0 =	seq.s32 s7, s2  }
0x1e: {  	s7 =	smul.u32 @!p0 $0xF7A, s2;
	p2 =	seq.s32 @!p0 s5, $0x0  }
0x1f: {  	s9 =	smul.u32 $0xF7A, s1;
	s8 =	simm.s32 @!p0 $0x1BF5;
	p2 =	por !p2, p0  }
0x20: {  	[sflag:s8] =	ssyncset.s32 @!p0 $0xFFFFF086;
	s6 =	sadd.s32 @!p0 s3, s7;
	s7 =	simm.s32 @!p0 $0x108  }
0x21: {  	s3 =	sadd.s32 s3, s9;
	s6 =	sadd.s32 @!p0 $0x88, s6;
	s7 =	simm.s32 @p2 $0x1082  }
0x22: {  	[simem:s7], [sflag:s8] =	dma.local @!p0 [hbm:s6], $0xF7A  }
0x23: {  	s9 =	sor.u32 $0xD0000000, s2;
	s6 =	simm.s32 $0x108;
	_ =	swait.ge @!p0 [sflag:s8], $0x0  }
0x24: {  	s3 =	sadd.s32 $0x88, s3;
	s6 =	simm.s32 @!p1 $0x1082;
	[sflag:s4] =	ssyncset.s32 $0xFFFFF086  }
0x25: {  	[simem:s6], [sflag:s4] =	dma.local [hbm:s3], $0xF7A  }
0x26: {  	[smem:$0x3F9E] =	sst s1;
	(tag) =	ssettag s2;
	_ =	strace s9  }
0x27: {  	s1 =	sld [smem:$0x3FAE]  }
0x28: {  	s2 =	sld [smem:$0x3FAF]  }
0x29: {  	s4 =	sld [smem:$0x3FB1]  }
0x2a: {  	p0 =	seq.s32 s5, $0x0;
	s5 =	sld [smem:$0x3FB2]  }
0x2b: {  	s6 =	sld [smem:$0x3FB3]  }
0x2c: {  	s7 =	sld [smem:$0x3FB4]  }
0x2d: {  	s3 =	simm.s32 $0x108;
	s8 =	sld [smem:$0x3FB5]  }
0x2e: {  	s3 =	simm.s32 @!p0 $0x1082;
	s9 =	sld [smem:$0x3FB6]  }
0x2f: {  	lr =	sadd.s32 s0, s3;
	s0 =	sld [smem:$0x3FAD]  }
0x30: {  	s3 =	sld [smem:$0x3FB0]  }
0x31: {  	[smem:$0x3FB9] =	sst s10  }
0x32: {  	s10 =	sld [smem:$0x3FB7];
	_ =	sdelay $0x3  }
0x33: {  	p0 =	seq.s32 s10, $0x1;
	s10 =	sld [smem:$0x3FB9];
	_ =	sdelay $0x3  }
0x34: {  	[smem:$0x3FB9] =	sst s10  }
0x35: {  	s10 =	sld [smem:$0x3FB8];
	_ =	sdelay $0x3  }
0x36: {  	p1 =	seq.s32 s10, $0x1;
	s10 =	sld [smem:$0x3FB9];
	_ =	sdelay $0x3  }
0x37: {  	[smem:$0x3FB9] =	sst s10  }
0x38: {  	s10 =	sld [smem:$0x3FBA]  }
0x39: {  	_ = 	snop;
	(pc) =	sbr.ind lr, $3  }
0x3a: {  	_ = 	snop  }
0x3b: {  	_ = 	snop  }
0x3c: {  	p2 =	seq.s32 s10, $0x1;
	s10 =	sld [smem:$0x3FB9]  }
0x3d: {  	_ =	shalt  }
0x3e: {  	_ =	shalt  }
0x3f: {  	_ =	shalt  }
0x40: {  	_ =	shalt  }
0x41: {  	_ =	shalt  }
0x42: {  	_ =	shalt  }
0x43: {  	_ =	shalt  }
0x44: {  	_ =	shalt  }
0x45: {  	_ =	shalt  }
0x46: {  	_ =	shalt  }
0x47: {  	_ =	shalt  }
0x48: {  	_ =	shalt  }
0x49: {  	_ =	shalt  }
0x4a: {  	_ =	shalt  }
0x4b: {  	_ =	shalt  }
0x4c: {  	_ =	shalt  }
0x4d: {  	_ =	shalt  }
0x4e: {  	_ =	shalt  }
0x4f: {  	_ =	shalt  }
0x50: {  	_ =	shalt  }
0x51: {  	_ =	shalt  }
0x52: {  	_ =	shalt  }
0x53: {  	_ =	shalt  }
0x54: {  	_ =	shalt  }
0x55: {  	_ =	shalt  }
0x56: {  	_ =	shalt  }
0x57: {  	_ =	shalt  }
0x58: {  	_ =	shalt  }
0x59: {  	_ =	shalt  }
0x5a: {  	_ =	shalt  }
0x5b: {  	_ =	shalt  }
0x5c: {  	_ =	shalt  }
0x5d: {  	_ =	shalt  }
0x5e: {  	_ =	shalt  }
0x5f: {  	_ =	shalt  }
0x60: {  	_ =	shalt  }
0x61: {  	_ =	shalt  }
0x62: {  	_ =	shalt  }
0x63: {  	_ =	shalt  }
0x64: {  	_ =	shalt  }
0x65: {  	_ =	shalt  }
0x66: {  	_ =	shalt  }
0x67: {  	_ =	shalt  }
0x68: {  	_ =	shalt  }
0x69: {  	_ =	shalt  }
0x6a: {  	_ =	shalt  }
0x6b: {  	_ =	shalt  }
0x6c: {  	_ =	shalt  }
0x6d: {  	_ =	shalt  }
0x6e: {  	_ =	shalt  }
0x6f: {  	_ =	shalt  }
0x70: {  	_ =	shalt  }
0x71: {  	_ =	shalt  }
0x72: {  	_ =	shalt  }
0x73: {  	_ =	shalt  }
0x74: {  	_ =	shalt  }
0x75: {  	_ =	shalt  }
0x76: {  	_ =	shalt  }
0x77: {  	_ =	shalt  }
0x78: {  	_ =	shalt  }
0x79: {  	_ =	shalt  }
0x7a: {  	_ =	shalt  }
0x7b: {  	_ =	shalt  }
0x7c: {  	_ =	shalt  }
0x7d: {  	_ =	shalt  }
0x7e: {  	_ =	shalt  }
0x7f: {  	_ =	shalt  }
0x80: {  	_ =	shalt  }
0x81: {  	_ =	shalt  }
0x82: {  	_ =	shalt  }
0x83: {  	_ =	shalt  }
0x84: {  	_ =	shalt  }
0x85: {  	_ =	shalt  }
0x86: {  	_ =	shalt  }
0x87: {  	_ =	shalt  }
.Lfunc_end0:
.L_simem_size_0:
called_computation_lowered:
.L_overlay_start_0:
0x88: {  	s0 =	sld [smem:$0x3FD9]  }
0x89: {  	s1 =	sld [smem:$0x3FFE];
	_ =	sdelay $0x3  }
0x8a: {  	s0 =	sadd.s32 s1, s0  }
0x8b: {  	[smem:$0x3FC5] =	sst s0  }
0x8c: {  	_ = 	snop  }
0x8d: {  	s0 =	sld [smem:$0x3FD0];
	(tm) =	ssettm $0x1  }
0x8e: {  	s16 =	sld [smem:$0x3FFB];
	_ =	sdelay $0x3  }
0x8f: {  	_ =	strace s16  }
0x90: {  	s1 =	sld [smem:$0x3FFC];
	_ =	sdelay $0x3  }
0x91: {  	_ =	strace s1  }
0x92: {  	s1 =	sld [smem:$0x3FFD];
	_ =	sdelay $0x3  }
0x93: {  	_ =	strace s1  }
0x94: {  	_ =	strace $0x8FFFFFFF  }
0x95: {  	s17 =	sld [smem:$0x3FDB];
	_ =	sdelay $0x1  }
0x96: {  	s2 =	simm.s32 $_scs_section_size  }
0x97: {  	s3 =	simm.s32 $_size__tile_overlayer_lowered;
	s4 =	simm.s32 $_tile_overlayer_lowered  }
0x98: {  	s20 =	simm.s32 $0x1BFF;
	s19 =	sshll.u32 s4, $0x1;
	s1 =	sadd.s32 s2, s17  }
0x99: {  	s5 =	simm.s32 $0x0;
	s18 =	sshll.u32 s3, $0x1;
	s3 =	sadd.s32 s19, s1  }
0x9a: {  	[timem:s5], [sflag:s20] =	dma.local [hbm:s3], s18  }
0x9b: {  	_ =	swait.ge [sflag:s20], s18  }
0x9c: {  	s2 =	ssub.s32 $0x0, s18;
	[sflag:s20] =	ssyncset.done $0x0  }
0x9d: {  	[sflag:s20] =	ssyncadd.s32 s2;
	_ =	sdelay $0x1  }
0x9e: {  	s21 =	simm.s32 $0x1B8B  }
0x9f: {  	_ =	swait.ge [sflag:s21], $0x1  }
0xa0: {  	[sflag:s21] =	ssyncset.done $0x0  }
0xa1: {  	s23 =	simm.s32 $0x1B8E;
	s22 =	sld [smem:$0x3FFE];
	[sflag:s21] =	ssyncadd.s32 $0xFFFFFFFF  }
0xa2: {  	s24 =	simm.s32 $execute0_lowered;
	[smem:$0x3FD2] =	sst s23  }
0xa3: {  	s3 =	sshll.u32 s24, $0x1;
	_ =	strace $0x80000046;
	[dreg:$0x1] =	wrdreg $0xFFFFFFFF  }
0xa4: {  	s25 =	simm.s32 $_size_execute0_lowered;
	s1 =	sadd.s32 s1, s3;
	[dreg:$0x0] =	wrdreg $0x0  }
0xa5: {  	s3 =	sshll.u32 s25, $0x1;
	[dreg:$0x2] =	wrdreg s1  }
0xa6: {  	[dreg:$0x3] =	wrdreg s3  }
0xa7: {  	[dreg:$0x4] =	wrdreg $0xC0  }
0xa8: {  	_ =	task [dreg:s5], $0x5FFFF  }
0xa9: {  	[dreg:$0x1] =	wrdreg $0xFFFFFFFF  }
0xaa: {  	[dreg:$0x0] =	wrdreg $0x60  }
0xab: {  	[dreg:$0x2] =	wrdreg s22  }
0xac: {  	[dreg:$0x3] =	wrdreg s0  }
0xad: {  	[dreg:$0x4] =	wrdreg $0x9  }
0xae: {  	_ =	task.clear_ibuf [dreg:s5], $0x5FFFF;
	_ =	strace $0x90000046  }
0xaf: {  	s26 =	simm.s32 $0x9;
	_ =	strace $0x80000048  }
0xb0: {  	_ =	swait.ge [sflag:s26], $0x1  }
0xb1: {  	[sflag:s26] =	ssyncadd.s32 $0xFFFFFFFF  }
0xb2: {  	_ =	strace $0x90000048  }
0xb3: {  	_ =	sfence  }
0xb4: {  	s28 =	sld [smem:$0x0];
	_ =	sdelay $0x1  }
0xb5: {  	s29 =	srdreg.scid  }
0xb6: {  	s30 =	sshll.u32 s29, $0xD;
	s31 =	sshrl.u32 s29, $0x2  }
0xb7: {  	s2 =	sand.u32 $0x4000, s30;
	s1 =	sand.u32 $0x1, s29;
	s0 =	sadd.s32 s31, s28  }
0xb8: {  	s1 =	sor.u32 s2, s1;
	s0 =	sshll.u32 s0, $0x11  }
0xb9: {  	s0 =	sor.u32 s0, s1  }
0xba: {  	s0 =	sadd.s32 $0x8F2B, s0  }
0xbb: {  	[sflag:s0] =	ssyncadd.remote.s32 $0x1  }
0xbc: {  	_ =	sfence.sel $0xFFFF  }
0xbd: {  	[dreg:$0x0] =	wrdreg $0xFFFFFFFF;
	(pc) =	sbr.abs _section_cstart, $3  }
0xbe: {  	[dreg:$0x1] =	wrdreg $0xFFFFFFFF  }
0xbf: {  	_ =	task.clear_ibuf [dreg:s5], $0x2FFFF;
	_ =	strace $0x9FFFFFFF  }
0xc0: {  	(tm) =	ssettm $0x7FFFFFFF  }
0xc1: {  	_ =	shalt  }
tec
execute0_lowered:
.L_overlay_start_1:
0x0: {  	(tag) =	ssettag $0x1  }
0x1: {  	s1 =	rddreg [dreg:$0x0];
	_ =	strace $0x80000047;
	s5 =	simm.s32 $0x1  }
0x2: {  	v1 =	vimm.s32 $0xFFFFFFFF;
	[sflag:s5] =	ssyncpa.u1 $0x0  }
0x3: {  	[tilespmem:$0x10] =	vst v1  }
0x4: {  	v0 =	vimm.f32 $0.0e+00;
	[tilespmem:$0x20] =	vst v1  }
0x5: {  	[tilespmem:$0x30] =	vst v0  }
0x6: {  	s0 =	simm.s32 $0x2;
	s2 =	stileid.u32;
	s6 =	simm.s32 $0x7;
	[tilespmem:$0x40] =	vst v0  }
0x7: {  	s8 =	simm.s32 $0x8;
	s31 =	simm.s32 $0x9;
	s14 =	simm.s32 $0x0;
	[tilespmem:$0x50] =	vst v0  }
0x8: {  	s15 =	simm.s32 $0x100;
	s16 =	simm.s32 $0x4700;
	s17 =	simm.s32 $0xEFF;
	[tilespmem:$0x60] =	vst v1  }
0x9: {  	s18 =	simm.s32 $0x10;
	s19 =	simm.s32 $0x7F00;
	s20 =	simm.s32 $0xF;
	[tilespmem:$0x70] =	vst v1  }
0xa: {  	s21 =	simm.s32 $0x50;
	s22 =	simm.s32 $0x38FF;
	s23 =	simm.s32 $0x20;
	[tilespmem:$0x80] =	vst v1  }
0xb: {  	s24 =	simm.s32 $0x30;
	s25 =	simm.s32 $0x70FF;
	s26 =	simm.s32 $0x80;
	v1 =	vimm.s32 $0x0;
	[tilespmem:$0xB0] =	vst v0  }
.Ltmp0:
0xc: {  	s30 =	simm.s32 $0x0;
	s29 =	simm.s32 $0x0;
	[tilespmem:$0x90] =	vst v1;
	(pc) =	sbr.rel .LBB2_1-.Ltmp0, $4  }
0xd: {  	s7 =	smul.u32 $0xE00, s2;
	s1 =	sadd.s32 $0x1C00, s1;
	[tilespmem:$0xA0] =	vst v1;
	[sflag:s0] =	ssyncpa.u1 $0x0  }
0xe: {  	s10 =	sshll.u32 s2, $0x1;
	s12 =	sshllo.u32 s2, $0x1;
	[sflag:s6] =	ssyncpa.u1 $0x0  }
0xf: {  	vm0 =	vmmov $0xffff;
	v2 =	vlaneseq.u32;
	s11 =	sor.u32 $0x81, s10;
	s13 =	sor.u32 $0x80, s10;
	[sflag:s8] =	ssyncpa.u1 $0x0  }
0x10: {  	vm1 =	vmxor vm1, vm1;
	vm2 =	vmmov $0x1;
	vm3 =	vcmask $0x3F3C;
	s9 =	sadd.s32 $0xE00, s7;
	s28 =	smov.u32 s7;
	[sflag:s31] =	ssyncpa.u1 $0x0  }
.LBB2_3:
0x11: {  	s0 =	sshrl.u32 s28, $0x3;
	s2 =	rddreg [dreg:$0x1]  }
0x12: {  	s31 =	sand.u32 $0x7, s28;
	s0 =	sadd.s32 s2, s0  }
0x13: {  	[tilespmem:s15], [sflag:$0x7] =	stream.linear.gather [hbm4b:s0+s31], $0xE00, $0x38;
	[tilespmem:$0x7F20] =	vst v63  }
.LBB2_4:
0x14: {  	s0 =	sadd.s32 $0xE00, s28  }
0x15: {  	s2 =	smov.u32 s7;
	s29 =	sadd.s32 $0x1, s29;
	p0 =	slt.s32 s0, s9  }
0x16: {  	s2 =	smov.u32 @p0 s0;
	p0 =	sne.s32 s29, $0x4  }
.Ltmp1:
0x17: {  	_ = 	snop;
	(pc) =	sbr.rel @!p0 .LBB2_13-.Ltmp1, $2  }
0x18: {  	_ =	sdelay $0x2  }
0x19: {  	s30 =	smov.u32 s28;
	s28 =	smov.u32 s2  }
.LBB2_1:
0x1a: {  	p0 =	sgt.s32 s29, $0x1  }
.Ltmp2:
0x1b: {  	_ = 	snop;
	(pc) =	sbr.rel @p0 .LBB2_11-.Ltmp2, $1  }
0x1c: {  	_ =	sdelay $0x3  }
0x1d: {  	p0 =	seq.s32 s29, $0x0  }
.Ltmp3:
0x1e: {  	_ = 	snop;
	(pc) =	sbr.rel @p0 .LBB2_3-.Ltmp3, $1  }
0x1f: {  	_ =	sdelay $0x3  }
0x20: {  	_ =	swait.ge [sflag:s6], $0xE00  }
0x21: {  	[sflag:s6] =	ssyncset.done $0x0  }
0x22: {  	[sflag:s6] =	ssyncadd.s32 $0xFFFFF200;
	(ifvalue) =	ssetifvalue $0xFFFFFFFF;
	v3 =	vld.msk [tilespmem:s15+$0x0 ss:$0x1], $0xffff;
	_ =	sdelay $0x4  }
0x23: {  	v4 =	vperm.xlane v3, v1  }
0x24: {  	vm4 =	vlt.u32 v3, $0x800000  }
0x25: {  	v3 =	vnsel vm4, $0xFFFFFFFE, v3;
	vm4 =	vlt.u32 v4, $0x800000  }
0x26: {  	[tilespmem:$0x70] =	vst v3;
	v3 =	vnsel vm4, $0xFFFFFFFE, v4  }
0x27: {  	s4 =	simm.s32 $0xEF0;
	[tilespmem:$0x80] =	vst v3  }
0x28: {  	v3 =	vld.msk [tilespmem:s4+$0x0 ss:$0x1], $0xffff;
	_ =	sdelay $0x4  }
0x29: {  	(xrf1) =	vunique.msk.u32 $0xffff, v3;
	_ =	sdelay $0xd  }
0x2a: {  	v4 =	vimm.s32 $0xFFFFFFFF;
	v5, _, _ =	vpop (xrf1)  }
0x2b: {  	vm5 =	vne.s32 v3, v4;
	vm4 =	veq.s32 v5, v2  }
0x2c: {  	vm6 =	vlt.u32 v3, $0x800000;
	vm4 =	vmand vm5, vm4  }
0x2d: {  	vm4 =	vmand vm6, vm4  }
0x2e: {  	v4 =	vnsel vm4, $0xFFFFFFFF, v3;
	_ =	sdelay $0x3  }
0x2f: {  	s0 =	simm.s32 $0x38F0;
	(ifvalue) =	ssetifvalue $0xFFFFFFFF  }
0x30: {  	v3 =	vperm.xlane v3, v1;
	[tilespmem:s0], [sflag:$0x8] =	stream.indirect_vreg.gather [hbm4b:s1+s14], $0x1, v4, vm0, $0x4038;
	v4 =	vnsel vm6, $0xFFFFFFFE, v4;
	[tilespmem:$0x7F20] =	vst v63  }
0x31: {  	s2 =	simm.s32 $0x0;
	s3 =	simm.s32 $0xEE0;
	[tilespmem:s4+$0x0] =	vst v4  }
.LBB2_6:
0x32: {  	v4 =	vld.msk [tilespmem:s3+$0x0 ss:$0x1], $0xffff;
	s2 =	sadd.s32 $0x10, s2;
	v5 =	vmov v3;
	s4 =	smov.u32 s3  }
0x33: {  	p0 =	slt.u32 s2, $0xDF0;
	_ =	sdelay $0x4  }
0x34: {  	v3 =	vperm.xlane v4, v1;
	(xrf1) =	vunique.msk.u32 $0xffff, v4;
	_ =	sdelay $0xd  }
0x35: {  	v6, _, _ =	vpop (xrf1)  }
0x36: {  	vm5 =	vne.s32 v4, v5;
	vm4 =	veq.s32 v6, v2  }
0x37: {  	vm6 =	vlt.u32 v4, $0x800000;
	vm4 =	vmand vm5, vm4  }
0x38: {  	vm4 =	vmand vm6, vm4  }
0x39: {  	v4 =	vnsel vm4, $0xFFFFFFFF, v4  }
.Ltmp4:
0x3a: {  	v5 =	vnsel vm6, $0xFFFFFFFE, v4;
	(pc) =	sbr.rel @p0 .LBB2_6-.Ltmp4, $3  }
0x3b: {  	_ =	sdelay $0x1  }
0x3c: {  	s3 =	sadd.s32 $0xFFFFFFF0, s3;
	s0 =	sadd.s32 $0xFFFFFFF0, s0;
	(ifvalue) =	ssetifvalue $0xFFFFFFFF  }
0x3d: {  	[tilespmem:s0], [sflag:$0x8] =	stream.indirect_vreg.gather [hbm4b:s1+s14], $0x1, v4, vm0, $0x4038;
	[tilespmem:s4+$0x0] =	vst v5  }
.Ltmp5:
0x3e: {  	(pc) =	sbr.rel .LBB2_4-.Ltmp5, $4  }
0x3f: {  	_ = 	snop  }
0x40: {  	s0 =	sshrl.u32 s30, $0x3;
	s2 =	rddreg [dreg:$0x0]  }
0x41: {  	s0 =	sadd.s32 s2, s0  }
0x42: {  	[tilespmem:s16], [sflag:$0x8] =	stream.linear.gather [hbm:s0], $0xE00, $0x38;
	[tilespmem:$0x7F20] =	vst v63  }
.LBB2_11:
0x43: {  	p0 =	seq.s32 s29, $0x2  }
.Ltmp6:
0x44: {  	_ = 	snop;
	(pc) =	sbr.rel @!p0 .LBB2_12-.Ltmp6, $1  }
0x45: {  	_ =	sdelay $0x3  }
0x46: {  	_ =	swait.ge [sflag:s8], $0x1C00  }
0x47: {  	[sflag:s8] =	ssyncset.done $0x0  }
0x48: {  	[sflag:s8] =	ssyncadd.s32 $0xFFFFE400  }
0x49: {  	[spmem:s11] =	stream.linear.scatter [tilespmem:s17], [sflag:$0x1], $0x1, $0x38;
	[tilespmem:$0x7F20] =	vst v63  }
0x4a: {  	_ =	swait.ge [sflag:s5], $0x1  }
0x4b: {  	[sflag:s5] =	ssyncset.done $0x0  }
0x4c: {  	[sflag:s5] =	ssyncadd.s32 $0xFFFFFFFF  }
0x4d: {  	v4 =	vld [tilespmem:$0x10]  }
0x4e: {  	v5 =	vld [tilespmem:$0x70]  }
0x4f: {  	v3 =	vld [tilespmem:$0x80];
	_ =	sdelay $0x2  }
0x50: {  	(v2sf) =	vpush v4, $0x0  }
0x51: {  	(v2sf) =	vpush v5, $0x0  }
0x52: {  	(v2sf) =	vpush v3, $0x0;
	_ =	sdelay $0xc  }
0x53: {  	s0 =	spop (v2sf)  }
0x54: {  	s2 =	spop (v2sf)  }
0x55: {  	s30 =	spop (v2sf)  }
0x56: {  	p0 =	seq.s32 s0, s2;
	p1 =	seq.s32 s30, s0  }
0x57: {  	p1 =	por p0, p1  }
0x58: {  	v4 =	vpsel p1, $0xFFFFFFFF, v4  }
0x59: {  	[tilespmem:s18+$0x0] =	vst.msk $0x1, v4  }
0x5a: {  	v4 =	vld [tilespmem:$0x30]  }
0x5b: {  	v5 =	vld [tilespmem:$0x4700]  }
0x5c: {  	v6 =	vld [tilespmem:$0x40];
	_ =	sdelay $0x3  }
0x5d: {  	vm4 =	vmmov vm1;
	v5 =	vadd.f32 v5, v4  }
0x5e: {  	vm5 =	vmmov vm2;
	s31 =	simm.s32 $0x4700;
	vm4 =	vmmov @p0 vm2;
	v4 =	vadd.f32 v6, v4  }
0x5f: {  	vm5 =	vmmov @p1 vm1;
	[tilespmem:s31+$0x0] =	vst.msk vm4, v5  }
0x60: {  	[tilespmem:s19+$0x0] =	vst.msk vm5, v4  }
0x61: {  	v4 =	vld [tilespmem:$0x38F0];
	_ =	sdelay $0x3  }
0x62: {  	v5 =	vimm.f32 $0.0e+00  }
0x63: {  	v4 =	vshift.insert v4, v5, s20;
	_ =	sdelay $0x1  }
0x64: {  	[tilespmem:s21+$0x0] =	vst.msk $0x1, v4  }
0x65: {  	[tilespmem:s22+$0x0] =	vst.msk $0x1, v5  }
0x66: {  	v4 =	vld [tilespmem:$0xEF0];
	_ =	sdelay $0x4  }
0x67: {  	v4 =	vshift.insert v4, v1, s20;
	_ =	sdelay $0x1  }
0x68: {  	[tilespmem:s23+$0x0] =	vst.msk $0x1, v4  }
0x69: {  	s4 =	simm.s32 $0x100;
	v6 =	vld [tilespmem:s31+$0x0]  }
0x6a: {  	v7 =	vld [tilespmem:s4+$0x0];
	_ =	sdelay $0x3  }
0x6b: {  	v5 =	vadd.f32 v6, v5  }
0x6c: {  	vm4 =	vne.s32 v7, $0xFFFFFFFF  }
0x6d: {  	(xrf2) =	vadd.seg.scan.f32 vm4, v5;
	_ =	sdelay $0x3  }
0x6e: {  	s0 =	simm.s32 $0x2B00;
	v5 =	vperm.xlane v4, v1  }
0x6f: {  	v6 =	vld [tilespmem:s0+$0x0]  }
0x70: {  	vm5 =	veq.s32 v7, v3;
	vm6 =	veq.s32 v7, v5  }
0x71: {  	vm7 =	vgt.u32 v7, $0xFFFFFFFD;
	vm6 =	vmor vm6, vm5  }
0x72: {  	vm6 =	vmor vm6, vm7  }
0x73: {  	v9 =	vld [tilespmem:$0xA0];
	v7 =	vsel vm6, $0xFFFFFFFF, v7  }
0x74: {  	v10 =	vld [tilespmem:$0x90];
	v6 =	vsel vm5, $0x0, v6;
	v8, _, _ =	vpop (xrf2)  }
0x75: {  	v6 =	vadd.f32 v8, v6  }
0x76: {  	s2 =	simm.s32 $0x6300  }
0x77: {  	vm4 =	vmand vm4, vm3;
	[tilespmem:s2+$0x0] =	vst v6;
	(ifvalue) =	ssetifvalue $0xFFFFFFFF  }
0x78: {  	vm6 =	veq.s32 v9, $0x1;
	[hbm4b:s1+s14] =	stream.indirect_vreg.scatter [tilespmem:s2], [sflag:$0x2], $0x1, v7, vm0, $0x4038;
	v7 =	vsel vm4, $0x0, v8;
	[tilespmem:$0x7F20] =	vst v63  }
0x79: {  	s3 =	simm.s32 $0x110;
	s4 =	simm.s32 $0x0;
	vm4 =	vmor vm6, vm5;
	v6 =	vsel vm5, v8, v10;
	v7 =	vshift.insert v7, v0, s20  }
.LBB2_9:
0x7a: {  	v8 =	vld [tilespmem:s3+$0x0];
	s31 =	sadd.s32 $0x10, s31  }
0x7b: {  	s0 =	sadd.s32 $0x10, s0;
	v9 =	vld [tilespmem:s31+$0x0]  }
0x7c: {  	s4 =	sadd.s32 $0x10, s4;
	v10 =	vld [tilespmem:s0+$0x0]  }
0x7d: {  	p0 =	slt.u32 s4, $0xDF0;
	_ =	sdelay $0x2  }
0x7e: {  	v7 =	vadd.f32 v9, v7  }
0x7f: {  	vm5 =	vne.s32 v8, $0xFFFFFFFF  }
0x80: {  	vm6 =	vmand vm5, vm3;
	(xrf2) =	vadd.seg.scan.f32 vm5, v7;
	_ =	sdelay $0x5  }
0x81: {  	vm7 =	veq.s32 v8, v5;
	vm5 =	veq.s32 v8, v3  }
0x82: {  	vm8 =	vgt.u32 v8, $0xFFFFFFFD;
	vm4 =	vmor vm4, vm5;
	vm7 =	vmor vm7, vm5  }
0x83: {  	vm7 =	vmor vm7, vm8  }
0x84: {  	v8 =	vsel vm7, $0xFFFFFFFF, v8  }
.Ltmp7:
0x85: {  	v7 =	vsel vm5, $0x0, v10;
	v9, _, _ =	vpop (xrf2);
	(pc) =	sbr.rel @p0 .LBB2_9-.Ltmp7, $4  }
0x86: {  	v6 =	vsel vm5, v9, v6;
	v10 =	vadd.f32 v9, v7;
	v7 =	vsel vm6, $0x0, v9  }
0x87: {  	s2 =	sadd.s32 $0x10, s2;
	v7 =	vshift.insert v7, v0, s20  }
0x88: {  	s3 =	sadd.s32 $0x10, s3;
	[tilespmem:s2+$0x0] =	vst v10;
	(ifvalue) =	ssetifvalue $0xFFFFFFFF  }
0x89: {  	[hbm4b:s1+s14] =	stream.indirect_vreg.scatter [tilespmem:s2], [sflag:$0x2], $0x1, v8, vm0, $0x4038;
	[tilespmem:$0x7F20] =	vst v63  }
0x8a: {  	v3 =	vld [tilespmem:$0x70F0];
	_ =	sdelay $0x4  }
0x8b: {  	v3 =	vshift.insert v3, v0, s20;
	_ =	sdelay $0x1  }
0x8c: {  	[tilespmem:s24+$0x0] =	vst.msk $0x1, v3  }
0x8d: {  	v3 =	vsel vm4, $0x1, v1;
	[tilespmem:$0x90] =	vst v6  }
0x8e: {  	[tilespmem:$0xA0] =	vst v3  }
0x8f: {  	[spmem:s12] =	stream.linear.scatter [tilespmem:s25], [sflag:$0x1], $0x1, $0x38;
	[tilespmem:$0x7F20] =	vst v63  }
0x90: {  	v3 =	vmctz.xlane vm4;
	_ =	swait.ge [sflag:s5], $0x1  }
0x91: {  	(v2sf) =	vpush v4, $0x0  }
0x92: {  	(v2sf) =	vpush v3, $0x0;
	_ =	sdelay $0xd  }
0x93: {  	s0 =	spop (v2sf)  }
0x94: {  	s2 =	spop (v2sf)  }
0x95: {  	[sflag:s5] =	ssyncset.done $0x0;
	p0 =	sne.s32 s30, s0;
	p1 =	slt.s32 s2, $0xF  }
0x96: {  	[sflag:s5] =	ssyncadd.s32 $0xFFFFFFFF;
	v3 =	vimm.s32 @!p0 $0xFFFFFFFF;
	s2 =	simm.s32 @!p1 $0xF  }
0x97: {  	[tilespmem:$0x80] =	vst @!p0 v3;
	s31 =	sadd.s32 $0x90, s2  }
0x98: {  	[spmem:s10] =	stream.linear.scatter [tilespmem:s31], [sflag:$0x1], $0x1, $0x38;
	[tilespmem:$0x7F20] =	vst v63  }
0x99: {  	_ =	swait.ge [sflag:s5], $0x1  }
0x9a: {  	[sflag:s5] =	ssyncset.done $0x0  }
0x9b: {  	[sflag:s5] =	ssyncadd.s32 $0xFFFFFFFF  }
0x9c: {  	[spmem:s13] =	stream.linear.scatter [tilespmem:s26], [sflag:$0x1], $0x1, $0x38;
	[tilespmem:$0x7F20] =	vst v63  }
0x9d: {  	_ =	swait.ge [sflag:s5], $0x1  }
0x9e: {  	[sflag:s5] =	ssyncset.done $0x0  }
0x9f: {  	[sflag:s5] =	ssyncadd.s32 $0xFFFFFFFF;
	(ifvalue) =	ssetifvalue $0xFFFFFFFF;
	v3 =	vld [tilespmem:$0x10];
	_ =	sdelay $0x3  }
.Ltmp8:
0xa0: {  	_ = 	snop;
	(pc) =	sbr.rel .LBB2_4-.Ltmp8, $3  }
0xa1: {  	_ =	sdelay $0x1  }
0xa2: {  	(ifvalue) =	ssetifvalue $0xFFFFFFFF  }
0xa3: {  	[hbm4b:s1+s14] =	stream.indirect_vreg.scatter [tilespmem:s19], [sflag:$0x9], $0x1, v3, vm0, $0x4038;
	[tilespmem:$0x7F20] =	vst v63  }
.LBB2_12:
0xa4: {  	s0 =	simm.s32 $0x2  }
0xa5: {  	_ =	swait.ge [sflag:s0], $0xE00  }
0xa6: {  	[sflag:s0] =	ssyncset.done $0x0  }
0xa7: {  	s31 =	simm.s32 $0x9;
	[sflag:s0] =	ssyncadd.s32 $0xFFFFF200  }
0xa8: {  	_ =	swait.ge [sflag:s31], $0x10  }
0xa9: {  	[sflag:s31] =	ssyncset.done $0x0  }
0xaa: {  	[sflag:s31] =	ssyncadd.s32 $0xFFFFFFF0  }
.LBB2_13:
0xab: {  	_ =	sfence.sel $0x180000  }
0xac: {  	s0 =	simm.s32 $0x7;
	[bflag:$0x0] =	sbarrier.arrive $0xFFFF  }
0xad: {  	s26 =	simm.s32 $0x8;
	[sflag:s0] =	ssyncpa.u1 $0x1  }
0xae: {  	s28 =	simm.s32 $0x9;
	[sflag:s26] =	ssyncpa.u1 $0x1  }
0xaf: {  	[sflag:s28] =	ssyncpa.u1 $0x1  }
0xb0: {  	_ =	sfence.stream.spmem  }
0xb1: {  	s29 =	simm.s32 $0x3;
	[bflag:$0x0] =	sbarrier.arrive $0xFFFF  }
0xb2: {  	s30 =	simm.s32 $0x4;
	[sflag:s29] =	ssyncpa.u1 $0x1  }
0xb3: {  	s31 =	simm.s32 $0x3C;
	s2 =	stileid.u32;
	[sflag:s30] =	ssyncpa.u1 $0x1  }
0xb4: {  	p0 =	sne.s32 s2, $0x0;
	[sflag:s31] =	ssyncpa.u1 $0x1  }
0xb5: {  	s0 =	simm.s32 @p0 $0x1;
	_ =	sfence @p0  }
0xb6: {  	[sflag:s0] =	ssyncpa.u1 @p0 $0x1;
	s0 =	simm.s32 @p0 $0x2  }
0xb7: {  	[sflag:s0] =	ssyncpa.u1 @p0 $0x1  }
0xb8: {  	_ =	strace @p0 $0x90000047  }
0xb9: {  	[bflag:$0x2] =	sbarrier.arrive @p0 $0xFFFF  }
0xba: {  	_ =	shalt @p0  }
.LBB2_14:
0xbb: {  	_ =	sfence.stream.spmem;
	s0 =	simm.s32 $0x5  }
0xbc: {  	s2 =	simm.s32 $0x80;
	s3 =	simm.s32 $0xC0;
	[sflag:s0] =	ssyncpa.u1 $0x0  }
0xbd: {  	[tilespmem:s3], [sflag:$0x5] =	stream.linear.gather [spmem:s2], $0x20, $0x38;
	[tilespmem:$0x7F20] =	vst v63  }
0xbe: {  	s2 =	simm.s32 $0x0;
	s3 =	simm.s32 $0xE0  }
0xbf: {  	[tilespmem:s3], [sflag:$0x5] =	stream.linear.gather [spmem:s2], $0x20, $0x38;
	[tilespmem:$0x7F20] =	vst v63  }
.Ltmp9:
0xc0: {  	_ = 	snop;
	(pc) =	sbr.rel .LBB2_15-.Ltmp9, $4  }
0xc1: {  	_ =	swait.ge [sflag:s0], $0x40  }
0xc2: {  	[sflag:s0] =	ssyncset.done $0x0  }
0xc3: {  	s31 =	simm.s32 $0x6;
	[sflag:s0] =	ssyncadd.s32 $0xFFFFFFC0  }
0xc4: {  	s4 =	simm.s32 $0x0;
	[sflag:s31] =	ssyncpa.u1 $0x0  }
.LBB2_20:
0xc5: {  	p0 =	sgt.u32 s0, $0x7FFFFF  }
0xc6: {  	s5 =	sshrl.u32 @!p0 s0, $0x3  }
0xc7: {  	s0 =	sand.u32 @!p0 $0x7, s0;
	s6 =	simm.s32 @!p0 $0xB0;
	s5 =	sadd.s32 @!p0 s1, s5  }
0xc8: {  	[tilespmem:s6], [sflag:$0x6] =	stream.linear.gather @!p0 [hbm4b:s5+s0], $0x1, $0x38;
	[tilespmem:$0x7F20] =	vst v63  }
0xc9: {  	s0 =	simm.s32 @!p0 $0x6  }
0xca: {  	_ =	swait.ge @!p0 [sflag:s0], $0x1  }
0xcb: {  	[sflag:s0] =	ssyncset.done @!p0 $0x0  }
0xcc: {  	[sflag:s0] =	ssyncadd.s32 @!p0 $0xFFFFFFFF  }
0xcd: {  	v2 =	vmov @!p0 s4;
	v1 =	vld.msk @!p0 [tilespmem:$0xB0], $0x1;
	_ =	sdelay $0x3  }
0xce: {  	s0 =	simm.s32 @!p0 $0xE0  }
0xcf: {  	[tilespmem:v2+s0+$0x0], v1 =	vst.idx.ret.add.f32.msk @!p0 $0x1, v1  }
0xd0: {  	[tilespmem:s2+$0xC0] =	vst.msk $0x1, v0  }
0xd1: {  	v0 =	vld.msk [tilespmem:s4+$0xE0], $0x1;
	_ =	sdelay $0x4  }
0xd2: {  	[tilespmem:s2+$0xE0] =	vst.msk $0x1, v0;
	s2 =	sadd.s32 $0x1, s2  }
.LBB2_22:
0xd3: {  	s4 =	sadd.s32 $0x1, s4  }
0xd4: {  	p0 =	sne.s32 s4, $0x20  }
.Ltmp10:
0xd5: {  	_ = 	snop;
	(pc) =	sbr.rel @!p0 .LBB2_23-.Ltmp10, $1  }
0xd6: {  	_ =	sdelay $0x3  }
.LBB2_15:
0xd7: {  	v0 =	vld.msk [tilespmem:s4+$0xC0], $0x1;
	_ =	sdelay $0x4  }
0xd8: {  	(v2sf) =	vpush v0, $0x0;
	_ =	sdelay $0xe  }
0xd9: {  	s0 =	spop (v2sf)  }
0xda: {  	p0 =	seq.s32 s0, $0xFFFFFFFF  }
.Ltmp11:
0xdb: {  	_ = 	snop;
	(pc) =	sbr.rel @p0 .LBB2_22-.Ltmp11, $1  }
0xdc: {  	_ =	sdelay $0x3  }
0xdd: {  	p0 =	slt.s32 s2, $0x1  }
.Ltmp12:
0xde: {  	_ = 	snop;
	(pc) =	sbr.rel @p0 .LBB2_20-.Ltmp12, $1  }
0xdf: {  	_ =	sdelay $0x3  }
0xe0: {  	s5 =	simm.s32 $0xC0;
	p0 =	por $0x0, $0x0  }
0xe1: {  	v1 =	vld.msk @!p0 [tilespmem:s5+$0x0], $0x1;
	_ =	sdelay $0x4  }
0xe2: {  	(v2sf) =	vpush @!p0 v1, $0x0;
	_ =	sdelay $0xd  }
0xe3: {  	p2 =	sne.s32 s2, $0x1  }
.Ltmp13:
0xe4: {  	s6 =	spop @!p0 (v2sf);
	(pc) =	sbr.rel @!p2 .LBB2_19-.Ltmp13, $4  }
0xe5: {  	p1 =	seq.s32 @!p0 s0, s6  }
0xe6: {  	s6 =	simm.s32 $0x0;
	p1 =	por !p1, p0  }
0xe7: {  	s8 =	simm.s32 $0xFFFFFFFF;
	s6 =	simm.s32 @p1 $0xFFFFFFFF  }
0xe8: {  	s7 =	simm.s32 $0x1;
	s6 =	smov.u32 @p0 s8  }
.LBB2_18:
0xe9: {  	s8 =	smov.u32 s6;
	p0 =	sne.s32 s6, $0xFFFFFFFF  }
0xea: {  	s5 =	sadd.s32 $0x1, s5;
	s6 =	smov.u32 s7;
	s7 =	sadd.s32 $0x1, s7  }
0xeb: {  	p1 =	sne.s32 s2, s7;
	v1 =	vld.msk @!p0 [tilespmem:s5+$0x0], $0x1;
	_ =	sdelay $0x4  }
0xec: {  	(v2sf) =	vpush @!p0 v1, $0x0;
	_ =	sdelay $0xe  }
.Ltmp14:
0xed: {  	s9 =	spop @!p0 (v2sf);
	(pc) =	sbr.rel @p1 .LBB2_18-.Ltmp14, $4  }
0xee: {  	p2 =	seq.s32 @!p0 s0, s9  }
0xef: {  	p2 =	por !p2, p0  }
0xf0: {  	s6 =	simm.s32 @p2 $0xFFFFFFFF  }
0xf1: {  	s6 =	smov.u32 @p0 s8  }
.LBB2_19:
0xf2: {  	p0 =	sne.s32 s6, $0xFFFFFFFF  }
.Ltmp15:
0xf3: {  	_ = 	snop;
	(pc) =	sbr.rel @!p0 .LBB2_20-.Ltmp15, $1  }
0xf4: {  	_ =	sdelay $0x3  }
0xf5: {  	v0 =	vld.msk [tilespmem:s4+$0xE0], $0x1;
	v1 =	vmov s6  }
.Ltmp16:
0xf6: {  	_ = 	snop;
	(pc) =	sbr.rel .LBB2_22-.Ltmp16, $2  }
0xf7: {  	_ =	sdelay $0x2  }
0xf8: {  	[tilespmem:v1+s3+$0x0], v0 =	vst.idx.ret.add.f32.msk $0x1, v0  }
.LBB2_23:
0xf9: {  	p0 =	slt.s32 s2, $0x1  }
.Ltmp17:
0xfa: {  	_ = 	snop;
	(pc) =	sbr.rel @p0 .LBB2_27-.Ltmp17, $3  }
0xfb: {  	_ =	sdelay $0x1  }
0xfc: {  	s0 =	simm.s32 $0x6  }
0xfd: {  	[sflag:s0] =	ssyncpa.u1 $0x1;
	s0 =	simm.s32 $0x0  }
0xfe: {  	s3 =	simm.s32 $0xC0  }
0xff: {  	v0 =	vld.msk [tilespmem:s3+$0x0], $0x1;
	_ =	sdelay $0x4  }
0x100: {  	(v2sf) =	vpush v0, $0x0;
	_ =	sdelay $0xe  }
0x101: {  	s2 =	sadd.s32 $0xFFFFFFFF, s2;
	s4 =	spop (v2sf)  }
0x102: {  	p1 =	sne.s32 s2, $0x0;
	p0 =	sgt.u32 s4, $0x7FFFFF  }
.Ltmp18:
0x103: {  	s5 =	sshrl.u32 @!p0 s4, $0x3;
	(pc) =	sbr.rel @!p1 .LBB2_26-.Ltmp18, $4  }
0x104: {  	s3 =	simm.s32 $0xE0;
	s4 =	sand.u32 @!p0 $0x7, s4;
	s5 =	sadd.s32 @!p0 s1, s5  }
0x105: {  	[hbm4b:s5+s4] =	stream.linear.scatter @!p0 [tilespmem:s3], [sflag:$0x5], $0x1, $0x38;
	[tilespmem:$0x7F20] =	vst v63  }
0x106: {  	s5 =	simm.s32 $0x0  }
0x107: {  	s4 =	simm.s32 $0xC1;
	s5 =	simm.s32 @!p0 $0x4  }
.LBB2_25:
0x108: {  	v0 =	vld.msk [tilespmem:s4+$0x0], $0x1;
	s2 =	sadd.s32 $0xFFFFFFFF, s2;
	s0 =	sadd.s32 s0, s5  }
0x109: {  	p0 =	sne.s32 s2, $0x0;
	_ =	sdelay $0x3  }
0x10a: {  	(v2sf) =	vpush v0, $0x0;
	_ =	sdelay $0xe  }
.Ltmp19:
0x10b: {  	s6 =	spop (v2sf);
	(pc) =	sbr.rel @p0 .LBB2_25-.Ltmp19, $4  }
0x10c: {  	s5 =	simm.s32 $0x0;
	p1 =	sgt.u32 s6, $0x7FFFFF  }
0x10d: {  	s3 =	sadd.s32 $0x1, s3;
	s5 =	simm.s32 @!p1 $0x4;
	s7 =	sshrl.u32 @!p1 s6, $0x3  }
0x10e: {  	s4 =	sadd.s32 $0x1, s4;
	s6 =	sand.u32 @!p1 $0x7, s6;
	s7 =	sadd.s32 @!p1 s1, s7  }
0x10f: {  	[hbm4b:s7+s6] =	stream.linear.scatter @!p1 [tilespmem:s3], [sflag:$0x5], $0x1, $0x38;
	[tilespmem:$0x7F20] =	vst v63  }
.LBB2_26:
0x110: {  	s0 =	sadd.s32 s0, s5  }
0x111: {  	s0 =	sshrl.u32 s0, $0x2  }
.LBB2_27:
0x112: {  	s1 =	simm.s32 $0x5  }
0x113: {  	_ =	swait.ge [sflag:s1], s0  }
0x114: {  	s28 =	ssub.s32 $0x0, s0;
	[sflag:s1] =	ssyncset.done $0x0  }
0x115: {  	[sflag:s1] =	ssyncadd.s32 s28  }
0x116: {  	[sflag:s1] =	ssyncpa.u1 $0x1  }
0x117: {  	s29 =	simm.s32 $0x1;
	_ =	sfence  }
0x118: {  	s30 =	simm.s32 $0x2;
	[sflag:s29] =	ssyncpa.u1 $0x1  }
0x119: {  	[sflag:s30] =	ssyncpa.u1 $0x1  }
0x11a: {  	_ =	strace $0x90000047  }
0x11b: {  	[bflag:$0x2] =	sbarrier.arrive $0xFFFF  }
0x11c: {  	s31 =	rddreg [dreg:$0x2]  }
0x11d: {  	s0 =	sadd.s32 $0x100000, s31  }
0x11e: {  	[sflag:s0] =	ssyncadd.tile.s32 $0x1;
	_ =	shalt  }
.Lfunc_end2:
_tile_overlayer_lowered:
.L_overlay_start_2:
0x11f: {  	(tag) =	ssettag $0x2  }
0x120: {  	s0 =	rddreg [dreg:$0x0];
	s2 =	stileid.u32  }
0x121: {  	s1 =	rddreg [dreg:$0x1];
	p0 =	sne.s32 s2, $0x0  }
0x122: {  	s3 =	rddreg [dreg:$0x2];
	[bflag:$0x3] =	sbarrier.arrive $0xFFFF;
	s2 =	simm.s32 @!p0 $0x1C01  }
0x123: {  	[timem:s3], [sflag:s2] =	dma.local @!p0 [hbm:s0], s1  }
0x124: {  	s0 =	simm.s32 @!p0 $0x1  }
0x125: {  	_ =	swait.ge @!p0 [sflag:s0], s1  }
0x126: {  	s1 =	ssub.s32 @!p0 $0x0, s1;
	[sflag:s0] =	ssyncset.done @!p0 $0x0  }
0x127: {  	[sflag:s0] =	ssyncadd.s32 @!p0 s1  }
0x128: {  	[bflag:$0x3] =	sbarrier.arrive $0xFFFF  }
0x129: {  	_ =	shalt  }

</sc_bundles>
